<compile_context>
chip_gen: v7x
topology: tpu7x:2x2x1
jax: 0.10.2.dev20260603
libtpu: 0.0.44.dev20260713+nightly
codegen_flags: <defaults>
</compile_context>

<pallas_src>
import functools

import jax
import jax.numpy as jnp
from jax import lax
from jax.experimental import pallas as pl
from jax.experimental.pallas import tpu as pltpu
from jax.experimental.pallas import tpu_sc as plsc

N = 10000
D = 128
H = 128
C = 40
G = 128
E = 320000

NC = 2
NS = 16
HF = H // NC
CH = 128
NCH = -(-E // (NS * CH))
EPW = NCH * CH
EPAD = NS * EPW
NBUF = 4
ACC_ROWS = 10240
RPT = ACC_ROWS // NS
ZR = 64


def _edge_agg_body(x_hbm, src_hbm, dst_hbm, out_hbm,
                   src_v, dst_v, rows, zbuf, acc_sh, *sems):
    c = lax.axis_index("c")
    s = lax.axis_index("s")
    gs = sems

    def _zrow(r, _):
        for k in range(HF // 16):
            zbuf[r, pl.ds(k * 16, 16)] = jnp.zeros((16,), jnp.float32)
        return 0
    lax.fori_loop(0, ZR, _zrow, 0)
    for r in range(RPT // ZR):
        pltpu.sync_copy(zbuf, acc_sh.at[pl.ds(s * RPT + r * ZR, ZR)])

    pltpu.sync_copy(src_hbm.at[s], src_v)
    pltpu.sync_copy(dst_hbm.at[s], dst_v)

    plsc.subcore_barrier()

    def _gather(j, k):
        pltpu.async_copy(x_hbm.at[c].at[src_v.at[j]], rows.at[k], gs[k])

    def _gwait(k):
        pltpu.make_async_copy(x_hbm.at[c].at[src_v.at[0]], rows.at[k],
                              gs[k]).wait()

    def _scat(j, k):
        pltpu.sync_copy(rows.at[k], acc_sh.at[dst_v.at[j]], add=True)

    for j in range(NBUF - 1):
        _gather(j, j)

    def _block(i, _):
        for k0 in range(NBUF):
            j = NBUF * i + k0
            _gwait(k0)
            _scat(j, k0)
            _gather(j + NBUF - 1, (k0 + NBUF - 1) % NBUF)
        return 0
    nsteady = (NCH - (NBUF - 1)) // NBUF
    lax.fori_loop(0, nsteady, _block, 0)
    for j in range(NBUF * nsteady, NCH):
        k = j % NBUF
        _gwait(k)
        _scat(j, k)
        if j + NBUF - 1 < NCH:
            _gather(j + NBUF - 1, (k + NBUF - 1) % NBUF)

    plsc.subcore_barrier()

    row0 = s * RPT

    @pl.when(s < NS - 1)
    def _():
        pltpu.sync_copy(acc_sh.at[pl.ds(row0, RPT)],
                        out_hbm.at[c, pl.ds(row0, RPT)])

    @pl.when(s == NS - 1)
    def _():
        pltpu.sync_copy(acc_sh.at[pl.ds((NS - 1) * RPT, N - (NS - 1) * RPT)],
                        out_hbm.at[c, pl.ds((NS - 1) * RPT, N - (NS - 1) * RPT)])


_edge_agg = functools.partial(
    pl.kernel,
    out_type=jax.ShapeDtypeStruct((NC, N, HF), jnp.float32),
    mesh=plsc.VectorSubcoreMesh(core_axis_name="c", subcore_axis_name="s"),
    scratch_types=[
        pltpu.VMEM((NCH, CH), jnp.int32),
        pltpu.VMEM((NCH, CH), jnp.int32),
        pltpu.VMEM((NBUF, CH, HF), jnp.float32),
        pltpu.VMEM((ZR, HF), jnp.float32),
        pltpu.VMEM_SHARED((ACC_ROWS, HF), jnp.float32),
    ] + [pltpu.SemaphoreType.DMA] * NBUF,
    compiler_params=pltpu.CompilerParams(use_tc_tiling_on_sc=False),
)(_edge_agg_body)


def _mlp_bn(xs, a, w1, b1, w2, b2, g, be):
    z = (jnp.concatenate([xs[0], xs[1]], axis=-1)
         + jnp.concatenate([a[0], a[1]], axis=-1))
    z = jnp.maximum(
        jnp.dot(z, w1, preferred_element_type=jnp.float32) + b1, 0.0)
    z = jnp.dot(z, w2, preferred_element_type=jnp.float32) + b2
    m = jnp.mean(z, axis=0, keepdims=True)
    d = z - m
    v = jnp.mean(d * d, axis=0, keepdims=True)
    return d * lax.rsqrt(v + 1e-5) * g + be


def _layer_body(x_ref, a_ref, w1_ref, b1_ref, w2_ref, b2_ref, g_ref, be_ref,
                o_ref):
    h = _mlp_bn(x_ref[...], a_ref[...], w1_ref[...], b1_ref[...], w2_ref[...],
                b2_ref[...], g_ref[...], be_ref[...])
    h = jnp.maximum(h, 0.0)
    o_ref[...] = jnp.stack([h[:, :HF], h[:, HF:]], axis=0)


def _final_body(x_ref, a_ref, w1_ref, b1_ref, w2_ref, b2_ref, g_ref, be_ref,
                batch_ref, wc_ref, bc_ref, o_ref):
    h = _mlp_bn(x_ref[...], a_ref[...], w1_ref[...], b1_ref[...], w2_ref[...],
                b2_ref[...], g_ref[...], be_ref[...])
    oh = (lax.broadcasted_iota(jnp.int32, (G, 1), 0)
          == batch_ref[...]).astype(jnp.float32)
    pooled = jnp.dot(oh, h, preferred_element_type=jnp.float32)
    o_ref[...] = (jnp.dot(pooled, wc_ref[...], preferred_element_type=jnp.float32)
                  + bc_ref[...])


_TC_PARAMS = pltpu.CompilerParams(vmem_limit_bytes=100 * 1024 * 1024)


def _layer_call(xs, agg, w1, b1, w2, b2, g, be):
    return pl.pallas_call(
        _layer_body,
        out_shape=jax.ShapeDtypeStruct((NC, N, HF), jnp.float32),
        compiler_params=_TC_PARAMS,
    )(xs, agg, w1, b1.reshape(1, H), w2, b2.reshape(1, H),
      g.reshape(1, H), be.reshape(1, H))


def _final_call(xs, agg, w1, b1, w2, b2, g, be, batch, wc, bc):
    return pl.pallas_call(
        _final_body,
        out_shape=jax.ShapeDtypeStruct((G, C), jnp.float32),
        compiler_params=_TC_PARAMS,
    )(xs, agg, w1, b1.reshape(1, H), w2, b2.reshape(1, H),
      g.reshape(1, H), be.reshape(1, H), batch.reshape(1, N), wc,
      bc.reshape(1, C))


def kernel(x, edge_index, batch, W1_0, b1_0, W2_0, b2_0, g_0, be_0,
           W1_1, b1_1, W2_1, b2_1, g_1, be_1, Wc, bc):
    src = edge_index[0]
    dst = edge_index[1]
    srcp = jnp.concatenate(
        [src, jnp.zeros((EPAD - E,), jnp.int32)]).reshape(NS, NCH, CH)
    dstp = jnp.concatenate(
        [dst, jnp.full((EPAD - E,), N, jnp.int32)]).reshape(NS, NCH, CH)
    xs = jnp.stack([x[:, :HF], x[:, HF:]], axis=0)

    agg0 = _edge_agg(xs, srcp, dstp)
    h1s = _layer_call(xs, agg0, W1_0, b1_0, W2_0, b2_0, g_0, be_0)
    agg1 = _edge_agg(h1s, srcp, dstp)
    return _final_call(h1s, agg1, W1_1, b1_1, W2_1, b2_1, g_1, be_1,
                       batch, Wc, bc)

# --- scband reference (transcript-rebuilt; emitter-appended) ---
"""Pipeline reference for scband-gin-60095182405865 (READ-ONLY COPY).

The authoritative reference and input builder live on the scoring server;
editing this copy changes nothing except your own understanding.
"""

import jax, jax.numpy as jnp
import numpy as np

N = 10000
E = 320000
D = 128
H = 128
C = 40
G = 128


def setup_inputs(seed: int = 0) -> dict:
    key = jax.random.key(seed)
    ks = jax.random.split(key, 20)
    x = jax.random.normal(ks[0], (N, D), dtype=jnp.float32)
    edge_index = jax.random.randint(ks[1], (2, E), 0, N, dtype=jnp.int32)
    batch = jnp.sort(jax.random.randint(ks[2], (N,), 0, G, dtype=jnp.int32))
    s1 = 1.0 / np.sqrt(D)
    s2 = 1.0 / np.sqrt(H)
    inp = {
        'x': x,
        'edge_index': edge_index,
        'batch': batch,
        'W1_0': jax.random.uniform(ks[3], (D, H), jnp.float32, -s1, s1),
        'b1_0': jax.random.uniform(ks[4], (H,), jnp.float32, -s1, s1),
        'W2_0': jax.random.uniform(ks[5], (H, H), jnp.float32, -s2, s2),
        'b2_0': jax.random.uniform(ks[6], (H,), jnp.float32, -s2, s2),
        'g_0': jnp.ones((H,), jnp.float32),
        'be_0': jnp.zeros((H,), jnp.float32),
        'W1_1': jax.random.uniform(ks[7], (H, H), jnp.float32, -s2, s2),
        'b1_1': jax.random.uniform(ks[8], (H,), jnp.float32, -s2, s2),
        'W2_1': jax.random.uniform(ks[9], (H, H), jnp.float32, -s2, s2),
        'b2_1': jax.random.uniform(ks[10], (H,), jnp.float32, -s2, s2),
        'g_1': jnp.ones((H,), jnp.float32),
        'be_1': jnp.zeros((H,), jnp.float32),
        'Wc': jax.random.uniform(ks[11], (H, C), jnp.float32, -s2, s2),
        'bc': jax.random.uniform(ks[12], (C,), jnp.float32, -s2, s2),
    }
    return inp


def _gin_layer(h, src, dst, W1, b1, W2, b2, g, be, relu):
    # GINConv with eps=0: h_i' = MLP(h_i + sum_{j->i} h_j)
    agg = jax.ops.segment_sum(h[src], dst, num_segments=N)
    z = h + agg
    z = jnp.maximum(z @ W1 + b1, 0.0)
    z = z @ W2 + b2
    # BatchNorm1d (training mode: biased batch statistics)
    mean = jnp.mean(z, axis=0)
    var = jnp.var(z, axis=0)
    z = (z - mean) / jnp.sqrt(var + 1e-5) * g + be
    if relu:
        z = jnp.maximum(z, 0.0)
    return z


def reference(x, edge_index, batch, W1_0, b1_0, W2_0, b2_0, g_0, be_0,
              W1_1, b1_1, W2_1, b2_1, g_1, be_1, Wc, bc):
    src = edge_index[0]
    dst = edge_index[1]
    h = _gin_layer(x, src, dst, W1_0, b1_0, W2_0, b2_0, g_0, be_0, relu=True)
    h = _gin_layer(h, src, dst, W1_1, b1_1, W2_1, b2_1, g_1, be_1, relu=False)
    pooled = jax.ops.segment_sum(h, batch, num_segments=G)
    logits = pooled @ Wc + bc
    return logits

if __name__ == "__main__":
    import jax
    _d = setup_inputs()
    print(jax.jit(kernel)(*tuple(_d.values())))

</pallas_src>

<mosaic_0001>
#map = affine_map<(d0, d1) -> (0, 0, 0)>
module attributes {stable_mosaic.version = 14 : i64} {
  func.func @_edge_agg_body(%arg0: i32, %arg1: i32, %arg2: memref<2x10000x64xf32, #tpu.memory_space<hbm>>, %arg3: memref<16x157x128xi32, #tpu.memory_space<hbm>>, %arg4: memref<16x157x128xi32, #tpu.memory_space<hbm>>, %arg5: memref<2x10000x64xf32, #tpu.memory_space<hbm>>, %arg6: memref<157x128xi32, #tpu.memory_space<vmem>>, %arg7: memref<157x128xi32, #tpu.memory_space<vmem>>, %arg8: memref<4x128x64xf32, #tpu.memory_space<vmem>>, %arg9: memref<64x64xf32, #tpu.memory_space<vmem>>, %arg10: memref<10240x64xf32, #tpu.memory_space<vmem_shared>>, %arg11: memref<!tpu.dma_semaphore, #tpu.memory_space<semaphore_mem>>, %arg12: memref<!tpu.dma_semaphore, #tpu.memory_space<semaphore_mem>>, %arg13: memref<!tpu.dma_semaphore, #tpu.memory_space<semaphore_mem>>, %arg14: memref<!tpu.dma_semaphore, #tpu.memory_space<semaphore_mem>>) attributes {dimension_semantics = [#tpu.dimension_semantics<core_parallel>, #tpu.dimension_semantics<subcore_parallel>], iteration_bounds = array<i64: 2, 16>, scalar_prefetch = 0 : i64, scratch_operands = 9 : i64, tpu.core_type = #tpu.core_type<sc_vector_subcore>, window_params = [{transform_indices = #map}, {transform_indices = #map}, {transform_indices = #map}, {transform_indices = #map}]} {
    %scan3A = arith.constant 0 : i32
    %scan3A_0 = arith.constant 0 : i32
    %scan3A_1 = arith.constant 64 : i32
    %scan3A_2 = arith.addi %scan3A_0, %scan3A_1 : i32
    %scan3A_3 = arith.constant 1 : i32
    %scan3A_4 = scf.for %scan3A_227 = %scan3A_0 to %scan3A_2 step %scan3A_3 iter_args(%scan3A_228 = %scan3A) -> (i32)  : i32 {
      %broadcast_in_dim3A = arith.constant 0.000000e+00 : f32
      %broadcast_in_dim3A_229 = vector.broadcast %broadcast_in_dim3A : f32 to vector<16xf32>
      %swap3A = arith.index_cast %scan3A_227 : i32 to index
      %swap3A_230 = arith.constant 0 : index
      %swap3A_231 = tpu.vector_load %arg9[%swap3A, %swap3A_230] {strides = array<i32>} : memref<64x64xf32, #tpu.memory_space<vmem>>, vector<1x16xf32>,
      %swap3A_232 = vector.shape_cast %swap3A_231 : vector<1x16xf32> to vector<16xf32>
      %swap3A_233 = vector.shape_cast %broadcast_in_dim3A_229 : vector<16xf32> to vector<1x16xf32>
      tpu.vector_store %arg9[%swap3A, %swap3A_230], %swap3A_233 {strides = array<i32>} : memref<64x64xf32, #tpu.memory_space<vmem>>, vector<1x16xf32>,
      %broadcast_in_dim3A_234 = arith.constant 0.000000e+00 : f32
      %broadcast_in_dim3A_235 = vector.broadcast %broadcast_in_dim3A_234 : f32 to vector<16xf32>
      %swap3A_236 = arith.index_cast %scan3A_227 : i32 to index
      %swap3A_237 = arith.constant 16 : index
      %swap3A_238 = tpu.vector_load %arg9[%swap3A_236, %swap3A_237] {strides = array<i32>} : memref<64x64xf32, #tpu.memory_space<vmem>>, vector<1x16xf32>,
      %swap3A_239 = vector.shape_cast %swap3A_238 : vector<1x16xf32> to vector<16xf32>
      %swap3A_240 = vector.shape_cast %broadcast_in_dim3A_235 : vector<16xf32> to vector<1x16xf32>
      tpu.vector_store %arg9[%swap3A_236, %swap3A_237], %swap3A_240 {strides = array<i32>} : memref<64x64xf32, #tpu.memory_space<vmem>>, vector<1x16xf32>,
      %broadcast_in_dim3A_241 = arith.constant 0.000000e+00 : f32
      %broadcast_in_dim3A_242 = vector.broadcast %broadcast_in_dim3A_241 : f32 to vector<16xf32>
      %swap3A_243 = arith.index_cast %scan3A_227 : i32 to index
      %swap3A_244 = arith.constant 32 : index
      %swap3A_245 = tpu.vector_load %arg9[%swap3A_243, %swap3A_244] {strides = array<i32>} : memref<64x64xf32, #tpu.memory_space<vmem>>, vector<1x16xf32>,
      %swap3A_246 = vector.shape_cast %swap3A_245 : vector<1x16xf32> to vector<16xf32>
      %swap3A_247 = vector.shape_cast %broadcast_in_dim3A_242 : vector<16xf32> to vector<1x16xf32>
      tpu.vector_store %arg9[%swap3A_243, %swap3A_244], %swap3A_247 {strides = array<i32>} : memref<64x64xf32, #tpu.memory_space<vmem>>, vector<1x16xf32>,
      %broadcast_in_dim3A_248 = arith.constant 0.000000e+00 : f32
      %broadcast_in_dim3A_249 = vector.broadcast %broadcast_in_dim3A_248 : f32 to vector<16xf32>
      %swap3A_250 = arith.index_cast %scan3A_227 : i32 to index
      %swap3A_251 = arith.constant 48 : index
      %swap3A_252 = tpu.vector_load %arg9[%swap3A_250, %swap3A_251] {strides = array<i32>} : memref<64x64xf32, #tpu.memory_space<vmem>>, vector<1x16xf32>,
      %swap3A_253 = vector.shape_cast %swap3A_252 : vector<1x16xf32> to vector<16xf32>
      %swap3A_254 = vector.shape_cast %broadcast_in_dim3A_249 : vector<16xf32> to vector<1x16xf32>
      tpu.vector_store %arg9[%swap3A_250, %swap3A_251], %swap3A_254 {strides = array<i32>} : memref<64x64xf32, #tpu.memory_space<vmem>>, vector<1x16xf32>,
      %scan3A_255 = arith.constant 0 : i32
      scf.yield %scan3A_255 : i32
    }
    %scan3A_5 = arith.constant 64 : i32
    %mul3A = arith.constant 640 : i32
    %mul3A_6 = arith.muli %arg1, %mul3A : i32
    %add3A = arith.constant 0 : i32
    %add3A_7 = arith.addi %mul3A_6, %add3A : i32
    "tpu.region"() ({
      %run_scoped3A_227 = tpu.sem_alloc : memref<!tpu.dma_semaphore, #tpu.memory_space<semaphore_mem>>
      %dma_start3A_228 = arith.constant 0 : i32
      %dma_start3A_229 = tpu.memref_slice %arg10[%add3A_7, %dma_start3A_228] : memref<10240x64xf32, #tpu.memory_space<vmem_shared>> -> memref<64x64xf32, #tpu.memory_space<vmem_shared>>
      %dma_start3A_230 = arith.constant 0 : i32
      %dma_start3A_231 = tpu.memref_slice %arg10[%add3A_7, %dma_start3A_230] : memref<10240x64xf32, #tpu.memory_space<vmem_shared>> -> memref<64x64xf32, #tpu.memory_space<vmem_shared>>
      tpu.enqueue_dma source(%arg9 : memref<64x64xf32, #tpu.memory_space<vmem>>) target(%dma_start3A_231 : memref<64x64xf32, #tpu.memory_space<vmem_shared>>) target_semaphore(%run_scoped3A_227 : memref<!tpu.dma_semaphore, #tpu.memory_space<semaphore_mem>>)
      %dma_wait3A_232 = arith.constant 0 : i32
      %dma_wait3A_233 = tpu.memref_slice %arg10[%add3A_7, %dma_wait3A_232] : memref<10240x64xf32, #tpu.memory_space<vmem_shared>> -> memref<64x64xf32, #tpu.memory_space<vmem_shared>>
      %dma_wait3A_234 = arith.constant 0 : i32
      %dma_wait3A_235 = tpu.memref_slice %arg10[%add3A_7, %dma_wait3A_234] : memref<10240x64xf32, #tpu.memory_space<vmem_shared>> -> memref<64x64xf32, #tpu.memory_space<vmem_shared>>
      tpu.wait_dma2 semaphore(%run_scoped3A_227 : memref<!tpu.dma_semaphore, #tpu.memory_space<semaphore_mem>>) src(%arg9 : memref<64x64xf32, #tpu.memory_space<vmem>>) dst(%dma_wait3A_235 : memref<64x64xf32, #tpu.memory_space<vmem_shared>>)
      tpu.yield
    }) : () -> ()
    %mul3A_8 = arith.constant 640 : i32
    %mul3A_9 = arith.muli %arg1, %mul3A_8 : i32
    %add3A_10 = arith.constant 64 : i32
    %add3A_11 = arith.addi %mul3A_9, %add3A_10 : i32
    "tpu.region"() ({
      %run_scoped3A_227 = tpu.sem_alloc : memref<!tpu.dma_semaphore, #tpu.memory_space<semaphore_mem>>
      %dma_start3A_228 = arith.constant 0 : i32
      %dma_start3A_229 = tpu.memref_slice %arg10[%add3A_11, %dma_start3A_228] : memref<10240x64xf32, #tpu.memory_space<vmem_shared>> -> memref<64x64xf32, #tpu.memory_space<vmem_shared>>
      %dma_start3A_230 = arith.constant 0 : i32
      %dma_start3A_231 = tpu.memref_slice %arg10[%add3A_11, %dma_start3A_230] : memref<10240x64xf32, #tpu.memory_space<vmem_shared>> -> memref<64x64xf32, #tpu.memory_space<vmem_shared>>
      tpu.enqueue_dma source(%arg9 : memref<64x64xf32, #tpu.memory_space<vmem>>) target(%dma_start3A_231 : memref<64x64xf32, #tpu.memory_space<vmem_shared>>) target_semaphore(%run_scoped3A_227 : memref<!tpu.dma_semaphore, #tpu.memory_space<semaphore_mem>>)
      %dma_wait3A_232 = arith.constant 0 : i32
      %dma_wait3A_233 = tpu.memref_slice %arg10[%add3A_11, %dma_wait3A_232] : memref<10240x64xf32, #tpu.memory_space<vmem_shared>> -> memref<64x64xf32, #tpu.memory_space<vmem_shared>>
      %dma_wait3A_234 = arith.constant 0 : i32
      %dma_wait3A_235 = tpu.memref_slice %arg10[%add3A_11, %dma_wait3A_234] : memref<10240x64xf32, #tpu.memory_space<vmem_shared>> -> memref<64x64xf32, #tpu.memory_space<vmem_shared>>
      tpu.wait_dma2 semaphore(%run_scoped3A_227 : memref<!tpu.dma_semaphore, #tpu.memory_space<semaphore_mem>>) src(%arg9 : memref<64x64xf32, #tpu.memory_space<vmem>>) dst(%dma_wait3A_235 : memref<64x64xf32, #tpu.memory_space<vmem_shared>>)
      tpu.yield
    }) : () -> ()
    %mul3A_12 = arith.constant 640 : i32
    %mul3A_13 = arith.muli %arg1, %mul3A_12 : i32
    %add3A_14 = arith.constant 128 : i32
    %add3A_15 = arith.addi %mul3A_13, %add3A_14 : i32
    "tpu.region"() ({
      %run_scoped3A_227 = tpu.sem_alloc : memref<!tpu.dma_semaphore, #tpu.memory_space<semaphore_mem>>
      %dma_start3A_228 = arith.constant 0 : i32
      %dma_start3A_229 = tpu.memref_slice %arg10[%add3A_15, %dma_start3A_228] : memref<10240x64xf32, #tpu.memory_space<vmem_shared>> -> memref<64x64xf32, #tpu.memory_space<vmem_shared>>
      %dma_start3A_230 = arith.constant 0 : i32
      %dma_start3A_231 = tpu.memref_slice %arg10[%add3A_15, %dma_start3A_230] : memref<10240x64xf32, #tpu.memory_space<vmem_shared>> -> memref<64x64xf32, #tpu.memory_space<vmem_shared>>
      tpu.enqueue_dma source(%arg9 : memref<64x64xf32, #tpu.memory_space<vmem>>) target(%dma_start3A_231 : memref<64x64xf32, #tpu.memory_space<vmem_shared>>) target_semaphore(%run_scoped3A_227 : memref<!tpu.dma_semaphore, #tpu.memory_space<semaphore_mem>>)
      %dma_wait3A_232 = arith.constant 0 : i32
      %dma_wait3A_233 = tpu.memref_slice %arg10[%add3A_15, %dma_wait3A_232] : memref<10240x64xf32, #tpu.memory_space<vmem_shared>> -> memref<64x64xf32, #tpu.memory_space<vmem_shared>>
      %dma_wait3A_234 = arith.constant 0 : i32
      %dma_wait3A_235 = tpu.memref_slice %arg10[%add3A_15, %dma_wait3A_234] : memref<10240x64xf32, #tpu.memory_space<vmem_shared>> -> memref<64x64xf32, #tpu.memory_space<vmem_shared>>
      tpu.wait_dma2 semaphore(%run_scoped3A_227 : memref<!tpu.dma_semaphore, #tpu.memory_space<semaphore_mem>>) src(%arg9 : memref<64x64xf32, #tpu.memory_space<vmem>>) dst(%dma_wait3A_235 : memref<64x64xf32, #tpu.memory_space<vmem_shared>>)
      tpu.yield
    }) : () -> ()
    %mul3A_16 = arith.constant 640 : i32
    %mul3A_17 = arith.muli %arg1, %mul3A_16 : i32
    %add3A_18 = arith.constant 192 : i32
    %add3A_19 = arith.addi %mul3A_17, %add3A_18 : i32
    "tpu.region"() ({
      %run_scoped3A_227 = tpu.sem_alloc : memref<!tpu.dma_semaphore, #tpu.memory_space<semaphore_mem>>
      %dma_start3A_228 = arith.constant 0 : i32
      %dma_start3A_229 = tpu.memref_slice %arg10[%add3A_19, %dma_start3A_228] : memref<10240x64xf32, #tpu.memory_space<vmem_shared>> -> memref<64x64xf32, #tpu.memory_space<vmem_shared>>
      %dma_start3A_230 = arith.constant 0 : i32
      %dma_start3A_231 = tpu.memref_slice %arg10[%add3A_19, %dma_start3A_230] : memref<10240x64xf32, #tpu.memory_space<vmem_shared>> -> memref<64x64xf32, #tpu.memory_space<vmem_shared>>
      tpu.enqueue_dma source(%arg9 : memref<64x64xf32, #tpu.memory_space<vmem>>) target(%dma_start3A_231 : memref<64x64xf32, #tpu.memory_space<vmem_shared>>) target_semaphore(%run_scoped3A_227 : memref<!tpu.dma_semaphore, #tpu.memory_space<semaphore_mem>>)
      %dma_wait3A_232 = arith.constant 0 : i32
      %dma_wait3A_233 = tpu.memref_slice %arg10[%add3A_19, %dma_wait3A_232] : memref<10240x64xf32, #tpu.memory_space<vmem_shared>> -> memref<64x64xf32, #tpu.memory_space<vmem_shared>>
      %dma_wait3A_234 = arith.constant 0 : i32
      %dma_wait3A_235 = tpu.memref_slice %arg10[%add3A_19, %dma_wait3A_234] : memref<10240x64xf32, #tpu.memory_space<vmem_shared>> -> memref<64x64xf32, #tpu.memory_space<vmem_shared>>
      tpu.wait_dma2 semaphore(%run_scoped3A_227 : memref<!tpu.dma_semaphore, #tpu.memory_space<semaphore_mem>>) src(%arg9 : memref<64x64xf32, #tpu.memory_space<vmem>>) dst(%dma_wait3A_235 : memref<64x64xf32, #tpu.memory_space<vmem_shared>>)
      tpu.yield
    }) : () -> ()
    %mul3A_20 = arith.constant 640 : i32
    %mul3A_21 = arith.muli %arg1, %mul3A_20 : i32
    %add3A_22 = arith.constant 256 : i32
    %add3A_23 = arith.addi %mul3A_21, %add3A_22 : i32
    "tpu.region"() ({
      %run_scoped3A_227 = tpu.sem_alloc : memref<!tpu.dma_semaphore, #tpu.memory_space<semaphore_mem>>
      %dma_start3A_228 = arith.constant 0 : i32
      %dma_start3A_229 = tpu.memref_slice %arg10[%add3A_23, %dma_start3A_228] : memref<10240x64xf32, #tpu.memory_space<vmem_shared>> -> memref<64x64xf32, #tpu.memory_space<vmem_shared>>
      %dma_start3A_230 = arith.constant 0 : i32
      %dma_start3A_231 = tpu.memref_slice %arg10[%add3A_23, %dma_start3A_230] : memref<10240x64xf32, #tpu.memory_space<vmem_shared>> -> memref<64x64xf32, #tpu.memory_space<vmem_shared>>
      tpu.enqueue_dma source(%arg9 : memref<64x64xf32, #tpu.memory_space<vmem>>) target(%dma_start3A_231 : memref<64x64xf32, #tpu.memory_space<vmem_shared>>) target_semaphore(%run_scoped3A_227 : memref<!tpu.dma_semaphore, #tpu.memory_space<semaphore_mem>>)
      %dma_wait3A_232 = arith.constant 0 : i32
      %dma_wait3A_233 = tpu.memref_slice %arg10[%add3A_23, %dma_wait3A_232] : memref<10240x64xf32, #tpu.memory_space<vmem_shared>> -> memref<64x64xf32, #tpu.memory_space<vmem_shared>>
      %dma_wait3A_234 = arith.constant 0 : i32
      %dma_wait3A_235 = tpu.memref_slice %arg10[%add3A_23, %dma_wait3A_234] : memref<10240x64xf32, #tpu.memory_space<vmem_shared>> -> memref<64x64xf32, #tpu.memory_space<vmem_shared>>
      tpu.wait_dma2 semaphore(%run_scoped3A_227 : memref<!tpu.dma_semaphore, #tpu.memory_space<semaphore_mem>>) src(%arg9 : memref<64x64xf32, #tpu.memory_space<vmem>>) dst(%dma_wait3A_235 : memref<64x64xf32, #tpu.memory_space<vmem_shared>>)
      tpu.yield
    }) : () -> ()
    %mul3A_24 = arith.constant 640 : i32
    %mul3A_25 = arith.muli %arg1, %mul3A_24 : i32
    %add3A_26 = arith.constant 320 : i32
    %add3A_27 = arith.addi %mul3A_25, %add3A_26 : i32
    "tpu.region"() ({
      %run_scoped3A_227 = tpu.sem_alloc : memref<!tpu.dma_semaphore, #tpu.memory_space<semaphore_mem>>
      %dma_start3A_228 = arith.constant 0 : i32
      %dma_start3A_229 = tpu.memref_slice %arg10[%add3A_27, %dma_start3A_228] : memref<10240x64xf32, #tpu.memory_space<vmem_shared>> -> memref<64x64xf32, #tpu.memory_space<vmem_shared>>
      %dma_start3A_230 = arith.constant 0 : i32
      %dma_start3A_231 = tpu.memref_slice %arg10[%add3A_27, %dma_start3A_230] : memref<10240x64xf32, #tpu.memory_space<vmem_shared>> -> memref<64x64xf32, #tpu.memory_space<vmem_shared>>
      tpu.enqueue_dma source(%arg9 : memref<64x64xf32, #tpu.memory_space<vmem>>) target(%dma_start3A_231 : memref<64x64xf32, #tpu.memory_space<vmem_shared>>) target_semaphore(%run_scoped3A_227 : memref<!tpu.dma_semaphore, #tpu.memory_space<semaphore_mem>>)
      %dma_wait3A_232 = arith.constant 0 : i32
      %dma_wait3A_233 = tpu.memref_slice %arg10[%add3A_27, %dma_wait3A_232] : memref<10240x64xf32, #tpu.memory_space<vmem_shared>> -> memref<64x64xf32, #tpu.memory_space<vmem_shared>>
      %dma_wait3A_234 = arith.constant 0 : i32
      %dma_wait3A_235 = tpu.memref_slice %arg10[%add3A_27, %dma_wait3A_234] : memref<10240x64xf32, #tpu.memory_space<vmem_shared>> -> memref<64x64xf32, #tpu.memory_space<vmem_shared>>
      tpu.wait_dma2 semaphore(%run_scoped3A_227 : memref<!tpu.dma_semaphore, #tpu.memory_space<semaphore_mem>>) src(%arg9 : memref<64x64xf32, #tpu.memory_space<vmem>>) dst(%dma_wait3A_235 : memref<64x64xf32, #tpu.memory_space<vmem_shared>>)
      tpu.yield
    }) : () -> ()
    %mul3A_28 = arith.constant 640 : i32
    %mul3A_29 = arith.muli %arg1, %mul3A_28 : i32
    %add3A_30 = arith.constant 384 : i32
    %add3A_31 = arith.addi %mul3A_29, %add3A_30 : i32
    "tpu.region"() ({
      %run_scoped3A_227 = tpu.sem_alloc : memref<!tpu.dma_semaphore, #tpu.memory_space<semaphore_mem>>
      %dma_start3A_228 = arith.constant 0 : i32
      %dma_start3A_229 = tpu.memref_slice %arg10[%add3A_31, %dma_start3A_228] : memref<10240x64xf32, #tpu.memory_space<vmem_shared>> -> memref<64x64xf32, #tpu.memory_space<vmem_shared>>
      %dma_start3A_230 = arith.constant 0 : i32
      %dma_start3A_231 = tpu.memref_slice %arg10[%add3A_31, %dma_start3A_230] : memref<10240x64xf32, #tpu.memory_space<vmem_shared>> -> memref<64x64xf32, #tpu.memory_space<vmem_shared>>
      tpu.enqueue_dma source(%arg9 : memref<64x64xf32, #tpu.memory_space<vmem>>) target(%dma_start3A_231 : memref<64x64xf32, #tpu.memory_space<vmem_shared>>) target_semaphore(%run_scoped3A_227 : memref<!tpu.dma_semaphore, #tpu.memory_space<semaphore_mem>>)
      %dma_wait3A_232 = arith.constant 0 : i32
      %dma_wait3A_233 = tpu.memref_slice %arg10[%add3A_31, %dma_wait3A_232] : memref<10240x64xf32, #tpu.memory_space<vmem_shared>> -> memref<64x64xf32, #tpu.memory_space<vmem_shared>>
      %dma_wait3A_234 = arith.constant 0 : i32
      %dma_wait3A_235 = tpu.memref_slice %arg10[%add3A_31, %dma_wait3A_234] : memref<10240x64xf32, #tpu.memory_space<vmem_shared>> -> memref<64x64xf32, #tpu.memory_space<vmem_shared>>
      tpu.wait_dma2 semaphore(%run_scoped3A_227 : memref<!tpu.dma_semaphore, #tpu.memory_space<semaphore_mem>>) src(%arg9 : memref<64x64xf32, #tpu.memory_space<vmem>>) dst(%dma_wait3A_235 : memref<64x64xf32, #tpu.memory_space<vmem_shared>>)
      tpu.yield
    }) : () -> ()
    %mul3A_32 = arith.constant 640 : i32
    %mul3A_33 = arith.muli %arg1, %mul3A_32 : i32
    %add3A_34 = arith.constant 448 : i32
    %add3A_35 = arith.addi %mul3A_33, %add3A_34 : i32
    "tpu.region"() ({
      %run_scoped3A_227 = tpu.sem_alloc : memref<!tpu.dma_semaphore, #tpu.memory_space<semaphore_mem>>
      %dma_start3A_228 = arith.constant 0 : i32
      %dma_start3A_229 = tpu.memref_slice %arg10[%add3A_35, %dma_start3A_228] : memref<10240x64xf32, #tpu.memory_space<vmem_shared>> -> memref<64x64xf32, #tpu.memory_space<vmem_shared>>
      %dma_start3A_230 = arith.constant 0 : i32
      %dma_start3A_231 = tpu.memref_slice %arg10[%add3A_35, %dma_start3A_230] : memref<10240x64xf32, #tpu.memory_space<vmem_shared>> -> memref<64x64xf32, #tpu.memory_space<vmem_shared>>
      tpu.enqueue_dma source(%arg9 : memref<64x64xf32, #tpu.memory_space<vmem>>) target(%dma_start3A_231 : memref<64x64xf32, #tpu.memory_space<vmem_shared>>) target_semaphore(%run_scoped3A_227 : memref<!tpu.dma_semaphore, #tpu.memory_space<semaphore_mem>>)
      %dma_wait3A_232 = arith.constant 0 : i32
      %dma_wait3A_233 = tpu.memref_slice %arg10[%add3A_35, %dma_wait3A_232] : memref<10240x64xf32, #tpu.memory_space<vmem_shared>> -> memref<64x64xf32, #tpu.memory_space<vmem_shared>>
      %dma_wait3A_234 = arith.constant 0 : i32
      %dma_wait3A_235 = tpu.memref_slice %arg10[%add3A_35, %dma_wait3A_234] : memref<10240x64xf32, #tpu.memory_space<vmem_shared>> -> memref<64x64xf32, #tpu.memory_space<vmem_shared>>
      tpu.wait_dma2 semaphore(%run_scoped3A_227 : memref<!tpu.dma_semaphore, #tpu.memory_space<semaphore_mem>>) src(%arg9 : memref<64x64xf32, #tpu.memory_space<vmem>>) dst(%dma_wait3A_235 : memref<64x64xf32, #tpu.memory_space<vmem_shared>>)
      tpu.yield
    }) : () -> ()
    %mul3A_36 = arith.constant 640 : i32
    %mul3A_37 = arith.muli %arg1, %mul3A_36 : i32
    %add3A_38 = arith.constant 512 : i32
    %add3A_39 = arith.addi %mul3A_37, %add3A_38 : i32
    "tpu.region"() ({
      %run_scoped3A_227 = tpu.sem_alloc : memref<!tpu.dma_semaphore, #tpu.memory_space<semaphore_mem>>
      %dma_start3A_228 = arith.constant 0 : i32
      %dma_start3A_229 = tpu.memref_slice %arg10[%add3A_39, %dma_start3A_228] : memref<10240x64xf32, #tpu.memory_space<vmem_shared>> -> memref<64x64xf32, #tpu.memory_space<vmem_shared>>
      %dma_start3A_230 = arith.constant 0 : i32
      %dma_start3A_231 = tpu.memref_slice %arg10[%add3A_39, %dma_start3A_230] : memref<10240x64xf32, #tpu.memory_space<vmem_shared>> -> memref<64x64xf32, #tpu.memory_space<vmem_shared>>
      tpu.enqueue_dma source(%arg9 : memref<64x64xf32, #tpu.memory_space<vmem>>) target(%dma_start3A_231 : memref<64x64xf32, #tpu.memory_space<vmem_shared>>) target_semaphore(%run_scoped3A_227 : memref<!tpu.dma_semaphore, #tpu.memory_space<semaphore_mem>>)
      %dma_wait3A_232 = arith.constant 0 : i32
      %dma_wait3A_233 = tpu.memref_slice %arg10[%add3A_39, %dma_wait3A_232] : memref<10240x64xf32, #tpu.memory_space<vmem_shared>> -> memref<64x64xf32, #tpu.memory_space<vmem_shared>>
      %dma_wait3A_234 = arith.constant 0 : i32
      %dma_wait3A_235 = tpu.memref_slice %arg10[%add3A_39, %dma_wait3A_234] : memref<10240x64xf32, #tpu.memory_space<vmem_shared>> -> memref<64x64xf32, #tpu.memory_space<vmem_shared>>
      tpu.wait_dma2 semaphore(%run_scoped3A_227 : memref<!tpu.dma_semaphore, #tpu.memory_space<semaphore_mem>>) src(%arg9 : memref<64x64xf32, #tpu.memory_space<vmem>>) dst(%dma_wait3A_235 : memref<64x64xf32, #tpu.memory_space<vmem_shared>>)
      tpu.yield
    }) : () -> ()
    %mul3A_40 = arith.constant 640 : i32
    %mul3A_41 = arith.muli %arg1, %mul3A_40 : i32
    %add3A_42 = arith.constant 576 : i32
    %add3A_43 = arith.addi %mul3A_41, %add3A_42 : i32
    "tpu.region"() ({
      %run_scoped3A_227 = tpu.sem_alloc : memref<!tpu.dma_semaphore, #tpu.memory_space<semaphore_mem>>
      %dma_start3A_228 = arith.constant 0 : i32
      %dma_start3A_229 = tpu.memref_slice %arg10[%add3A_43, %dma_start3A_228] : memref<10240x64xf32, #tpu.memory_space<vmem_shared>> -> memref<64x64xf32, #tpu.memory_space<vmem_shared>>
      %dma_start3A_230 = arith.constant 0 : i32
      %dma_start3A_231 = tpu.memref_slice %arg10[%add3A_43, %dma_start3A_230] : memref<10240x64xf32, #tpu.memory_space<vmem_shared>> -> memref<64x64xf32, #tpu.memory_space<vmem_shared>>
      tpu.enqueue_dma source(%arg9 : memref<64x64xf32, #tpu.memory_space<vmem>>) target(%dma_start3A_231 : memref<64x64xf32, #tpu.memory_space<vmem_shared>>) target_semaphore(%run_scoped3A_227 : memref<!tpu.dma_semaphore, #tpu.memory_space<semaphore_mem>>)
      %dma_wait3A_232 = arith.constant 0 : i32
      %dma_wait3A_233 = tpu.memref_slice %arg10[%add3A_43, %dma_wait3A_232] : memref<10240x64xf32, #tpu.memory_space<vmem_shared>> -> memref<64x64xf32, #tpu.memory_space<vmem_shared>>
      %dma_wait3A_234 = arith.constant 0 : i32
      %dma_wait3A_235 = tpu.memref_slice %arg10[%add3A_43, %dma_wait3A_234] : memref<10240x64xf32, #tpu.memory_space<vmem_shared>> -> memref<64x64xf32, #tpu.memory_space<vmem_shared>>
      tpu.wait_dma2 semaphore(%run_scoped3A_227 : memref<!tpu.dma_semaphore, #tpu.memory_space<semaphore_mem>>) src(%arg9 : memref<64x64xf32, #tpu.memory_space<vmem>>) dst(%dma_wait3A_235 : memref<64x64xf32, #tpu.memory_space<vmem_shared>>)
      tpu.yield
    }) : () -> ()
    "tpu.region"() ({
      %run_scoped3A_227 = tpu.sem_alloc : memref<!tpu.dma_semaphore, #tpu.memory_space<semaphore_mem>>
      %dma_start3A_228 = arith.constant 0 : i32
      %dma_start3A_229 = arith.constant 0 : i32
      %dma_start3A_230 = tpu.memref_slice %arg3[%arg1, %dma_start3A_228, %dma_start3A_229] : memref<16x157x128xi32, #tpu.memory_space<hbm>> -> memref<1x157x128xi32, #tpu.memory_space<hbm>>
      %dma_start3A_231 = tpu.memref_squeeze %dma_start3A_230 : memref<1x157x128xi32, #tpu.memory_space<hbm>> -> memref<157x128xi32, #tpu.memory_space<hbm>>
      %dma_start3A_232 = arith.constant 0 : i32
      %dma_start3A_233 = arith.constant 0 : i32
      %dma_start3A_234 = tpu.memref_slice %arg3[%arg1, %dma_start3A_232, %dma_start3A_233] : memref<16x157x128xi32, #tpu.memory_space<hbm>> -> memref<1x157x128xi32, #tpu.memory_space<hbm>>
      %dma_start3A_235 = tpu.memref_squeeze %dma_start3A_234 : memref<1x157x128xi32, #tpu.memory_space<hbm>> -> memref<157x128xi32, #tpu.memory_space<hbm>>
      tpu.enqueue_dma source(%dma_start3A_235 : memref<157x128xi32, #tpu.memory_space<hbm>>) target(%arg6 : memref<157x128xi32, #tpu.memory_space<vmem>>) target_semaphore(%run_scoped3A_227 : memref<!tpu.dma_semaphore, #tpu.memory_space<semaphore_mem>>)
      %dma_wait3A_236 = arith.constant 0 : i32
      %dma_wait3A_237 = arith.constant 0 : i32
      %dma_wait3A_238 = tpu.memref_slice %arg3[%arg1, %dma_wait3A_236, %dma_wait3A_237] : memref<16x157x128xi32, #tpu.memory_space<hbm>> -> memref<1x157x128xi32, #tpu.memory_space<hbm>>
      %dma_wait3A_239 = tpu.memref_squeeze %dma_wait3A_238 : memref<1x157x128xi32, #tpu.memory_space<hbm>> -> memref<157x128xi32, #tpu.memory_space<hbm>>
      %dma_wait3A_240 = arith.constant 0 : i32
      %dma_wait3A_241 = arith.constant 0 : i32
      %dma_wait3A_242 = tpu.memref_slice %arg3[%arg1, %dma_wait3A_240, %dma_wait3A_241] : memref<16x157x128xi32, #tpu.memory_space<hbm>> -> memref<1x157x128xi32, #tpu.memory_space<hbm>>
      %dma_wait3A_243 = tpu.memref_squeeze %dma_wait3A_242 : memref<1x157x128xi32, #tpu.memory_space<hbm>> -> memref<157x128xi32, #tpu.memory_space<hbm>>
      tpu.wait_dma2 semaphore(%run_scoped3A_227 : memref<!tpu.dma_semaphore, #tpu.memory_space<semaphore_mem>>) src(%dma_wait3A_243 : memref<157x128xi32, #tpu.memory_space<hbm>>) dst(%arg6 : memref<157x128xi32, #tpu.memory_space<vmem>>)
      tpu.yield
    }) : () -> ()
    "tpu.region"() ({
      %run_scoped3A_227 = tpu.sem_alloc : memref<!tpu.dma_semaphore, #tpu.memory_space<semaphore_mem>>
      %dma_start3A_228 = arith.constant 0 : i32
      %dma_start3A_229 = arith.constant 0 : i32
      %dma_start3A_230 = tpu.memref_slice %arg4[%arg1, %dma_start3A_228, %dma_start3A_229] : memref<16x157x128xi32, #tpu.memory_space<hbm>> -> memref<1x157x128xi32, #tpu.memory_space<hbm>>
      %dma_start3A_231 = tpu.memref_squeeze %dma_start3A_230 : memref<1x157x128xi32, #tpu.memory_space<hbm>> -> memref<157x128xi32, #tpu.memory_space<hbm>>
      %dma_start3A_232 = arith.constant 0 : i32
      %dma_start3A_233 = arith.constant 0 : i32
      %dma_start3A_234 = tpu.memref_slice %arg4[%arg1, %dma_start3A_232, %dma_start3A_233] : memref<16x157x128xi32, #tpu.memory_space<hbm>> -> memref<1x157x128xi32, #tpu.memory_space<hbm>>
      %dma_start3A_235 = tpu.memref_squeeze %dma_start3A_234 : memref<1x157x128xi32, #tpu.memory_space<hbm>> -> memref<157x128xi32, #tpu.memory_space<hbm>>
      tpu.enqueue_dma source(%dma_start3A_235 : memref<157x128xi32, #tpu.memory_space<hbm>>) target(%arg7 : memref<157x128xi32, #tpu.memory_space<vmem>>) target_semaphore(%run_scoped3A_227 : memref<!tpu.dma_semaphore, #tpu.memory_space<semaphore_mem>>)
      %dma_wait3A_236 = arith.constant 0 : i32
      %dma_wait3A_237 = arith.constant 0 : i32
      %dma_wait3A_238 = tpu.memref_slice %arg4[%arg1, %dma_wait3A_236, %dma_wait3A_237] : memref<16x157x128xi32, #tpu.memory_space<hbm>> -> memref<1x157x128xi32, #tpu.memory_space<hbm>>
      %dma_wait3A_239 = tpu.memref_squeeze %dma_wait3A_238 : memref<1x157x128xi32, #tpu.memory_space<hbm>> -> memref<157x128xi32, #tpu.memory_space<hbm>>
      %dma_wait3A_240 = arith.constant 0 : i32
      %dma_wait3A_241 = arith.constant 0 : i32
      %dma_wait3A_242 = tpu.memref_slice %arg4[%arg1, %dma_wait3A_240, %dma_wait3A_241] : memref<16x157x128xi32, #tpu.memory_space<hbm>> -> memref<1x157x128xi32, #tpu.memory_space<hbm>>
      %dma_wait3A_243 = tpu.memref_squeeze %dma_wait3A_242 : memref<1x157x128xi32, #tpu.memory_space<hbm>> -> memref<157x128xi32, #tpu.memory_space<hbm>>
      tpu.wait_dma2 semaphore(%run_scoped3A_227 : memref<!tpu.dma_semaphore, #tpu.memory_space<semaphore_mem>>) src(%dma_wait3A_243 : memref<157x128xi32, #tpu.memory_space<hbm>>) dst(%arg7 : memref<157x128xi32, #tpu.memory_space<vmem>>)
      tpu.yield
    }) : () -> ()
    %barrier3A = arith.constant 0 : index
    tpu.barrier barrier_id(%barrier3A)
    %dma_start3A = arith.constant 0 : i32
    %dma_start3A_44 = arith.constant 0 : i32
    %dma_start3A_45 = arith.constant 0 : i32
    %dma_start3A_46 = arith.constant 0 : i32
    %dma_start3A_47 = tpu.memref_slice %arg8[%dma_start3A_44, %dma_start3A_45, %dma_start3A_46] : memref<4x128x64xf32, #tpu.memory_space<vmem>> -> memref<1x128x64xf32, #tpu.memory_space<vmem>>
    %dma_start3A_48 = tpu.memref_squeeze %dma_start3A_47 : memref<1x128x64xf32, #tpu.memory_space<vmem>> -> memref<128x64xf32, #tpu.memory_space<vmem>>
    %dma_start3A_49 = arith.constant 0 : i32
    %dma_start3A_50 = tpu.memref_slice %arg6[%dma_start3A, %dma_start3A_49] : memref<157x128xi32, #tpu.memory_space<vmem>> -> memref<1x128xi32, #tpu.memory_space<vmem>>
    %dma_start3A_51 = tpu.memref_squeeze %dma_start3A_50 : memref<1x128xi32, #tpu.memory_space<vmem>> -> memref<128xi32, #tpu.memory_space<vmem>>
    %dma_start3A_52 = arith.constant 0 : i32
    %dma_start3A_53 = arith.constant 0 : i32
    %dma_start3A_54 = tpu.memref_slice %arg2[%arg0, %dma_start3A_52, %dma_start3A_53] : memref<2x10000x64xf32, #tpu.memory_space<hbm>> -> memref<1x10000x64xf32, #tpu.memory_space<hbm>>
    %dma_start3A_55 = tpu.memref_squeeze %dma_start3A_54 : memref<1x10000x64xf32, #tpu.memory_space<hbm>> -> memref<10000x64xf32, #tpu.memory_space<hbm>>
    %dma_start3A_56 = arith.constant 0 : i32
    %dma_start3A_57 = arith.constant 0 : i32
    %dma_start3A_58 = tpu.memref_slice %dma_start3A_55[%dma_start3A_56, %dma_start3A_57] : memref<10000x64xf32, #tpu.memory_space<hbm>> -> memref<10000x64xf32, #tpu.memory_space<hbm>>
    tpu.enqueue_indirect_dma source(%dma_start3A_58 : memref<10000x64xf32, #tpu.memory_space<hbm>>) target(%dma_start3A_48 : memref<128x64xf32, #tpu.memory_space<vmem>>) offsets(%dma_start3A_51 : memref<128xi32, #tpu.memory_space<vmem>>) semaphore(%arg11 : memref<!tpu.dma_semaphore, #tpu.memory_space<semaphore_mem>>)
    %dma_start3A_59 = arith.constant 1 : i32
    %dma_start3A_60 = arith.constant 1 : i32
    %dma_start3A_61 = arith.constant 0 : i32
    %dma_start3A_62 = arith.constant 0 : i32
    %dma_start3A_63 = tpu.memref_slice %arg8[%dma_start3A_60, %dma_start3A_61, %dma_start3A_62] : memref<4x128x64xf32, #tpu.memory_space<vmem>> -> memref<1x128x64xf32, #tpu.memory_space<vmem>>
    %dma_start3A_64 = tpu.memref_squeeze %dma_start3A_63 : memref<1x128x64xf32, #tpu.memory_space<vmem>> -> memref<128x64xf32, #tpu.memory_space<vmem>>
    %dma_start3A_65 = arith.constant 0 : i32
    %dma_start3A_66 = tpu.memref_slice %arg6[%dma_start3A_59, %dma_start3A_65] : memref<157x128xi32, #tpu.memory_space<vmem>> -> memref<1x128xi32, #tpu.memory_space<vmem>>
    %dma_start3A_67 = tpu.memref_squeeze %dma_start3A_66 : memref<1x128xi32, #tpu.memory_space<vmem>> -> memref<128xi32, #tpu.memory_space<vmem>>
    %dma_start3A_68 = arith.constant 0 : i32
    %dma_start3A_69 = arith.constant 0 : i32
    %dma_start3A_70 = tpu.memref_slice %arg2[%arg0, %dma_start3A_68, %dma_start3A_69] : memref<2x10000x64xf32, #tpu.memory_space<hbm>> -> memref<1x10000x64xf32, #tpu.memory_space<hbm>>
    %dma_start3A_71 = tpu.memref_squeeze %dma_start3A_70 : memref<1x10000x64xf32, #tpu.memory_space<hbm>> -> memref<10000x64xf32, #tpu.memory_space<hbm>>
    %dma_start3A_72 = arith.constant 0 : i32
    %dma_start3A_73 = arith.constant 0 : i32
    %dma_start3A_74 = tpu.memref_slice %dma_start3A_71[%dma_start3A_72, %dma_start3A_73] : memref<10000x64xf32, #tpu.memory_space<hbm>> -> memref<10000x64xf32, #tpu.memory_space<hbm>>
    tpu.enqueue_indirect_dma source(%dma_start3A_74 : memref<10000x64xf32, #tpu.memory_space<hbm>>) target(%dma_start3A_64 : memref<128x64xf32, #tpu.memory_space<vmem>>) offsets(%dma_start3A_67 : memref<128xi32, #tpu.memory_space<vmem>>) semaphore(%arg12 : memref<!tpu.dma_semaphore, #tpu.memory_space<semaphore_mem>>)
    %dma_start3A_75 = arith.constant 2 : i32
    %dma_start3A_76 = arith.constant 2 : i32
    %dma_start3A_77 = arith.constant 0 : i32
    %dma_start3A_78 = arith.constant 0 : i32
    %dma_start3A_79 = tpu.memref_slice %arg8[%dma_start3A_76, %dma_start3A_77, %dma_start3A_78] : memref<4x128x64xf32, #tpu.memory_space<vmem>> -> memref<1x128x64xf32, #tpu.memory_space<vmem>>
    %dma_start3A_80 = tpu.memref_squeeze %dma_start3A_79 : memref<1x128x64xf32, #tpu.memory_space<vmem>> -> memref<128x64xf32, #tpu.memory_space<vmem>>
    %dma_start3A_81 = arith.constant 0 : i32
    %dma_start3A_82 = tpu.memref_slice %arg6[%dma_start3A_75, %dma_start3A_81] : memref<157x128xi32, #tpu.memory_space<vmem>> -> memref<1x128xi32, #tpu.memory_space<vmem>>
    %dma_start3A_83 = tpu.memref_squeeze %dma_start3A_82 : memref<1x128xi32, #tpu.memory_space<vmem>> -> memref<128xi32, #tpu.memory_space<vmem>>
    %dma_start3A_84 = arith.constant 0 : i32
    %dma_start3A_85 = arith.constant 0 : i32
    %dma_start3A_86 = tpu.memref_slice %arg2[%arg0, %dma_start3A_84, %dma_start3A_85] : memref<2x10000x64xf32, #tpu.memory_space<hbm>> -> memref<1x10000x64xf32, #tpu.memory_space<hbm>>
    %dma_start3A_87 = tpu.memref_squeeze %dma_start3A_86 : memref<1x10000x64xf32, #tpu.memory_space<hbm>> -> memref<10000x64xf32, #tpu.memory_space<hbm>>
    %dma_start3A_88 = arith.constant 0 : i32
    %dma_start3A_89 = arith.constant 0 : i32
    %dma_start3A_90 = tpu.memref_slice %dma_start3A_87[%dma_start3A_88, %dma_start3A_89] : memref<10000x64xf32, #tpu.memory_space<hbm>> -> memref<10000x64xf32, #tpu.memory_space<hbm>>
    tpu.enqueue_indirect_dma source(%dma_start3A_90 : memref<10000x64xf32, #tpu.memory_space<hbm>>) target(%dma_start3A_80 : memref<128x64xf32, #tpu.memory_space<vmem>>) offsets(%dma_start3A_83 : memref<128xi32, #tpu.memory_space<vmem>>) semaphore(%arg13 : memref<!tpu.dma_semaphore, #tpu.memory_space<semaphore_mem>>)
    %scan3A_91 = arith.constant 0 : i32
    %scan3A_92 = arith.constant 0 : i32
    %scan3A_93 = arith.constant 38 : i32
    %scan3A_94 = arith.addi %scan3A_92, %scan3A_93 : i32
    %scan3A_95 = arith.constant 1 : i32
    %scan3A_96 = scf.for %scan3A_227 = %scan3A_92 to %scan3A_94 step %scan3A_95 iter_args(%scan3A_228 = %scan3A_91) -> (i32)  : i32 {
      %mul3A_229 = arith.constant 4 : i32
      %mul3A_230 = arith.muli %mul3A_229, %scan3A_227 : i32
      %add3A_231 = arith.constant 0 : i32
      %add3A_232 = arith.addi %mul3A_230, %add3A_231 : i32
      %dma_wait3A_233 = arith.constant 0 : i32
      %dma_wait3A_234 = arith.constant 0 : i32
      %dma_wait3A_235 = arith.constant 0 : i32
      %dma_wait3A_236 = arith.constant 0 : i32
      %dma_wait3A_237 = tpu.memref_slice %arg8[%dma_wait3A_234, %dma_wait3A_235, %dma_wait3A_236] : memref<4x128x64xf32, #tpu.memory_space<vmem>> -> memref<1x128x64xf32, #tpu.memory_space<vmem>>
      %dma_wait3A_238 = tpu.memref_squeeze %dma_wait3A_237 : memref<1x128x64xf32, #tpu.memory_space<vmem>> -> memref<128x64xf32, #tpu.memory_space<vmem>>
      %dma_wait3A_239 = arith.constant 0 : i32
      %dma_wait3A_240 = tpu.memref_slice %arg6[%dma_wait3A_233, %dma_wait3A_239] : memref<157x128xi32, #tpu.memory_space<vmem>> -> memref<1x128xi32, #tpu.memory_space<vmem>>
      %dma_wait3A_241 = tpu.memref_squeeze %dma_wait3A_240 : memref<1x128xi32, #tpu.memory_space<vmem>> -> memref<128xi32, #tpu.memory_space<vmem>>
      %dma_wait3A_242 = arith.constant 0 : i32
      %dma_wait3A_243 = arith.constant 0 : i32
      %dma_wait3A_244 = tpu.memref_slice %arg2[%arg0, %dma_wait3A_242, %dma_wait3A_243] : memref<2x10000x64xf32, #tpu.memory_space<hbm>> -> memref<1x10000x64xf32, #tpu.memory_space<hbm>>
      %dma_wait3A_245 = tpu.memref_squeeze %dma_wait3A_244 : memref<1x10000x64xf32, #tpu.memory_space<hbm>> -> memref<10000x64xf32, #tpu.memory_space<hbm>>
      %dma_wait3A_246 = arith.constant 0 : i32
      %dma_wait3A_247 = arith.constant 0 : i32
      %dma_wait3A_248 = tpu.memref_slice %dma_wait3A_245[%dma_wait3A_246, %dma_wait3A_247] : memref<10000x64xf32, #tpu.memory_space<hbm>> -> memref<10000x64xf32, #tpu.memory_space<hbm>>
      tpu.wait_indirect_dma semaphore(%arg11 : memref<!tpu.dma_semaphore, #tpu.memory_space<semaphore_mem>>) src(%dma_wait3A_248 : memref<10000x64xf32, #tpu.memory_space<hbm>>) dst(%dma_wait3A_238 : memref<128x64xf32, #tpu.memory_space<vmem>>)
      %run_scoped3A_249 = arith.constant 0 : i32
      "tpu.region"() ({
        %run_scoped3A_389 = tpu.sem_alloc : memref<!tpu.dma_semaphore, #tpu.memory_space<semaphore_mem>>
        %dma_start3A_390 = arith.constant 0 : i32
        %dma_start3A_391 = arith.constant 0 : i32
        %dma_start3A_392 = tpu.memref_slice %arg8[%run_scoped3A_249, %dma_start3A_390, %dma_start3A_391] : memref<4x128x64xf32, #tpu.memory_space<vmem>> -> memref<1x128x64xf32, #tpu.memory_space<vmem>>
        %dma_start3A_393 = tpu.memref_squeeze %dma_start3A_392 : memref<1x128x64xf32, #tpu.memory_space<vmem>> -> memref<128x64xf32, #tpu.memory_space<vmem>>
        %dma_start3A_394 = arith.constant 0 : i32
        %dma_start3A_395 = tpu.memref_slice %arg7[%add3A_232, %dma_start3A_394] : memref<157x128xi32, #tpu.memory_space<vmem>> -> memref<1x128xi32, #tpu.memory_space<vmem>>
        %dma_start3A_396 = tpu.memref_squeeze %dma_start3A_395 : memref<1x128xi32, #tpu.memory_space<vmem>> -> memref<128xi32, #tpu.memory_space<vmem>>
        %dma_start3A_397 = arith.constant 0 : i32
        %dma_start3A_398 = arith.constant 0 : i32
        %dma_start3A_399 = tpu.memref_slice %arg10[%dma_start3A_397, %dma_start3A_398] : memref<10240x64xf32, #tpu.memory_space<vmem_shared>> -> memref<10240x64xf32, #tpu.memory_space<vmem_shared>>
        tpu.enqueue_indirect_dma source(%dma_start3A_393 : memref<128x64xf32, #tpu.memory_space<vmem>>) target(%dma_start3A_399 : memref<10240x64xf32, #tpu.memory_space<vmem_shared>>) offsets(%dma_start3A_396 : memref<128xi32, #tpu.memory_space<vmem>>) semaphore(%run_scoped3A_389 : memref<!tpu.dma_semaphore, #tpu.memory_space<semaphore_mem>>) {add = true}
        %dma_wait3A_400 = arith.constant 0 : i32
        %dma_wait3A_401 = arith.constant 0 : i32
        %dma_wait3A_402 = tpu.memref_slice %arg8[%run_scoped3A_249, %dma_wait3A_400, %dma_wait3A_401] : memref<4x128x64xf32, #tpu.memory_space<vmem>> -> memref<1x128x64xf32, #tpu.memory_space<vmem>>
        %dma_wait3A_403 = tpu.memref_squeeze %dma_wait3A_402 : memref<1x128x64xf32, #tpu.memory_space<vmem>> -> memref<128x64xf32, #tpu.memory_space<vmem>>
        %dma_wait3A_404 = arith.constant 0 : i32
        %dma_wait3A_405 = tpu.memref_slice %arg7[%add3A_232, %dma_wait3A_404] : memref<157x128xi32, #tpu.memory_space<vmem>> -> memref<1x128xi32, #tpu.memory_space<vmem>>
        %dma_wait3A_406 = tpu.memref_squeeze %dma_wait3A_405 : memref<1x128xi32, #tpu.memory_space<vmem>> -> memref<128xi32, #tpu.memory_space<vmem>>
        %dma_wait3A_407 = arith.constant 0 : i32
        %dma_wait3A_408 = arith.constant 0 : i32
        %dma_wait3A_409 = tpu.memref_slice %arg10[%dma_wait3A_407, %dma_wait3A_408] : memref<10240x64xf32, #tpu.memory_space<vmem_shared>> -> memref<10240x64xf32, #tpu.memory_space<vmem_shared>>
        tpu.wait_indirect_dma semaphore(%run_scoped3A_389 : memref<!tpu.dma_semaphore, #tpu.memory_space<semaphore_mem>>) src(%dma_wait3A_403 : memref<128x64xf32, #tpu.memory_space<vmem>>) dst(%dma_wait3A_409 : memref<10240x64xf32, #tpu.memory_space<vmem_shared>>)
        tpu.yield
      }) : () -> ()
      %add3A_250 = arith.constant 4 : i32
      %add3A_251 = arith.addi %add3A_232, %add3A_250 : i32
      %sub3A = arith.constant 1 : i32
      %sub3A_252 = arith.subi %add3A_251, %sub3A : i32
      %dma_start3A_253 = arith.constant 3 : i32
      %dma_start3A_254 = arith.constant 0 : i32
      %dma_start3A_255 = arith.constant 0 : i32
      %dma_start3A_256 = tpu.memref_slice %arg8[%dma_start3A_253, %dma_start3A_254, %dma_start3A_255] : memref<4x128x64xf32, #tpu.memory_space<vmem>> -> memref<1x128x64xf32, #tpu.memory_space<vmem>>
      %dma_start3A_257 = tpu.memref_squeeze %dma_start3A_256 : memref<1x128x64xf32, #tpu.memory_space<vmem>> -> memref<128x64xf32, #tpu.memory_space<vmem>>
      %dma_start3A_258 = arith.constant 0 : i32
      %dma_start3A_259 = tpu.memref_slice %arg6[%sub3A_252, %dma_start3A_258] : memref<157x128xi32, #tpu.memory_space<vmem>> -> memref<1x128xi32, #tpu.memory_space<vmem>>
      %dma_start3A_260 = tpu.memref_squeeze %dma_start3A_259 : memref<1x128xi32, #tpu.memory_space<vmem>> -> memref<128xi32, #tpu.memory_space<vmem>>
      %dma_start3A_261 = arith.constant 0 : i32
      %dma_start3A_262 = arith.constant 0 : i32
      %dma_start3A_263 = tpu.memref_slice %arg2[%arg0, %dma_start3A_261, %dma_start3A_262] : memref<2x10000x64xf32, #tpu.memory_space<hbm>> -> memref<1x10000x64xf32, #tpu.memory_space<hbm>>
      %dma_start3A_264 = tpu.memref_squeeze %dma_start3A_263 : memref<1x10000x64xf32, #tpu.memory_space<hbm>> -> memref<10000x64xf32, #tpu.memory_space<hbm>>
      %dma_start3A_265 = arith.constant 0 : i32
      %dma_start3A_266 = arith.constant 0 : i32
      %dma_start3A_267 = tpu.memref_slice %dma_start3A_264[%dma_start3A_265, %dma_start3A_266] : memref<10000x64xf32, #tpu.memory_space<hbm>> -> memref<10000x64xf32, #tpu.memory_space<hbm>>
      tpu.enqueue_indirect_dma source(%dma_start3A_267 : memref<10000x64xf32, #tpu.memory_space<hbm>>) target(%dma_start3A_257 : memref<128x64xf32, #tpu.memory_space<vmem>>) offsets(%dma_start3A_260 : memref<128xi32, #tpu.memory_space<vmem>>) semaphore(%arg14 : memref<!tpu.dma_semaphore, #tpu.memory_space<semaphore_mem>>)
      %mul3A_268 = arith.constant 4 : i32
      %mul3A_269 = arith.muli %mul3A_268, %scan3A_227 : i32
      %add3A_270 = arith.constant 1 : i32
      %add3A_271 = arith.addi %mul3A_269, %add3A_270 : i32
      %dma_wait3A_272 = arith.constant 0 : i32
      %dma_wait3A_273 = arith.constant 1 : i32
      %dma_wait3A_274 = arith.constant 0 : i32
      %dma_wait3A_275 = arith.constant 0 : i32
      %dma_wait3A_276 = tpu.memref_slice %arg8[%dma_wait3A_273, %dma_wait3A_274, %dma_wait3A_275] : memref<4x128x64xf32, #tpu.memory_space<vmem>> -> memref<1x128x64xf32, #tpu.memory_space<vmem>>
      %dma_wait3A_277 = tpu.memref_squeeze %dma_wait3A_276 : memref<1x128x64xf32, #tpu.memory_space<vmem>> -> memref<128x64xf32, #tpu.memory_space<vmem>>
      %dma_wait3A_278 = arith.constant 0 : i32
      %dma_wait3A_279 = tpu.memref_slice %arg6[%dma_wait3A_272, %dma_wait3A_278] : memref<157x128xi32, #tpu.memory_space<vmem>> -> memref<1x128xi32, #tpu.memory_space<vmem>>
      %dma_wait3A_280 = tpu.memref_squeeze %dma_wait3A_279 : memref<1x128xi32, #tpu.memory_space<vmem>> -> memref<128xi32, #tpu.memory_space<vmem>>
      %dma_wait3A_281 = arith.constant 0 : i32
      %dma_wait3A_282 = arith.constant 0 : i32
      %dma_wait3A_283 = tpu.memref_slice %arg2[%arg0, %dma_wait3A_281, %dma_wait3A_282] : memref<2x10000x64xf32, #tpu.memory_space<hbm>> -> memref<1x10000x64xf32, #tpu.memory_space<hbm>>
      %dma_wait3A_284 = tpu.memref_squeeze %dma_wait3A_283 : memref<1x10000x64xf32, #tpu.memory_space<hbm>> -> memref<10000x64xf32, #tpu.memory_space<hbm>>
      %dma_wait3A_285 = arith.constant 0 : i32
      %dma_wait3A_286 = arith.constant 0 : i32
      %dma_wait3A_287 = tpu.memref_slice %dma_wait3A_284[%dma_wait3A_285, %dma_wait3A_286] : memref<10000x64xf32, #tpu.memory_space<hbm>> -> memref<10000x64xf32, #tpu.memory_space<hbm>>
      tpu.wait_indirect_dma semaphore(%arg12 : memref<!tpu.dma_semaphore, #tpu.memory_space<semaphore_mem>>) src(%dma_wait3A_287 : memref<10000x64xf32, #tpu.memory_space<hbm>>) dst(%dma_wait3A_277 : memref<128x64xf32, #tpu.memory_space<vmem>>)
      %run_scoped3A_288 = arith.constant 1 : i32
      "tpu.region"() ({
        %run_scoped3A_389 = tpu.sem_alloc : memref<!tpu.dma_semaphore, #tpu.memory_space<semaphore_mem>>
        %dma_start3A_390 = arith.constant 0 : i32
        %dma_start3A_391 = arith.constant 0 : i32
        %dma_start3A_392 = tpu.memref_slice %arg8[%run_scoped3A_288, %dma_start3A_390, %dma_start3A_391] : memref<4x128x64xf32, #tpu.memory_space<vmem>> -> memref<1x128x64xf32, #tpu.memory_space<vmem>>
        %dma_start3A_393 = tpu.memref_squeeze %dma_start3A_392 : memref<1x128x64xf32, #tpu.memory_space<vmem>> -> memref<128x64xf32, #tpu.memory_space<vmem>>
        %dma_start3A_394 = arith.constant 0 : i32
        %dma_start3A_395 = tpu.memref_slice %arg7[%add3A_271, %dma_start3A_394] : memref<157x128xi32, #tpu.memory_space<vmem>> -> memref<1x128xi32, #tpu.memory_space<vmem>>
        %dma_start3A_396 = tpu.memref_squeeze %dma_start3A_395 : memref<1x128xi32, #tpu.memory_space<vmem>> -> memref<128xi32, #tpu.memory_space<vmem>>
        %dma_start3A_397 = arith.constant 0 : i32
        %dma_start3A_398 = arith.constant 0 : i32
        %dma_start3A_399 = tpu.memref_slice %arg10[%dma_start3A_397, %dma_start3A_398] : memref<10240x64xf32, #tpu.memory_space<vmem_shared>> -> memref<10240x64xf32, #tpu.memory_space<vmem_shared>>
        tpu.enqueue_indirect_dma source(%dma_start3A_393 : memref<128x64xf32, #tpu.memory_space<vmem>>) target(%dma_start3A_399 : memref<10240x64xf32, #tpu.memory_space<vmem_shared>>) offsets(%dma_start3A_396 : memref<128xi32, #tpu.memory_space<vmem>>) semaphore(%run_scoped3A_389 : memref<!tpu.dma_semaphore, #tpu.memory_space<semaphore_mem>>) {add = true}
        %dma_wait3A_400 = arith.constant 0 : i32
        %dma_wait3A_401 = arith.constant 0 : i32
        %dma_wait3A_402 = tpu.memref_slice %arg8[%run_scoped3A_288, %dma_wait3A_400, %dma_wait3A_401] : memref<4x128x64xf32, #tpu.memory_space<vmem>> -> memref<1x128x64xf32, #tpu.memory_space<vmem>>
        %dma_wait3A_403 = tpu.memref_squeeze %dma_wait3A_402 : memref<1x128x64xf32, #tpu.memory_space<vmem>> -> memref<128x64xf32, #tpu.memory_space<vmem>>
        %dma_wait3A_404 = arith.constant 0 : i32
        %dma_wait3A_405 = tpu.memref_slice %arg7[%add3A_271, %dma_wait3A_404] : memref<157x128xi32, #tpu.memory_space<vmem>> -> memref<1x128xi32, #tpu.memory_space<vmem>>
        %dma_wait3A_406 = tpu.memref_squeeze %dma_wait3A_405 : memref<1x128xi32, #tpu.memory_space<vmem>> -> memref<128xi32, #tpu.memory_space<vmem>>
        %dma_wait3A_407 = arith.constant 0 : i32
        %dma_wait3A_408 = arith.constant 0 : i32
        %dma_wait3A_409 = tpu.memref_slice %arg10[%dma_wait3A_407, %dma_wait3A_408] : memref<10240x64xf32, #tpu.memory_space<vmem_shared>> -> memref<10240x64xf32, #tpu.memory_space<vmem_shared>>
        tpu.wait_indirect_dma semaphore(%run_scoped3A_389 : memref<!tpu.dma_semaphore, #tpu.memory_space<semaphore_mem>>) src(%dma_wait3A_403 : memref<128x64xf32, #tpu.memory_space<vmem>>) dst(%dma_wait3A_409 : memref<10240x64xf32, #tpu.memory_space<vmem_shared>>)
        tpu.yield
      }) : () -> ()
      %add3A_289 = arith.constant 4 : i32
      %add3A_290 = arith.addi %add3A_271, %add3A_289 : i32
      %sub3A_291 = arith.constant 1 : i32
      %sub3A_292 = arith.subi %add3A_290, %sub3A_291 : i32
      %dma_start3A_293 = arith.constant 0 : i32
      %dma_start3A_294 = arith.constant 0 : i32
      %dma_start3A_295 = arith.constant 0 : i32
      %dma_start3A_296 = tpu.memref_slice %arg8[%dma_start3A_293, %dma_start3A_294, %dma_start3A_295] : memref<4x128x64xf32, #tpu.memory_space<vmem>> -> memref<1x128x64xf32, #tpu.memory_space<vmem>>
      %dma_start3A_297 = tpu.memref_squeeze %dma_start3A_296 : memref<1x128x64xf32, #tpu.memory_space<vmem>> -> memref<128x64xf32, #tpu.memory_space<vmem>>
      %dma_start3A_298 = arith.constant 0 : i32
      %dma_start3A_299 = tpu.memref_slice %arg6[%sub3A_292, %dma_start3A_298] : memref<157x128xi32, #tpu.memory_space<vmem>> -> memref<1x128xi32, #tpu.memory_space<vmem>>
      %dma_start3A_300 = tpu.memref_squeeze %dma_start3A_299 : memref<1x128xi32, #tpu.memory_space<vmem>> -> memref<128xi32, #tpu.memory_space<vmem>>
      %dma_start3A_301 = arith.constant 0 : i32
      %dma_start3A_302 = arith.constant 0 : i32
      %dma_start3A_303 = tpu.memref_slice %arg2[%arg0, %dma_start3A_301, %dma_start3A_302] : memref<2x10000x64xf32, #tpu.memory_space<hbm>> -> memref<1x10000x64xf32, #tpu.memory_space<hbm>>
      %dma_start3A_304 = tpu.memref_squeeze %dma_start3A_303 : memref<1x10000x64xf32, #tpu.memory_space<hbm>> -> memref<10000x64xf32, #tpu.memory_space<hbm>>
      %dma_start3A_305 = arith.constant 0 : i32
      %dma_start3A_306 = arith.constant 0 : i32
      %dma_start3A_307 = tpu.memref_slice %dma_start3A_304[%dma_start3A_305, %dma_start3A_306] : memref<10000x64xf32, #tpu.memory_space<hbm>> -> memref<10000x64xf32, #tpu.memory_space<hbm>>
      tpu.enqueue_indirect_dma source(%dma_start3A_307 : memref<10000x64xf32, #tpu.memory_space<hbm>>) target(%dma_start3A_297 : memref<128x64xf32, #tpu.memory_space<vmem>>) offsets(%dma_start3A_300 : memref<128xi32, #tpu.memory_space<vmem>>) semaphore(%arg11 : memref<!tpu.dma_semaphore, #tpu.memory_space<semaphore_mem>>)
      %mul3A_308 = arith.constant 4 : i32
      %mul3A_309 = arith.muli %mul3A_308, %scan3A_227 : i32
      %add3A_310 = arith.constant 2 : i32
      %add3A_311 = arith.addi %mul3A_309, %add3A_310 : i32
      %dma_wait3A_312 = arith.constant 0 : i32
      %dma_wait3A_313 = arith.constant 2 : i32
      %dma_wait3A_314 = arith.constant 0 : i32
      %dma_wait3A_315 = arith.constant 0 : i32
      %dma_wait3A_316 = tpu.memref_slice %arg8[%dma_wait3A_313, %dma_wait3A_314, %dma_wait3A_315] : memref<4x128x64xf32, #tpu.memory_space<vmem>> -> memref<1x128x64xf32, #tpu.memory_space<vmem>>
      %dma_wait3A_317 = tpu.memref_squeeze %dma_wait3A_316 : memref<1x128x64xf32, #tpu.memory_space<vmem>> -> memref<128x64xf32, #tpu.memory_space<vmem>>
      %dma_wait3A_318 = arith.constant 0 : i32
      %dma_wait3A_319 = tpu.memref_slice %arg6[%dma_wait3A_312, %dma_wait3A_318] : memref<157x128xi32, #tpu.memory_space<vmem>> -> memref<1x128xi32, #tpu.memory_space<vmem>>
      %dma_wait3A_320 = tpu.memref_squeeze %dma_wait3A_319 : memref<1x128xi32, #tpu.memory_space<vmem>> -> memref<128xi32, #tpu.memory_space<vmem>>
      %dma_wait3A_321 = arith.constant 0 : i32
      %dma_wait3A_322 = arith.constant 0 : i32
      %dma_wait3A_323 = tpu.memref_slice %arg2[%arg0, %dma_wait3A_321, %dma_wait3A_322] : memref<2x10000x64xf32, #tpu.memory_space<hbm>> -> memref<1x10000x64xf32, #tpu.memory_space<hbm>>
      %dma_wait3A_324 = tpu.memref_squeeze %dma_wait3A_323 : memref<1x10000x64xf32, #tpu.memory_space<hbm>> -> memref<10000x64xf32, #tpu.memory_space<hbm>>
      %dma_wait3A_325 = arith.constant 0 : i32
      %dma_wait3A_326 = arith.constant 0 : i32
      %dma_wait3A_327 = tpu.memref_slice %dma_wait3A_324[%dma_wait3A_325, %dma_wait3A_326] : memref<10000x64xf32, #tpu.memory_space<hbm>> -> memref<10000x64xf32, #tpu.memory_space<hbm>>
      tpu.wait_indirect_dma semaphore(%arg13 : memref<!tpu.dma_semaphore, #tpu.memory_space<semaphore_mem>>) src(%dma_wait3A_327 : memref<10000x64xf32, #tpu.memory_space<hbm>>) dst(%dma_wait3A_317 : memref<128x64xf32, #tpu.memory_space<vmem>>)
      %run_scoped3A_328 = arith.constant 2 : i32
      "tpu.region"() ({
        %run_scoped3A_389 = tpu.sem_alloc : memref<!tpu.dma_semaphore, #tpu.memory_space<semaphore_mem>>
        %dma_start3A_390 = arith.constant 0 : i32
        %dma_start3A_391 = arith.constant 0 : i32
        %dma_start3A_392 = tpu.memref_slice %arg8[%run_scoped3A_328, %dma_start3A_390, %dma_start3A_391] : memref<4x128x64xf32, #tpu.memory_space<vmem>> -> memref<1x128x64xf32, #tpu.memory_space<vmem>>
        %dma_start3A_393 = tpu.memref_squeeze %dma_start3A_392 : memref<1x128x64xf32, #tpu.memory_space<vmem>> -> memref<128x64xf32, #tpu.memory_space<vmem>>
        %dma_start3A_394 = arith.constant 0 : i32
        %dma_start3A_395 = tpu.memref_slice %arg7[%add3A_311, %dma_start3A_394] : memref<157x128xi32, #tpu.memory_space<vmem>> -> memref<1x128xi32, #tpu.memory_space<vmem>>
        %dma_start3A_396 = tpu.memref_squeeze %dma_start3A_395 : memref<1x128xi32, #tpu.memory_space<vmem>> -> memref<128xi32, #tpu.memory_space<vmem>>
        %dma_start3A_397 = arith.constant 0 : i32
        %dma_start3A_398 = arith.constant 0 : i32
        %dma_start3A_399 = tpu.memref_slice %arg10[%dma_start3A_397, %dma_start3A_398] : memref<10240x64xf32, #tpu.memory_space<vmem_shared>> -> memref<10240x64xf32, #tpu.memory_space<vmem_shared>>
        tpu.enqueue_indirect_dma source(%dma_start3A_393 : memref<128x64xf32, #tpu.memory_space<vmem>>) target(%dma_start3A_399 : memref<10240x64xf32, #tpu.memory_space<vmem_shared>>) offsets(%dma_start3A_396 : memref<128xi32, #tpu.memory_space<vmem>>) semaphore(%run_scoped3A_389 : memref<!tpu.dma_semaphore, #tpu.memory_space<semaphore_mem>>) {add = true}
        %dma_wait3A_400 = arith.constant 0 : i32
        %dma_wait3A_401 = arith.constant 0 : i32
        %dma_wait3A_402 = tpu.memref_slice %arg8[%run_scoped3A_328, %dma_wait3A_400, %dma_wait3A_401] : memref<4x128x64xf32, #tpu.memory_space<vmem>> -> memref<1x128x64xf32, #tpu.memory_space<vmem>>
        %dma_wait3A_403 = tpu.memref_squeeze %dma_wait3A_402 : memref<1x128x64xf32, #tpu.memory_space<vmem>> -> memref<128x64xf32, #tpu.memory_space<vmem>>
        %dma_wait3A_404 = arith.constant 0 : i32
        %dma_wait3A_405 = tpu.memref_slice %arg7[%add3A_311, %dma_wait3A_404] : memref<157x128xi32, #tpu.memory_space<vmem>> -> memref<1x128xi32, #tpu.memory_space<vmem>>
        %dma_wait3A_406 = tpu.memref_squeeze %dma_wait3A_405 : memref<1x128xi32, #tpu.memory_space<vmem>> -> memref<128xi32, #tpu.memory_space<vmem>>
        %dma_wait3A_407 = arith.constant 0 : i32
        %dma_wait3A_408 = arith.constant 0 : i32
        %dma_wait3A_409 = tpu.memref_slice %arg10[%dma_wait3A_407, %dma_wait3A_408] : memref<10240x64xf32, #tpu.memory_space<vmem_shared>> -> memref<10240x64xf32, #tpu.memory_space<vmem_shared>>
        tpu.wait_indirect_dma semaphore(%run_scoped3A_389 : memref<!tpu.dma_semaphore, #tpu.memory_space<semaphore_mem>>) src(%dma_wait3A_403 : memref<128x64xf32, #tpu.memory_space<vmem>>) dst(%dma_wait3A_409 : memref<10240x64xf32, #tpu.memory_space<vmem_shared>>)
        tpu.yield
      }) : () -> ()
      %add3A_329 = arith.constant 4 : i32
      %add3A_330 = arith.addi %add3A_311, %add3A_329 : i32
      %sub3A_331 = arith.constant 1 : i32
      %sub3A_332 = arith.subi %add3A_330, %sub3A_331 : i32
      %dma_start3A_333 = arith.constant 1 : i32
      %dma_start3A_334 = arith.constant 0 : i32
      %dma_start3A_335 = arith.constant 0 : i32
      %dma_start3A_336 = tpu.memref_slice %arg8[%dma_start3A_333, %dma_start3A_334, %dma_start3A_335] : memref<4x128x64xf32, #tpu.memory_space<vmem>> -> memref<1x128x64xf32, #tpu.memory_space<vmem>>
      %dma_start3A_337 = tpu.memref_squeeze %dma_start3A_336 : memref<1x128x64xf32, #tpu.memory_space<vmem>> -> memref<128x64xf32, #tpu.memory_space<vmem>>
      %dma_start3A_338 = arith.constant 0 : i32
      %dma_start3A_339 = tpu.memref_slice %arg6[%sub3A_332, %dma_start3A_338] : memref<157x128xi32, #tpu.memory_space<vmem>> -> memref<1x128xi32, #tpu.memory_space<vmem>>
      %dma_start3A_340 = tpu.memref_squeeze %dma_start3A_339 : memref<1x128xi32, #tpu.memory_space<vmem>> -> memref<128xi32, #tpu.memory_space<vmem>>
      %dma_start3A_341 = arith.constant 0 : i32
      %dma_start3A_342 = arith.constant 0 : i32
      %dma_start3A_343 = tpu.memref_slice %arg2[%arg0, %dma_start3A_341, %dma_start3A_342] : memref<2x10000x64xf32, #tpu.memory_space<hbm>> -> memref<1x10000x64xf32, #tpu.memory_space<hbm>>
      %dma_start3A_344 = tpu.memref_squeeze %dma_start3A_343 : memref<1x10000x64xf32, #tpu.memory_space<hbm>> -> memref<10000x64xf32, #tpu.memory_space<hbm>>
      %dma_start3A_345 = arith.constant 0 : i32
      %dma_start3A_346 = arith.constant 0 : i32
      %dma_start3A_347 = tpu.memref_slice %dma_start3A_344[%dma_start3A_345, %dma_start3A_346] : memref<10000x64xf32, #tpu.memory_space<hbm>> -> memref<10000x64xf32, #tpu.memory_space<hbm>>
      tpu.enqueue_indirect_dma source(%dma_start3A_347 : memref<10000x64xf32, #tpu.memory_space<hbm>>) target(%dma_start3A_337 : memref<128x64xf32, #tpu.memory_space<vmem>>) offsets(%dma_start3A_340 : memref<128xi32, #tpu.memory_space<vmem>>) semaphore(%arg12 : memref<!tpu.dma_semaphore, #tpu.memory_space<semaphore_mem>>)
      %mul3A_348 = arith.constant 4 : i32
      %mul3A_349 = arith.muli %mul3A_348, %scan3A_227 : i32
      %add3A_350 = arith.constant 3 : i32
      %add3A_351 = arith.addi %mul3A_349, %add3A_350 : i32
      %dma_wait3A_352 = arith.constant 0 : i32
      %dma_wait3A_353 = arith.constant 3 : i32
      %dma_wait3A_354 = arith.constant 0 : i32
      %dma_wait3A_355 = arith.constant 0 : i32
      %dma_wait3A_356 = tpu.memref_slice %arg8[%dma_wait3A_353, %dma_wait3A_354, %dma_wait3A_355] : memref<4x128x64xf32, #tpu.memory_space<vmem>> -> memref<1x128x64xf32, #tpu.memory_space<vmem>>
      %dma_wait3A_357 = tpu.memref_squeeze %dma_wait3A_356 : memref<1x128x64xf32, #tpu.memory_space<vmem>> -> memref<128x64xf32, #tpu.memory_space<vmem>>
      %dma_wait3A_358 = arith.constant 0 : i32
      %dma_wait3A_359 = tpu.memref_slice %arg6[%dma_wait3A_352, %dma_wait3A_358] : memref<157x128xi32, #tpu.memory_space<vmem>> -> memref<1x128xi32, #tpu.memory_space<vmem>>
      %dma_wait3A_360 = tpu.memref_squeeze %dma_wait3A_359 : memref<1x128xi32, #tpu.memory_space<vmem>> -> memref<128xi32, #tpu.memory_space<vmem>>
      %dma_wait3A_361 = arith.constant 0 : i32
      %dma_wait3A_362 = arith.constant 0 : i32
      %dma_wait3A_363 = tpu.memref_slice %arg2[%arg0, %dma_wait3A_361, %dma_wait3A_362] : memref<2x10000x64xf32, #tpu.memory_space<hbm>> -> memref<1x10000x64xf32, #tpu.memory_space<hbm>>
      %dma_wait3A_364 = tpu.memref_squeeze %dma_wait3A_363 : memref<1x10000x64xf32, #tpu.memory_space<hbm>> -> memref<10000x64xf32, #tpu.memory_space<hbm>>
      %dma_wait3A_365 = arith.constant 0 : i32
      %dma_wait3A_366 = arith.constant 0 : i32
      %dma_wait3A_367 = tpu.memref_slice %dma_wait3A_364[%dma_wait3A_365, %dma_wait3A_366] : memref<10000x64xf32, #tpu.memory_space<hbm>> -> memref<10000x64xf32, #tpu.memory_space<hbm>>
      tpu.wait_indirect_dma semaphore(%arg14 : memref<!tpu.dma_semaphore, #tpu.memory_space<semaphore_mem>>) src(%dma_wait3A_367 : memref<10000x64xf32, #tpu.memory_space<hbm>>) dst(%dma_wait3A_357 : memref<128x64xf32, #tpu.memory_space<vmem>>)
      %run_scoped3A_368 = arith.constant 3 : i32
      "tpu.region"() ({
        %run_scoped3A_389 = tpu.sem_alloc : memref<!tpu.dma_semaphore, #tpu.memory_space<semaphore_mem>>
        %dma_start3A_390 = arith.constant 0 : i32
        %dma_start3A_391 = arith.constant 0 : i32
        %dma_start3A_392 = tpu.memref_slice %arg8[%run_scoped3A_368, %dma_start3A_390, %dma_start3A_391] : memref<4x128x64xf32, #tpu.memory_space<vmem>> -> memref<1x128x64xf32, #tpu.memory_space<vmem>>
        %dma_start3A_393 = tpu.memref_squeeze %dma_start3A_392 : memref<1x128x64xf32, #tpu.memory_space<vmem>> -> memref<128x64xf32, #tpu.memory_space<vmem>>
        %dma_start3A_394 = arith.constant 0 : i32
        %dma_start3A_395 = tpu.memref_slice %arg7[%add3A_351, %dma_start3A_394] : memref<157x128xi32, #tpu.memory_space<vmem>> -> memref<1x128xi32, #tpu.memory_space<vmem>>
        %dma_start3A_396 = tpu.memref_squeeze %dma_start3A_395 : memref<1x128xi32, #tpu.memory_space<vmem>> -> memref<128xi32, #tpu.memory_space<vmem>>
        %dma_start3A_397 = arith.constant 0 : i32
        %dma_start3A_398 = arith.constant 0 : i32
        %dma_start3A_399 = tpu.memref_slice %arg10[%dma_start3A_397, %dma_start3A_398] : memref<10240x64xf32, #tpu.memory_space<vmem_shared>> -> memref<10240x64xf32, #tpu.memory_space<vmem_shared>>
        tpu.enqueue_indirect_dma source(%dma_start3A_393 : memref<128x64xf32, #tpu.memory_space<vmem>>) target(%dma_start3A_399 : memref<10240x64xf32, #tpu.memory_space<vmem_shared>>) offsets(%dma_start3A_396 : memref<128xi32, #tpu.memory_space<vmem>>) semaphore(%run_scoped3A_389 : memref<!tpu.dma_semaphore, #tpu.memory_space<semaphore_mem>>) {add = true}
        %dma_wait3A_400 = arith.constant 0 : i32
        %dma_wait3A_401 = arith.constant 0 : i32
        %dma_wait3A_402 = tpu.memref_slice %arg8[%run_scoped3A_368, %dma_wait3A_400, %dma_wait3A_401] : memref<4x128x64xf32, #tpu.memory_space<vmem>> -> memref<1x128x64xf32, #tpu.memory_space<vmem>>
        %dma_wait3A_403 = tpu.memref_squeeze %dma_wait3A_402 : memref<1x128x64xf32, #tpu.memory_space<vmem>> -> memref<128x64xf32, #tpu.memory_space<vmem>>
        %dma_wait3A_404 = arith.constant 0 : i32
        %dma_wait3A_405 = tpu.memref_slice %arg7[%add3A_351, %dma_wait3A_404] : memref<157x128xi32, #tpu.memory_space<vmem>> -> memref<1x128xi32, #tpu.memory_space<vmem>>
        %dma_wait3A_406 = tpu.memref_squeeze %dma_wait3A_405 : memref<1x128xi32, #tpu.memory_space<vmem>> -> memref<128xi32, #tpu.memory_space<vmem>>
        %dma_wait3A_407 = arith.constant 0 : i32
        %dma_wait3A_408 = arith.constant 0 : i32
        %dma_wait3A_409 = tpu.memref_slice %arg10[%dma_wait3A_407, %dma_wait3A_408] : memref<10240x64xf32, #tpu.memory_space<vmem_shared>> -> memref<10240x64xf32, #tpu.memory_space<vmem_shared>>
        tpu.wait_indirect_dma semaphore(%run_scoped3A_389 : memref<!tpu.dma_semaphore, #tpu.memory_space<semaphore_mem>>) src(%dma_wait3A_403 : memref<128x64xf32, #tpu.memory_space<vmem>>) dst(%dma_wait3A_409 : memref<10240x64xf32, #tpu.memory_space<vmem_shared>>)
        tpu.yield
      }) : () -> ()
      %add3A_369 = arith.constant 4 : i32
      %add3A_370 = arith.addi %add3A_351, %add3A_369 : i32
      %sub3A_371 = arith.constant 1 : i32
      %sub3A_372 = arith.subi %add3A_370, %sub3A_371 : i32
      %dma_start3A_373 = arith.constant 2 : i32
      %dma_start3A_374 = arith.constant 0 : i32
      %dma_start3A_375 = arith.constant 0 : i32
      %dma_start3A_376 = tpu.memref_slice %arg8[%dma_start3A_373, %dma_start3A_374, %dma_start3A_375] : memref<4x128x64xf32, #tpu.memory_space<vmem>> -> memref<1x128x64xf32, #tpu.memory_space<vmem>>
      %dma_start3A_377 = tpu.memref_squeeze %dma_start3A_376 : memref<1x128x64xf32, #tpu.memory_space<vmem>> -> memref<128x64xf32, #tpu.memory_space<vmem>>
      %dma_start3A_378 = arith.constant 0 : i32
      %dma_start3A_379 = tpu.memref_slice %arg6[%sub3A_372, %dma_start3A_378] : memref<157x128xi32, #tpu.memory_space<vmem>> -> memref<1x128xi32, #tpu.memory_space<vmem>>
      %dma_start3A_380 = tpu.memref_squeeze %dma_start3A_379 : memref<1x128xi32, #tpu.memory_space<vmem>> -> memref<128xi32, #tpu.memory_space<vmem>>
      %dma_start3A_381 = arith.constant 0 : i32
      %dma_start3A_382 = arith.constant 0 : i32
      %dma_start3A_383 = tpu.memref_slice %arg2[%arg0, %dma_start3A_381, %dma_start3A_382] : memref<2x10000x64xf32, #tpu.memory_space<hbm>> -> memref<1x10000x64xf32, #tpu.memory_space<hbm>>
      %dma_start3A_384 = tpu.memref_squeeze %dma_start3A_383 : memref<1x10000x64xf32, #tpu.memory_space<hbm>> -> memref<10000x64xf32, #tpu.memory_space<hbm>>
      %dma_start3A_385 = arith.constant 0 : i32
      %dma_start3A_386 = arith.constant 0 : i32
      %dma_start3A_387 = tpu.memref_slice %dma_start3A_384[%dma_start3A_385, %dma_start3A_386] : memref<10000x64xf32, #tpu.memory_space<hbm>> -> memref<10000x64xf32, #tpu.memory_space<hbm>>
      tpu.enqueue_indirect_dma source(%dma_start3A_387 : memref<10000x64xf32, #tpu.memory_space<hbm>>) target(%dma_start3A_377 : memref<128x64xf32, #tpu.memory_space<vmem>>) offsets(%dma_start3A_380 : memref<128xi32, #tpu.memory_space<vmem>>) semaphore(%arg13 : memref<!tpu.dma_semaphore, #tpu.memory_space<semaphore_mem>>)
      %scan3A_388 = arith.constant 0 : i32
      scf.yield %scan3A_388 : i32
    }
    %scan3A_97 = arith.constant 38 : i32
    %dma_wait3A = arith.constant 0 : i32
    %dma_wait3A_98 = arith.constant 0 : i32
    %dma_wait3A_99 = arith.constant 0 : i32
    %dma_wait3A_100 = arith.constant 0 : i32
    %dma_wait3A_101 = tpu.memref_slice %arg8[%dma_wait3A_98, %dma_wait3A_99, %dma_wait3A_100] : memref<4x128x64xf32, #tpu.memory_space<vmem>> -> memref<1x128x64xf32, #tpu.memory_space<vmem>>
    %dma_wait3A_102 = tpu.memref_squeeze %dma_wait3A_101 : memref<1x128x64xf32, #tpu.memory_space<vmem>> -> memref<128x64xf32, #tpu.memory_space<vmem>>
    %dma_wait3A_103 = arith.constant 0 : i32
    %dma_wait3A_104 = tpu.memref_slice %arg6[%dma_wait3A, %dma_wait3A_103] : memref<157x128xi32, #tpu.memory_space<vmem>> -> memref<1x128xi32, #tpu.memory_space<vmem>>
    %dma_wait3A_105 = tpu.memref_squeeze %dma_wait3A_104 : memref<1x128xi32, #tpu.memory_space<vmem>> -> memref<128xi32, #tpu.memory_space<vmem>>
    %dma_wait3A_106 = arith.constant 0 : i32
    %dma_wait3A_107 = arith.constant 0 : i32
    %dma_wait3A_108 = tpu.memref_slice %arg2[%arg0, %dma_wait3A_106, %dma_wait3A_107] : memref<2x10000x64xf32, #tpu.memory_space<hbm>> -> memref<1x10000x64xf32, #tpu.memory_space<hbm>>
    %dma_wait3A_109 = tpu.memref_squeeze %dma_wait3A_108 : memref<1x10000x64xf32, #tpu.memory_space<hbm>> -> memref<10000x64xf32, #tpu.memory_space<hbm>>
    %dma_wait3A_110 = arith.constant 0 : i32
    %dma_wait3A_111 = arith.constant 0 : i32
    %dma_wait3A_112 = tpu.memref_slice %dma_wait3A_109[%dma_wait3A_110, %dma_wait3A_111] : memref<10000x64xf32, #tpu.memory_space<hbm>> -> memref<10000x64xf32, #tpu.memory_space<hbm>>
    tpu.wait_indirect_dma semaphore(%arg11 : memref<!tpu.dma_semaphore, #tpu.memory_space<semaphore_mem>>) src(%dma_wait3A_112 : memref<10000x64xf32, #tpu.memory_space<hbm>>) dst(%dma_wait3A_102 : memref<128x64xf32, #tpu.memory_space<vmem>>)
    %run_scoped3A = arith.constant 0 : i32
    %run_scoped3A_113 = arith.constant 152 : i32
    "tpu.region"() ({
      %run_scoped3A_227 = tpu.sem_alloc : memref<!tpu.dma_semaphore, #tpu.memory_space<semaphore_mem>>
      %dma_start3A_228 = arith.constant 0 : i32
      %dma_start3A_229 = arith.constant 0 : i32
      %dma_start3A_230 = tpu.memref_slice %arg8[%run_scoped3A, %dma_start3A_228, %dma_start3A_229] : memref<4x128x64xf32, #tpu.memory_space<vmem>> -> memref<1x128x64xf32, #tpu.memory_space<vmem>>
      %dma_start3A_231 = tpu.memref_squeeze %dma_start3A_230 : memref<1x128x64xf32, #tpu.memory_space<vmem>> -> memref<128x64xf32, #tpu.memory_space<vmem>>
      %dma_start3A_232 = arith.constant 0 : i32
      %dma_start3A_233 = tpu.memref_slice %arg7[%run_scoped3A_113, %dma_start3A_232] : memref<157x128xi32, #tpu.memory_space<vmem>> -> memref<1x128xi32, #tpu.memory_space<vmem>>
      %dma_start3A_234 = tpu.memref_squeeze %dma_start3A_233 : memref<1x128xi32, #tpu.memory_space<vmem>> -> memref<128xi32, #tpu.memory_space<vmem>>
      %dma_start3A_235 = arith.constant 0 : i32
      %dma_start3A_236 = arith.constant 0 : i32
      %dma_start3A_237 = tpu.memref_slice %arg10[%dma_start3A_235, %dma_start3A_236] : memref<10240x64xf32, #tpu.memory_space<vmem_shared>> -> memref<10240x64xf32, #tpu.memory_space<vmem_shared>>
      tpu.enqueue_indirect_dma source(%dma_start3A_231 : memref<128x64xf32, #tpu.memory_space<vmem>>) target(%dma_start3A_237 : memref<10240x64xf32, #tpu.memory_space<vmem_shared>>) offsets(%dma_start3A_234 : memref<128xi32, #tpu.memory_space<vmem>>) semaphore(%run_scoped3A_227 : memref<!tpu.dma_semaphore, #tpu.memory_space<semaphore_mem>>) {add = true}
      %dma_wait3A_238 = arith.constant 0 : i32
      %dma_wait3A_239 = arith.constant 0 : i32
      %dma_wait3A_240 = tpu.memref_slice %arg8[%run_scoped3A, %dma_wait3A_238, %dma_wait3A_239] : memref<4x128x64xf32, #tpu.memory_space<vmem>> -> memref<1x128x64xf32, #tpu.memory_space<vmem>>
      %dma_wait3A_241 = tpu.memref_squeeze %dma_wait3A_240 : memref<1x128x64xf32, #tpu.memory_space<vmem>> -> memref<128x64xf32, #tpu.memory_space<vmem>>
      %dma_wait3A_242 = arith.constant 0 : i32
      %dma_wait3A_243 = tpu.memref_slice %arg7[%run_scoped3A_113, %dma_wait3A_242] : memref<157x128xi32, #tpu.memory_space<vmem>> -> memref<1x128xi32, #tpu.memory_space<vmem>>
      %dma_wait3A_244 = tpu.memref_squeeze %dma_wait3A_243 : memref<1x128xi32, #tpu.memory_space<vmem>> -> memref<128xi32, #tpu.memory_space<vmem>>
      %dma_wait3A_245 = arith.constant 0 : i32
      %dma_wait3A_246 = arith.constant 0 : i32
      %dma_wait3A_247 = tpu.memref_slice %arg10[%dma_wait3A_245, %dma_wait3A_246] : memref<10240x64xf32, #tpu.memory_space<vmem_shared>> -> memref<10240x64xf32, #tpu.memory_space<vmem_shared>>
      tpu.wait_indirect_dma semaphore(%run_scoped3A_227 : memref<!tpu.dma_semaphore, #tpu.memory_space<semaphore_mem>>) src(%dma_wait3A_241 : memref<128x64xf32, #tpu.memory_space<vmem>>) dst(%dma_wait3A_247 : memref<10240x64xf32, #tpu.memory_space<vmem_shared>>)
      tpu.yield
    }) : () -> ()
    %dma_start3A_114 = arith.constant 155 : i32
    %dma_start3A_115 = arith.constant 3 : i32
    %dma_start3A_116 = arith.constant 0 : i32
    %dma_start3A_117 = arith.constant 0 : i32
    %dma_start3A_118 = tpu.memref_slice %arg8[%dma_start3A_115, %dma_start3A_116, %dma_start3A_117] : memref<4x128x64xf32, #tpu.memory_space<vmem>> -> memref<1x128x64xf32, #tpu.memory_space<vmem>>
    %dma_start3A_119 = tpu.memref_squeeze %dma_start3A_118 : memref<1x128x64xf32, #tpu.memory_space<vmem>> -> memref<128x64xf32, #tpu.memory_space<vmem>>
    %dma_start3A_120 = arith.constant 0 : i32
    %dma_start3A_121 = tpu.memref_slice %arg6[%dma_start3A_114, %dma_start3A_120] : memref<157x128xi32, #tpu.memory_space<vmem>> -> memref<1x128xi32, #tpu.memory_space<vmem>>
    %dma_start3A_122 = tpu.memref_squeeze %dma_start3A_121 : memref<1x128xi32, #tpu.memory_space<vmem>> -> memref<128xi32, #tpu.memory_space<vmem>>
    %dma_start3A_123 = arith.constant 0 : i32
    %dma_start3A_124 = arith.constant 0 : i32
    %dma_start3A_125 = tpu.memref_slice %arg2[%arg0, %dma_start3A_123, %dma_start3A_124] : memref<2x10000x64xf32, #tpu.memory_space<hbm>> -> memref<1x10000x64xf32, #tpu.memory_space<hbm>>
    %dma_start3A_126 = tpu.memref_squeeze %dma_start3A_125 : memref<1x10000x64xf32, #tpu.memory_space<hbm>> -> memref<10000x64xf32, #tpu.memory_space<hbm>>
    %dma_start3A_127 = arith.constant 0 : i32
    %dma_start3A_128 = arith.constant 0 : i32
    %dma_start3A_129 = tpu.memref_slice %dma_start3A_126[%dma_start3A_127, %dma_start3A_128] : memref<10000x64xf32, #tpu.memory_space<hbm>> -> memref<10000x64xf32, #tpu.memory_space<hbm>>
    tpu.enqueue_indirect_dma source(%dma_start3A_129 : memref<10000x64xf32, #tpu.memory_space<hbm>>) target(%dma_start3A_119 : memref<128x64xf32, #tpu.memory_space<vmem>>) offsets(%dma_start3A_122 : memref<128xi32, #tpu.memory_space<vmem>>) semaphore(%arg14 : memref<!tpu.dma_semaphore, #tpu.memory_space<semaphore_mem>>)
    %dma_wait3A_130 = arith.constant 0 : i32
    %dma_wait3A_131 = arith.constant 1 : i32
    %dma_wait3A_132 = arith.constant 0 : i32
    %dma_wait3A_133 = arith.constant 0 : i32
    %dma_wait3A_134 = tpu.memref_slice %arg8[%dma_wait3A_131, %dma_wait3A_132, %dma_wait3A_133] : memref<4x128x64xf32, #tpu.memory_space<vmem>> -> memref<1x128x64xf32, #tpu.memory_space<vmem>>
    %dma_wait3A_135 = tpu.memref_squeeze %dma_wait3A_134 : memref<1x128x64xf32, #tpu.memory_space<vmem>> -> memref<128x64xf32, #tpu.memory_space<vmem>>
    %dma_wait3A_136 = arith.constant 0 : i32
    %dma_wait3A_137 = tpu.memref_slice %arg6[%dma_wait3A_130, %dma_wait3A_136] : memref<157x128xi32, #tpu.memory_space<vmem>> -> memref<1x128xi32, #tpu.memory_space<vmem>>
    %dma_wait3A_138 = tpu.memref_squeeze %dma_wait3A_137 : memref<1x128xi32, #tpu.memory_space<vmem>> -> memref<128xi32, #tpu.memory_space<vmem>>
    %dma_wait3A_139 = arith.constant 0 : i32
    %dma_wait3A_140 = arith.constant 0 : i32
    %dma_wait3A_141 = tpu.memref_slice %arg2[%arg0, %dma_wait3A_139, %dma_wait3A_140] : memref<2x10000x64xf32, #tpu.memory_space<hbm>> -> memref<1x10000x64xf32, #tpu.memory_space<hbm>>
    %dma_wait3A_142 = tpu.memref_squeeze %dma_wait3A_141 : memref<1x10000x64xf32, #tpu.memory_space<hbm>> -> memref<10000x64xf32, #tpu.memory_space<hbm>>
    %dma_wait3A_143 = arith.constant 0 : i32
    %dma_wait3A_144 = arith.constant 0 : i32
    %dma_wait3A_145 = tpu.memref_slice %dma_wait3A_142[%dma_wait3A_143, %dma_wait3A_144] : memref<10000x64xf32, #tpu.memory_space<hbm>> -> memref<10000x64xf32, #tpu.memory_space<hbm>>
    tpu.wait_indirect_dma semaphore(%arg12 : memref<!tpu.dma_semaphore, #tpu.memory_space<semaphore_mem>>) src(%dma_wait3A_145 : memref<10000x64xf32, #tpu.memory_space<hbm>>) dst(%dma_wait3A_135 : memref<128x64xf32, #tpu.memory_space<vmem>>)
    %run_scoped3A_146 = arith.constant 1 : i32
    %run_scoped3A_147 = arith.constant 153 : i32
    "tpu.region"() ({
      %run_scoped3A_227 = tpu.sem_alloc : memref<!tpu.dma_semaphore, #tpu.memory_space<semaphore_mem>>
      %dma_start3A_228 = arith.constant 0 : i32
      %dma_start3A_229 = arith.constant 0 : i32
      %dma_start3A_230 = tpu.memref_slice %arg8[%run_scoped3A_146, %dma_start3A_228, %dma_start3A_229] : memref<4x128x64xf32, #tpu.memory_space<vmem>> -> memref<1x128x64xf32, #tpu.memory_space<vmem>>
      %dma_start3A_231 = tpu.memref_squeeze %dma_start3A_230 : memref<1x128x64xf32, #tpu.memory_space<vmem>> -> memref<128x64xf32, #tpu.memory_space<vmem>>
      %dma_start3A_232 = arith.constant 0 : i32
      %dma_start3A_233 = tpu.memref_slice %arg7[%run_scoped3A_147, %dma_start3A_232] : memref<157x128xi32, #tpu.memory_space<vmem>> -> memref<1x128xi32, #tpu.memory_space<vmem>>
      %dma_start3A_234 = tpu.memref_squeeze %dma_start3A_233 : memref<1x128xi32, #tpu.memory_space<vmem>> -> memref<128xi32, #tpu.memory_space<vmem>>
      %dma_start3A_235 = arith.constant 0 : i32
      %dma_start3A_236 = arith.constant 0 : i32
      %dma_start3A_237 = tpu.memref_slice %arg10[%dma_start3A_235, %dma_start3A_236] : memref<10240x64xf32, #tpu.memory_space<vmem_shared>> -> memref<10240x64xf32, #tpu.memory_space<vmem_shared>>
      tpu.enqueue_indirect_dma source(%dma_start3A_231 : memref<128x64xf32, #tpu.memory_space<vmem>>) target(%dma_start3A_237 : memref<10240x64xf32, #tpu.memory_space<vmem_shared>>) offsets(%dma_start3A_234 : memref<128xi32, #tpu.memory_space<vmem>>) semaphore(%run_scoped3A_227 : memref<!tpu.dma_semaphore, #tpu.memory_space<semaphore_mem>>) {add = true}
      %dma_wait3A_238 = arith.constant 0 : i32
      %dma_wait3A_239 = arith.constant 0 : i32
      %dma_wait3A_240 = tpu.memref_slice %arg8[%run_scoped3A_146, %dma_wait3A_238, %dma_wait3A_239] : memref<4x128x64xf32, #tpu.memory_space<vmem>> -> memref<1x128x64xf32, #tpu.memory_space<vmem>>
      %dma_wait3A_241 = tpu.memref_squeeze %dma_wait3A_240 : memref<1x128x64xf32, #tpu.memory_space<vmem>> -> memref<128x64xf32, #tpu.memory_space<vmem>>
      %dma_wait3A_242 = arith.constant 0 : i32
      %dma_wait3A_243 = tpu.memref_slice %arg7[%run_scoped3A_147, %dma_wait3A_242] : memref<157x128xi32, #tpu.memory_space<vmem>> -> memref<1x128xi32, #tpu.memory_space<vmem>>
      %dma_wait3A_244 = tpu.memref_squeeze %dma_wait3A_243 : memref<1x128xi32, #tpu.memory_space<vmem>> -> memref<128xi32, #tpu.memory_space<vmem>>
      %dma_wait3A_245 = arith.constant 0 : i32
      %dma_wait3A_246 = arith.constant 0 : i32
      %dma_wait3A_247 = tpu.memref_slice %arg10[%dma_wait3A_245, %dma_wait3A_246] : memref<10240x64xf32, #tpu.memory_space<vmem_shared>> -> memref<10240x64xf32, #tpu.memory_space<vmem_shared>>
      tpu.wait_indirect_dma semaphore(%run_scoped3A_227 : memref<!tpu.dma_semaphore, #tpu.memory_space<semaphore_mem>>) src(%dma_wait3A_241 : memref<128x64xf32, #tpu.memory_space<vmem>>) dst(%dma_wait3A_247 : memref<10240x64xf32, #tpu.memory_space<vmem_shared>>)
      tpu.yield
    }) : () -> ()
    %dma_start3A_148 = arith.constant 156 : i32
    %dma_start3A_149 = arith.constant 0 : i32
    %dma_start3A_150 = arith.constant 0 : i32
    %dma_start3A_151 = arith.constant 0 : i32
    %dma_start3A_152 = tpu.memref_slice %arg8[%dma_start3A_149, %dma_start3A_150, %dma_start3A_151] : memref<4x128x64xf32, #tpu.memory_space<vmem>> -> memref<1x128x64xf32, #tpu.memory_space<vmem>>
    %dma_start3A_153 = tpu.memref_squeeze %dma_start3A_152 : memref<1x128x64xf32, #tpu.memory_space<vmem>> -> memref<128x64xf32, #tpu.memory_space<vmem>>
    %dma_start3A_154 = arith.constant 0 : i32
    %dma_start3A_155 = tpu.memref_slice %arg6[%dma_start3A_148, %dma_start3A_154] : memref<157x128xi32, #tpu.memory_space<vmem>> -> memref<1x128xi32, #tpu.memory_space<vmem>>
    %dma_start3A_156 = tpu.memref_squeeze %dma_start3A_155 : memref<1x128xi32, #tpu.memory_space<vmem>> -> memref<128xi32, #tpu.memory_space<vmem>>
    %dma_start3A_157 = arith.constant 0 : i32
    %dma_start3A_158 = arith.constant 0 : i32
    %dma_start3A_159 = tpu.memref_slice %arg2[%arg0, %dma_start3A_157, %dma_start3A_158] : memref<2x10000x64xf32, #tpu.memory_space<hbm>> -> memref<1x10000x64xf32, #tpu.memory_space<hbm>>
    %dma_start3A_160 = tpu.memref_squeeze %dma_start3A_159 : memref<1x10000x64xf32, #tpu.memory_space<hbm>> -> memref<10000x64xf32, #tpu.memory_space<hbm>>
    %dma_start3A_161 = arith.constant 0 : i32
    %dma_start3A_162 = arith.constant 0 : i32
    %dma_start3A_163 = tpu.memref_slice %dma_start3A_160[%dma_start3A_161, %dma_start3A_162] : memref<10000x64xf32, #tpu.memory_space<hbm>> -> memref<10000x64xf32, #tpu.memory_space<hbm>>
    tpu.enqueue_indirect_dma source(%dma_start3A_163 : memref<10000x64xf32, #tpu.memory_space<hbm>>) target(%dma_start3A_153 : memref<128x64xf32, #tpu.memory_space<vmem>>) offsets(%dma_start3A_156 : memref<128xi32, #tpu.memory_space<vmem>>) semaphore(%arg11 : memref<!tpu.dma_semaphore, #tpu.memory_space<semaphore_mem>>)
    %dma_wait3A_164 = arith.constant 0 : i32
    %dma_wait3A_165 = arith.constant 2 : i32
    %dma_wait3A_166 = arith.constant 0 : i32
    %dma_wait3A_167 = arith.constant 0 : i32
    %dma_wait3A_168 = tpu.memref_slice %arg8[%dma_wait3A_165, %dma_wait3A_166, %dma_wait3A_167] : memref<4x128x64xf32, #tpu.memory_space<vmem>> -> memref<1x128x64xf32, #tpu.memory_space<vmem>>
    %dma_wait3A_169 = tpu.memref_squeeze %dma_wait3A_168 : memref<1x128x64xf32, #tpu.memory_space<vmem>> -> memref<128x64xf32, #tpu.memory_space<vmem>>
    %dma_wait3A_170 = arith.constant 0 : i32
    %dma_wait3A_171 = tpu.memref_slice %arg6[%dma_wait3A_164, %dma_wait3A_170] : memref<157x128xi32, #tpu.memory_space<vmem>> -> memref<1x128xi32, #tpu.memory_space<vmem>>
    %dma_wait3A_172 = tpu.memref_squeeze %dma_wait3A_171 : memref<1x128xi32, #tpu.memory_space<vmem>> -> memref<128xi32, #tpu.memory_space<vmem>>
    %dma_wait3A_173 = arith.constant 0 : i32
    %dma_wait3A_174 = arith.constant 0 : i32
    %dma_wait3A_175 = tpu.memref_slice %arg2[%arg0, %dma_wait3A_173, %dma_wait3A_174] : memref<2x10000x64xf32, #tpu.memory_space<hbm>> -> memref<1x10000x64xf32, #tpu.memory_space<hbm>>
    %dma_wait3A_176 = tpu.memref_squeeze %dma_wait3A_175 : memref<1x10000x64xf32, #tpu.memory_space<hbm>> -> memref<10000x64xf32, #tpu.memory_space<hbm>>
    %dma_wait3A_177 = arith.constant 0 : i32
    %dma_wait3A_178 = arith.constant 0 : i32
    %dma_wait3A_179 = tpu.memref_slice %dma_wait3A_176[%dma_wait3A_177, %dma_wait3A_178] : memref<10000x64xf32, #tpu.memory_space<hbm>> -> memref<10000x64xf32, #tpu.memory_space<hbm>>
    tpu.wait_indirect_dma semaphore(%arg13 : memref<!tpu.dma_semaphore, #tpu.memory_space<semaphore_mem>>) src(%dma_wait3A_179 : memref<10000x64xf32, #tpu.memory_space<hbm>>) dst(%dma_wait3A_169 : memref<128x64xf32, #tpu.memory_space<vmem>>)
    %run_scoped3A_180 = arith.constant 2 : i32
    %run_scoped3A_181 = arith.constant 154 : i32
    "tpu.region"() ({
      %run_scoped3A_227 = tpu.sem_alloc : memref<!tpu.dma_semaphore, #tpu.memory_space<semaphore_mem>>
      %dma_start3A_228 = arith.constant 0 : i32
      %dma_start3A_229 = arith.constant 0 : i32
      %dma_start3A_230 = tpu.memref_slice %arg8[%run_scoped3A_180, %dma_start3A_228, %dma_start3A_229] : memref<4x128x64xf32, #tpu.memory_space<vmem>> -> memref<1x128x64xf32, #tpu.memory_space<vmem>>
      %dma_start3A_231 = tpu.memref_squeeze %dma_start3A_230 : memref<1x128x64xf32, #tpu.memory_space<vmem>> -> memref<128x64xf32, #tpu.memory_space<vmem>>
      %dma_start3A_232 = arith.constant 0 : i32
      %dma_start3A_233 = tpu.memref_slice %arg7[%run_scoped3A_181, %dma_start3A_232] : memref<157x128xi32, #tpu.memory_space<vmem>> -> memref<1x128xi32, #tpu.memory_space<vmem>>
      %dma_start3A_234 = tpu.memref_squeeze %dma_start3A_233 : memref<1x128xi32, #tpu.memory_space<vmem>> -> memref<128xi32, #tpu.memory_space<vmem>>
      %dma_start3A_235 = arith.constant 0 : i32
      %dma_start3A_236 = arith.constant 0 : i32
      %dma_start3A_237 = tpu.memref_slice %arg10[%dma_start3A_235, %dma_start3A_236] : memref<10240x64xf32, #tpu.memory_space<vmem_shared>> -> memref<10240x64xf32, #tpu.memory_space<vmem_shared>>
      tpu.enqueue_indirect_dma source(%dma_start3A_231 : memref<128x64xf32, #tpu.memory_space<vmem>>) target(%dma_start3A_237 : memref<10240x64xf32, #tpu.memory_space<vmem_shared>>) offsets(%dma_start3A_234 : memref<128xi32, #tpu.memory_space<vmem>>) semaphore(%run_scoped3A_227 : memref<!tpu.dma_semaphore, #tpu.memory_space<semaphore_mem>>) {add = true}
      %dma_wait3A_238 = arith.constant 0 : i32
      %dma_wait3A_239 = arith.constant 0 : i32
      %dma_wait3A_240 = tpu.memref_slice %arg8[%run_scoped3A_180, %dma_wait3A_238, %dma_wait3A_239] : memref<4x128x64xf32, #tpu.memory_space<vmem>> -> memref<1x128x64xf32, #tpu.memory_space<vmem>>
      %dma_wait3A_241 = tpu.memref_squeeze %dma_wait3A_240 : memref<1x128x64xf32, #tpu.memory_space<vmem>> -> memref<128x64xf32, #tpu.memory_space<vmem>>
      %dma_wait3A_242 = arith.constant 0 : i32
      %dma_wait3A_243 = tpu.memref_slice %arg7[%run_scoped3A_181, %dma_wait3A_242] : memref<157x128xi32, #tpu.memory_space<vmem>> -> memref<1x128xi32, #tpu.memory_space<vmem>>
      %dma_wait3A_244 = tpu.memref_squeeze %dma_wait3A_243 : memref<1x128xi32, #tpu.memory_space<vmem>> -> memref<128xi32, #tpu.memory_space<vmem>>
      %dma_wait3A_245 = arith.constant 0 : i32
      %dma_wait3A_246 = arith.constant 0 : i32
      %dma_wait3A_247 = tpu.memref_slice %arg10[%dma_wait3A_245, %dma_wait3A_246] : memref<10240x64xf32, #tpu.memory_space<vmem_shared>> -> memref<10240x64xf32, #tpu.memory_space<vmem_shared>>
      tpu.wait_indirect_dma semaphore(%run_scoped3A_227 : memref<!tpu.dma_semaphore, #tpu.memory_space<semaphore_mem>>) src(%dma_wait3A_241 : memref<128x64xf32, #tpu.memory_space<vmem>>) dst(%dma_wait3A_247 : memref<10240x64xf32, #tpu.memory_space<vmem_shared>>)
      tpu.yield
    }) : () -> ()
    %dma_wait3A_182 = arith.constant 0 : i32
    %dma_wait3A_183 = arith.constant 3 : i32
    %dma_wait3A_184 = arith.constant 0 : i32
    %dma_wait3A_185 = arith.constant 0 : i32
    %dma_wait3A_186 = tpu.memref_slice %arg8[%dma_wait3A_183, %dma_wait3A_184, %dma_wait3A_185] : memref<4x128x64xf32, #tpu.memory_space<vmem>> -> memref<1x128x64xf32, #tpu.memory_space<vmem>>
    %dma_wait3A_187 = tpu.memref_squeeze %dma_wait3A_186 : memref<1x128x64xf32, #tpu.memory_space<vmem>> -> memref<128x64xf32, #tpu.memory_space<vmem>>
    %dma_wait3A_188 = arith.constant 0 : i32
    %dma_wait3A_189 = tpu.memref_slice %arg6[%dma_wait3A_182, %dma_wait3A_188] : memref<157x128xi32, #tpu.memory_space<vmem>> -> memref<1x128xi32, #tpu.memory_space<vmem>>
    %dma_wait3A_190 = tpu.memref_squeeze %dma_wait3A_189 : memref<1x128xi32, #tpu.memory_space<vmem>> -> memref<128xi32, #tpu.memory_space<vmem>>
    %dma_wait3A_191 = arith.constant 0 : i32
    %dma_wait3A_192 = arith.constant 0 : i32
    %dma_wait3A_193 = tpu.memref_slice %arg2[%arg0, %dma_wait3A_191, %dma_wait3A_192] : memref<2x10000x64xf32, #tpu.memory_space<hbm>> -> memref<1x10000x64xf32, #tpu.memory_space<hbm>>
    %dma_wait3A_194 = tpu.memref_squeeze %dma_wait3A_193 : memref<1x10000x64xf32, #tpu.memory_space<hbm>> -> memref<10000x64xf32, #tpu.memory_space<hbm>>
    %dma_wait3A_195 = arith.constant 0 : i32
    %dma_wait3A_196 = arith.constant 0 : i32
    %dma_wait3A_197 = tpu.memref_slice %dma_wait3A_194[%dma_wait3A_195, %dma_wait3A_196] : memref<10000x64xf32, #tpu.memory_space<hbm>> -> memref<10000x64xf32, #tpu.memory_space<hbm>>
    tpu.wait_indirect_dma semaphore(%arg14 : memref<!tpu.dma_semaphore, #tpu.memory_space<semaphore_mem>>) src(%dma_wait3A_197 : memref<10000x64xf32, #tpu.memory_space<hbm>>) dst(%dma_wait3A_187 : memref<128x64xf32, #tpu.memory_space<vmem>>)
    %run_scoped3A_198 = arith.constant 3 : i32
    %run_scoped3A_199 = arith.constant 155 : i32
    "tpu.region"() ({
      %run_scoped3A_227 = tpu.sem_alloc : memref<!tpu.dma_semaphore, #tpu.memory_space<semaphore_mem>>
      %dma_start3A_228 = arith.constant 0 : i32
      %dma_start3A_229 = arith.constant 0 : i32
      %dma_start3A_230 = tpu.memref_slice %arg8[%run_scoped3A_198, %dma_start3A_228, %dma_start3A_229] : memref<4x128x64xf32, #tpu.memory_space<vmem>> -> memref<1x128x64xf32, #tpu.memory_space<vmem>>
      %dma_start3A_231 = tpu.memref_squeeze %dma_start3A_230 : memref<1x128x64xf32, #tpu.memory_space<vmem>> -> memref<128x64xf32, #tpu.memory_space<vmem>>
      %dma_start3A_232 = arith.constant 0 : i32
      %dma_start3A_233 = tpu.memref_slice %arg7[%run_scoped3A_199, %dma_start3A_232] : memref<157x128xi32, #tpu.memory_space<vmem>> -> memref<1x128xi32, #tpu.memory_space<vmem>>
      %dma_start3A_234 = tpu.memref_squeeze %dma_start3A_233 : memref<1x128xi32, #tpu.memory_space<vmem>> -> memref<128xi32, #tpu.memory_space<vmem>>
      %dma_start3A_235 = arith.constant 0 : i32
      %dma_start3A_236 = arith.constant 0 : i32
      %dma_start3A_237 = tpu.memref_slice %arg10[%dma_start3A_235, %dma_start3A_236] : memref<10240x64xf32, #tpu.memory_space<vmem_shared>> -> memref<10240x64xf32, #tpu.memory_space<vmem_shared>>
      tpu.enqueue_indirect_dma source(%dma_start3A_231 : memref<128x64xf32, #tpu.memory_space<vmem>>) target(%dma_start3A_237 : memref<10240x64xf32, #tpu.memory_space<vmem_shared>>) offsets(%dma_start3A_234 : memref<128xi32, #tpu.memory_space<vmem>>) semaphore(%run_scoped3A_227 : memref<!tpu.dma_semaphore, #tpu.memory_space<semaphore_mem>>) {add = true}
      %dma_wait3A_238 = arith.constant 0 : i32
      %dma_wait3A_239 = arith.constant 0 : i32
      %dma_wait3A_240 = tpu.memref_slice %arg8[%run_scoped3A_198, %dma_wait3A_238, %dma_wait3A_239] : memref<4x128x64xf32, #tpu.memory_space<vmem>> -> memref<1x128x64xf32, #tpu.memory_space<vmem>>
      %dma_wait3A_241 = tpu.memref_squeeze %dma_wait3A_240 : memref<1x128x64xf32, #tpu.memory_space<vmem>> -> memref<128x64xf32, #tpu.memory_space<vmem>>
      %dma_wait3A_242 = arith.constant 0 : i32
      %dma_wait3A_243 = tpu.memref_slice %arg7[%run_scoped3A_199, %dma_wait3A_242] : memref<157x128xi32, #tpu.memory_space<vmem>> -> memref<1x128xi32, #tpu.memory_space<vmem>>
      %dma_wait3A_244 = tpu.memref_squeeze %dma_wait3A_243 : memref<1x128xi32, #tpu.memory_space<vmem>> -> memref<128xi32, #tpu.memory_space<vmem>>
      %dma_wait3A_245 = arith.constant 0 : i32
      %dma_wait3A_246 = arith.constant 0 : i32
      %dma_wait3A_247 = tpu.memref_slice %arg10[%dma_wait3A_245, %dma_wait3A_246] : memref<10240x64xf32, #tpu.memory_space<vmem_shared>> -> memref<10240x64xf32, #tpu.memory_space<vmem_shared>>
      tpu.wait_indirect_dma semaphore(%run_scoped3A_227 : memref<!tpu.dma_semaphore, #tpu.memory_space<semaphore_mem>>) src(%dma_wait3A_241 : memref<128x64xf32, #tpu.memory_space<vmem>>) dst(%dma_wait3A_247 : memref<10240x64xf32, #tpu.memory_space<vmem_shared>>)
      tpu.yield
    }) : () -> ()
    %dma_wait3A_200 = arith.constant 0 : i32
    %dma_wait3A_201 = arith.constant 0 : i32
    %dma_wait3A_202 = arith.constant 0 : i32
    %dma_wait3A_203 = arith.constant 0 : i32
    %dma_wait3A_204 = tpu.memref_slice %arg8[%dma_wait3A_201, %dma_wait3A_202, %dma_wait3A_203] : memref<4x128x64xf32, #tpu.memory_space<vmem>> -> memref<1x128x64xf32, #tpu.memory_space<vmem>>
    %dma_wait3A_205 = tpu.memref_squeeze %dma_wait3A_204 : memref<1x128x64xf32, #tpu.memory_space<vmem>> -> memref<128x64xf32, #tpu.memory_space<vmem>>
    %dma_wait3A_206 = arith.constant 0 : i32
    %dma_wait3A_207 = tpu.memref_slice %arg6[%dma_wait3A_200, %dma_wait3A_206] : memref<157x128xi32, #tpu.memory_space<vmem>> -> memref<1x128xi32, #tpu.memory_space<vmem>>
    %dma_wait3A_208 = tpu.memref_squeeze %dma_wait3A_207 : memref<1x128xi32, #tpu.memory_space<vmem>> -> memref<128xi32, #tpu.memory_space<vmem>>
    %dma_wait3A_209 = arith.constant 0 : i32
    %dma_wait3A_210 = arith.constant 0 : i32
    %dma_wait3A_211 = tpu.memref_slice %arg2[%arg0, %dma_wait3A_209, %dma_wait3A_210] : memref<2x10000x64xf32, #tpu.memory_space<hbm>> -> memref<1x10000x64xf32, #tpu.memory_space<hbm>>
    %dma_wait3A_212 = tpu.memref_squeeze %dma_wait3A_211 : memref<1x10000x64xf32, #tpu.memory_space<hbm>> -> memref<10000x64xf32, #tpu.memory_space<hbm>>
    %dma_wait3A_213 = arith.constant 0 : i32
    %dma_wait3A_214 = arith.constant 0 : i32
    %dma_wait3A_215 = tpu.memref_slice %dma_wait3A_212[%dma_wait3A_213, %dma_wait3A_214] : memref<10000x64xf32, #tpu.memory_space<hbm>> -> memref<10000x64xf32, #tpu.memory_space<hbm>>
    tpu.wait_indirect_dma semaphore(%arg11 : memref<!tpu.dma_semaphore, #tpu.memory_space<semaphore_mem>>) src(%dma_wait3A_215 : memref<10000x64xf32, #tpu.memory_space<hbm>>) dst(%dma_wait3A_205 : memref<128x64xf32, #tpu.memory_space<vmem>>)
    %run_scoped3A_216 = arith.constant 0 : i32
    %run_scoped3A_217 = arith.constant 156 : i32
    "tpu.region"() ({
      %run_scoped3A_227 = tpu.sem_alloc : memref<!tpu.dma_semaphore, #tpu.memory_space<semaphore_mem>>
      %dma_start3A_228 = arith.constant 0 : i32
      %dma_start3A_229 = arith.constant 0 : i32
      %dma_start3A_230 = tpu.memref_slice %arg8[%run_scoped3A_216, %dma_start3A_228, %dma_start3A_229] : memref<4x128x64xf32, #tpu.memory_space<vmem>> -> memref<1x128x64xf32, #tpu.memory_space<vmem>>
      %dma_start3A_231 = tpu.memref_squeeze %dma_start3A_230 : memref<1x128x64xf32, #tpu.memory_space<vmem>> -> memref<128x64xf32, #tpu.memory_space<vmem>>
      %dma_start3A_232 = arith.constant 0 : i32
      %dma_start3A_233 = tpu.memref_slice %arg7[%run_scoped3A_217, %dma_start3A_232] : memref<157x128xi32, #tpu.memory_space<vmem>> -> memref<1x128xi32, #tpu.memory_space<vmem>>
      %dma_start3A_234 = tpu.memref_squeeze %dma_start3A_233 : memref<1x128xi32, #tpu.memory_space<vmem>> -> memref<128xi32, #tpu.memory_space<vmem>>
      %dma_start3A_235 = arith.constant 0 : i32
      %dma_start3A_236 = arith.constant 0 : i32
      %dma_start3A_237 = tpu.memref_slice %arg10[%dma_start3A_235, %dma_start3A_236] : memref<10240x64xf32, #tpu.memory_space<vmem_shared>> -> memref<10240x64xf32, #tpu.memory_space<vmem_shared>>
      tpu.enqueue_indirect_dma source(%dma_start3A_231 : memref<128x64xf32, #tpu.memory_space<vmem>>) target(%dma_start3A_237 : memref<10240x64xf32, #tpu.memory_space<vmem_shared>>) offsets(%dma_start3A_234 : memref<128xi32, #tpu.memory_space<vmem>>) semaphore(%run_scoped3A_227 : memref<!tpu.dma_semaphore, #tpu.memory_space<semaphore_mem>>) {add = true}
      %dma_wait3A_238 = arith.constant 0 : i32
      %dma_wait3A_239 = arith.constant 0 : i32
      %dma_wait3A_240 = tpu.memref_slice %arg8[%run_scoped3A_216, %dma_wait3A_238, %dma_wait3A_239] : memref<4x128x64xf32, #tpu.memory_space<vmem>> -> memref<1x128x64xf32, #tpu.memory_space<vmem>>
      %dma_wait3A_241 = tpu.memref_squeeze %dma_wait3A_240 : memref<1x128x64xf32, #tpu.memory_space<vmem>> -> memref<128x64xf32, #tpu.memory_space<vmem>>
      %dma_wait3A_242 = arith.constant 0 : i32
      %dma_wait3A_243 = tpu.memref_slice %arg7[%run_scoped3A_217, %dma_wait3A_242] : memref<157x128xi32, #tpu.memory_space<vmem>> -> memref<1x128xi32, #tpu.memory_space<vmem>>
      %dma_wait3A_244 = tpu.memref_squeeze %dma_wait3A_243 : memref<1x128xi32, #tpu.memory_space<vmem>> -> memref<128xi32, #tpu.memory_space<vmem>>
      %dma_wait3A_245 = arith.constant 0 : i32
      %dma_wait3A_246 = arith.constant 0 : i32
      %dma_wait3A_247 = tpu.memref_slice %arg10[%dma_wait3A_245, %dma_wait3A_246] : memref<10240x64xf32, #tpu.memory_space<vmem_shared>> -> memref<10240x64xf32, #tpu.memory_space<vmem_shared>>
      tpu.wait_indirect_dma semaphore(%run_scoped3A_227 : memref<!tpu.dma_semaphore, #tpu.memory_space<semaphore_mem>>) src(%dma_wait3A_241 : memref<128x64xf32, #tpu.memory_space<vmem>>) dst(%dma_wait3A_247 : memref<10240x64xf32, #tpu.memory_space<vmem_shared>>)
      tpu.yield
    }) : () -> ()
    %barrier3A_218 = arith.constant 0 : index
    tpu.barrier barrier_id(%barrier3A_218)
    %mul3A_219 = arith.constant 640 : i32
    %mul3A_220 = arith.muli %arg1, %mul3A_219 : i32
    %lt3A = arith.constant 15 : i32
    %lt3A_221 = arith.cmpi slt, %arg1, %lt3A : i32
    %convert_element_type3A = arith.extui %lt3A_221 : i1 to i32
    %cond3A = arith.constant 0 : i32
    %cond3A_222 = arith.cmpi ne, %convert_element_type3A, %cond3A : i32
    scf.if %cond3A_222 {
      "tpu.region"() ({
        %run_scoped3A_227 = tpu.sem_alloc : memref<!tpu.dma_semaphore, #tpu.memory_space<semaphore_mem>>
        %dma_start3A_228 = arith.constant 0 : i32
        %dma_start3A_229 = tpu.memref_slice %arg5[%arg0, %mul3A_220, %dma_start3A_228] : memref<2x10000x64xf32, #tpu.memory_space<hbm>> -> memref<1x640x64xf32, #tpu.memory_space<hbm>>
        %dma_start3A_230 = tpu.memref_squeeze %dma_start3A_229 : memref<1x640x64xf32, #tpu.memory_space<hbm>> -> memref<640x64xf32, #tpu.memory_space<hbm>>
        %dma_start3A_231 = arith.constant 0 : i32
        %dma_start3A_232 = tpu.memref_slice %arg10[%mul3A_220, %dma_start3A_231] : memref<10240x64xf32, #tpu.memory_space<vmem_shared>> -> memref<640x64xf32, #tpu.memory_space<vmem_shared>>
        tpu.enqueue_dma source(%dma_start3A_232 : memref<640x64xf32, #tpu.memory_space<vmem_shared>>) target(%dma_start3A_230 : memref<640x64xf32, #tpu.memory_space<hbm>>) target_semaphore(%run_scoped3A_227 : memref<!tpu.dma_semaphore, #tpu.memory_space<semaphore_mem>>)
        %dma_wait3A_233 = arith.constant 0 : i32
        %dma_wait3A_234 = tpu.memref_slice %arg5[%arg0, %mul3A_220, %dma_wait3A_233] : memref<2x10000x64xf32, #tpu.memory_space<hbm>> -> memref<1x640x64xf32, #tpu.memory_space<hbm>>
        %dma_wait3A_235 = tpu.memref_squeeze %dma_wait3A_234 : memref<1x640x64xf32, #tpu.memory_space<hbm>> -> memref<640x64xf32, #tpu.memory_space<hbm>>
        %dma_wait3A_236 = arith.constant 0 : i32
        %dma_wait3A_237 = tpu.memref_slice %arg10[%mul3A_220, %dma_wait3A_236] : memref<10240x64xf32, #tpu.memory_space<vmem_shared>> -> memref<640x64xf32, #tpu.memory_space<vmem_shared>>
        tpu.wait_dma2 semaphore(%run_scoped3A_227 : memref<!tpu.dma_semaphore, #tpu.memory_space<semaphore_mem>>) src(%dma_wait3A_237 : memref<640x64xf32, #tpu.memory_space<vmem_shared>>) dst(%dma_wait3A_235 : memref<640x64xf32, #tpu.memory_space<hbm>>)
        tpu.yield
      }) : () -> ()
    } else {
    }
    %eq3A = arith.constant 15 : i32
    %eq3A_223 = arith.cmpi eq, %arg1, %eq3A : i32
    %convert_element_type3A_224 = arith.extui %eq3A_223 : i1 to i32
    %cond3A_225 = arith.constant 0 : i32
    %cond3A_226 = arith.cmpi ne, %convert_element_type3A_224, %cond3A_225 : i32
    scf.if %cond3A_226 {
      "tpu.region"() ({
        %run_scoped3A_227 = tpu.sem_alloc : memref<!tpu.dma_semaphore, #tpu.memory_space<semaphore_mem>>
        %dma_start3A_228 = arith.constant 9600 : i32
        %dma_start3A_229 = arith.constant 0 : i32
        %dma_start3A_230 = tpu.memref_slice %arg5[%arg0, %dma_start3A_228, %dma_start3A_229] : memref<2x10000x64xf32, #tpu.memory_space<hbm>> -> memref<1x400x64xf32, #tpu.memory_space<hbm>>
        %dma_start3A_231 = tpu.memref_squeeze %dma_start3A_230 : memref<1x400x64xf32, #tpu.memory_space<hbm>> -> memref<400x64xf32, #tpu.memory_space<hbm>>
        %dma_start3A_232 = arith.constant 9600 : i32
        %dma_start3A_233 = arith.constant 0 : i32
        %dma_start3A_234 = tpu.memref_slice %arg10[%dma_start3A_232, %dma_start3A_233] : memref<10240x64xf32, #tpu.memory_space<vmem_shared>> -> memref<400x64xf32, #tpu.memory_space<vmem_shared>>
        tpu.enqueue_dma source(%dma_start3A_234 : memref<400x64xf32, #tpu.memory_space<vmem_shared>>) target(%dma_start3A_231 : memref<400x64xf32, #tpu.memory_space<hbm>>) target_semaphore(%run_scoped3A_227 : memref<!tpu.dma_semaphore, #tpu.memory_space<semaphore_mem>>)
        %dma_wait3A_235 = arith.constant 9600 : i32
        %dma_wait3A_236 = arith.constant 0 : i32
        %dma_wait3A_237 = tpu.memref_slice %arg5[%arg0, %dma_wait3A_235, %dma_wait3A_236] : memref<2x10000x64xf32, #tpu.memory_space<hbm>> -> memref<1x400x64xf32, #tpu.memory_space<hbm>>
        %dma_wait3A_238 = tpu.memref_squeeze %dma_wait3A_237 : memref<1x400x64xf32, #tpu.memory_space<hbm>> -> memref<400x64xf32, #tpu.memory_space<hbm>>
        %dma_wait3A_239 = arith.constant 9600 : i32
        %dma_wait3A_240 = arith.constant 0 : i32
        %dma_wait3A_241 = tpu.memref_slice %arg10[%dma_wait3A_239, %dma_wait3A_240] : memref<10240x64xf32, #tpu.memory_space<vmem_shared>> -> memref<400x64xf32, #tpu.memory_space<vmem_shared>>
        tpu.wait_dma2 semaphore(%run_scoped3A_227 : memref<!tpu.dma_semaphore, #tpu.memory_space<semaphore_mem>>) src(%dma_wait3A_241 : memref<400x64xf32, #tpu.memory_space<vmem_shared>>) dst(%dma_wait3A_238 : memref<400x64xf32, #tpu.memory_space<hbm>>)
        tpu.yield
      }) : () -> ()
    } else {
    }
    return
  }
}

#map = affine_map<(d0, d1) -> (0, 0, 0)>
module attributes {stable_mosaic.version = 14 : i64} {
  func.func @_edge_agg_body(%arg0: i32, %arg1: i32, %arg2: memref<2x10000x64xf32, #tpu.memory_space<hbm>>, %arg3: memref<16x157x128xi32, #tpu.memory_space<hbm>>, %arg4: memref<16x157x128xi32, #tpu.memory_space<hbm>>, %arg5: memref<2x10000x64xf32, #tpu.memory_space<hbm>>, %arg6: memref<157x128xi32, #tpu.memory_space<vmem>>, %arg7: memref<157x128xi32, #tpu.memory_space<vmem>>, %arg8: memref<4x128x64xf32, #tpu.memory_space<vmem>>, %arg9: memref<64x64xf32, #tpu.memory_space<vmem>>, %arg10: memref<10240x64xf32, #tpu.memory_space<vmem_shared>>, %arg11: memref<!tpu.dma_semaphore, #tpu.memory_space<semaphore_mem>>, %arg12: memref<!tpu.dma_semaphore, #tpu.memory_space<semaphore_mem>>, %arg13: memref<!tpu.dma_semaphore, #tpu.memory_space<semaphore_mem>>, %arg14: memref<!tpu.dma_semaphore, #tpu.memory_space<semaphore_mem>>) attributes {dimension_semantics = [#tpu.dimension_semantics<core_parallel>, #tpu.dimension_semantics<subcore_parallel>], iteration_bounds = array<i64: 2, 16>, scalar_prefetch = 0 : i64, scratch_operands = 9 : i64, tpu.core_type = #tpu.core_type<sc_vector_subcore>, window_params = [{transform_indices = #map}, {transform_indices = #map}, {transform_indices = #map}, {transform_indices = #map}]} {
    %scan3A = arith.constant 0 : i32
    %scan3A_0 = arith.constant 0 : i32
    %scan3A_1 = arith.constant 64 : i32
    %scan3A_2 = arith.addi %scan3A_0, %scan3A_1 : i32
    %scan3A_3 = arith.constant 1 : i32
    %scan3A_4 = scf.for %scan3A_227 = %scan3A_0 to %scan3A_2 step %scan3A_3 iter_args(%scan3A_228 = %scan3A) -> (i32)  : i32 {
      %broadcast_in_dim3A = arith.constant 0.000000e+00 : f32
      %broadcast_in_dim3A_229 = vector.broadcast %broadcast_in_dim3A : f32 to vector<16xf32>
      %swap3A = arith.index_cast %scan3A_227 : i32 to index
      %swap3A_230 = arith.constant 0 : index
      %swap3A_231 = tpu.vector_load %arg9[%swap3A, %swap3A_230] {strides = array<i32>} : memref<64x64xf32, #tpu.memory_space<vmem>>, vector<1x16xf32>,
      %swap3A_232 = vector.shape_cast %swap3A_231 : vector<1x16xf32> to vector<16xf32>
      %swap3A_233 = vector.shape_cast %broadcast_in_dim3A_229 : vector<16xf32> to vector<1x16xf32>
      tpu.vector_store %arg9[%swap3A, %swap3A_230], %swap3A_233 {strides = array<i32>} : memref<64x64xf32, #tpu.memory_space<vmem>>, vector<1x16xf32>,
      %broadcast_in_dim3A_234 = arith.constant 0.000000e+00 : f32
      %broadcast_in_dim3A_235 = vector.broadcast %broadcast_in_dim3A_234 : f32 to vector<16xf32>
      %swap3A_236 = arith.index_cast %scan3A_227 : i32 to index
      %swap3A_237 = arith.constant 16 : index
      %swap3A_238 = tpu.vector_load %arg9[%swap3A_236, %swap3A_237] {strides = array<i32>} : memref<64x64xf32, #tpu.memory_space<vmem>>, vector<1x16xf32>,
      %swap3A_239 = vector.shape_cast %swap3A_238 : vector<1x16xf32> to vector<16xf32>
      %swap3A_240 = vector.shape_cast %broadcast_in_dim3A_235 : vector<16xf32> to vector<1x16xf32>
      tpu.vector_store %arg9[%swap3A_236, %swap3A_237], %swap3A_240 {strides = array<i32>} : memref<64x64xf32, #tpu.memory_space<vmem>>, vector<1x16xf32>,
      %broadcast_in_dim3A_241 = arith.constant 0.000000e+00 : f32
      %broadcast_in_dim3A_242 = vector.broadcast %broadcast_in_dim3A_241 : f32 to vector<16xf32>
      %swap3A_243 = arith.index_cast %scan3A_227 : i32 to index
      %swap3A_244 = arith.constant 32 : index
      %swap3A_245 = tpu.vector_load %arg9[%swap3A_243, %swap3A_244] {strides = array<i32>} : memref<64x64xf32, #tpu.memory_space<vmem>>, vector<1x16xf32>,
      %swap3A_246 = vector.shape_cast %swap3A_245 : vector<1x16xf32> to vector<16xf32>
      %swap3A_247 = vector.shape_cast %broadcast_in_dim3A_242 : vector<16xf32> to vector<1x16xf32>
      tpu.vector_store %arg9[%swap3A_243, %swap3A_244], %swap3A_247 {strides = array<i32>} : memref<64x64xf32, #tpu.memory_space<vmem>>, vector<1x16xf32>,
      %broadcast_in_dim3A_248 = arith.constant 0.000000e+00 : f32
      %broadcast_in_dim3A_249 = vector.broadcast %broadcast_in_dim3A_248 : f32 to vector<16xf32>
      %swap3A_250 = arith.index_cast %scan3A_227 : i32 to index
      %swap3A_251 = arith.constant 48 : index
      %swap3A_252 = tpu.vector_load %arg9[%swap3A_250, %swap3A_251] {strides = array<i32>} : memref<64x64xf32, #tpu.memory_space<vmem>>, vector<1x16xf32>,
      %swap3A_253 = vector.shape_cast %swap3A_252 : vector<1x16xf32> to vector<16xf32>
      %swap3A_254 = vector.shape_cast %broadcast_in_dim3A_249 : vector<16xf32> to vector<1x16xf32>
      tpu.vector_store %arg9[%swap3A_250, %swap3A_251], %swap3A_254 {strides = array<i32>} : memref<64x64xf32, #tpu.memory_space<vmem>>, vector<1x16xf32>,
      %scan3A_255 = arith.constant 0 : i32
      scf.yield %scan3A_255 : i32
    }
    %scan3A_5 = arith.constant 64 : i32
    %mul3A = arith.constant 640 : i32
    %mul3A_6 = arith.muli %arg1, %mul3A : i32
    %add3A = arith.constant 0 : i32
    %add3A_7 = arith.addi %mul3A_6, %add3A : i32
    "tpu.region"() ({
      %run_scoped3A_227 = tpu.sem_alloc : memref<!tpu.dma_semaphore, #tpu.memory_space<semaphore_mem>>
      %dma_start3A_228 = arith.constant 0 : i32
      %dma_start3A_229 = tpu.memref_slice %arg10[%add3A_7, %dma_start3A_228] : memref<10240x64xf32, #tpu.memory_space<vmem_shared>> -> memref<64x64xf32, #tpu.memory_space<vmem_shared>>
      %dma_start3A_230 = arith.constant 0 : i32
      %dma_start3A_231 = tpu.memref_slice %arg10[%add3A_7, %dma_start3A_230] : memref<10240x64xf32, #tpu.memory_space<vmem_shared>> -> memref<64x64xf32, #tpu.memory_space<vmem_shared>>
      tpu.enqueue_dma source(%arg9 : memref<64x64xf32, #tpu.memory_space<vmem>>) target(%dma_start3A_231 : memref<64x64xf32, #tpu.memory_space<vmem_shared>>) target_semaphore(%run_scoped3A_227 : memref<!tpu.dma_semaphore, #tpu.memory_space<semaphore_mem>>)
      %dma_wait3A_232 = arith.constant 0 : i32
      %dma_wait3A_233 = tpu.memref_slice %arg10[%add3A_7, %dma_wait3A_232] : memref<10240x64xf32, #tpu.memory_space<vmem_shared>> -> memref<64x64xf32, #tpu.memory_space<vmem_shared>>
      %dma_wait3A_234 = arith.constant 0 : i32
      %dma_wait3A_235 = tpu.memref_slice %arg10[%add3A_7, %dma_wait3A_234] : memref<10240x64xf32, #tpu.memory_space<vmem_shared>> -> memref<64x64xf32, #tpu.memory_space<vmem_shared>>
      tpu.wait_dma2 semaphore(%run_scoped3A_227 : memref<!tpu.dma_semaphore, #tpu.memory_space<semaphore_mem>>) src(%arg9 : memref<64x64xf32, #tpu.memory_space<vmem>>) dst(%dma_wait3A_235 : memref<64x64xf32, #tpu.memory_space<vmem_shared>>)
      tpu.yield
    }) : () -> ()
    %mul3A_8 = arith.constant 640 : i32
    %mul3A_9 = arith.muli %arg1, %mul3A_8 : i32
    %add3A_10 = arith.constant 64 : i32
    %add3A_11 = arith.addi %mul3A_9, %add3A_10 : i32
    "tpu.region"() ({
      %run_scoped3A_227 = tpu.sem_alloc : memref<!tpu.dma_semaphore, #tpu.memory_space<semaphore_mem>>
      %dma_start3A_228 = arith.constant 0 : i32
      %dma_start3A_229 = tpu.memref_slice %arg10[%add3A_11, %dma_start3A_228] : memref<10240x64xf32, #tpu.memory_space<vmem_shared>> -> memref<64x64xf32, #tpu.memory_space<vmem_shared>>
      %dma_start3A_230 = arith.constant 0 : i32
      %dma_start3A_231 = tpu.memref_slice %arg10[%add3A_11, %dma_start3A_230] : memref<10240x64xf32, #tpu.memory_space<vmem_shared>> -> memref<64x64xf32, #tpu.memory_space<vmem_shared>>
      tpu.enqueue_dma source(%arg9 : memref<64x64xf32, #tpu.memory_space<vmem>>) target(%dma_start3A_231 : memref<64x64xf32, #tpu.memory_space<vmem_shared>>) target_semaphore(%run_scoped3A_227 : memref<!tpu.dma_semaphore, #tpu.memory_space<semaphore_mem>>)
      %dma_wait3A_232 = arith.constant 0 : i32
      %dma_wait3A_233 = tpu.memref_slice %arg10[%add3A_11, %dma_wait3A_232] : memref<10240x64xf32, #tpu.memory_space<vmem_shared>> -> memref<64x64xf32, #tpu.memory_space<vmem_shared>>
      %dma_wait3A_234 = arith.constant 0 : i32
      %dma_wait3A_235 = tpu.memref_slice %arg10[%add3A_11, %dma_wait3A_234] : memref<10240x64xf32, #tpu.memory_space<vmem_shared>> -> memref<64x64xf32, #tpu.memory_space<vmem_shared>>
      tpu.wait_dma2 semaphore(%run_scoped3A_227 : memref<!tpu.dma_semaphore, #tpu.memory_space<semaphore_mem>>) src(%arg9 : memref<64x64xf32, #tpu.memory_space<vmem>>) dst(%dma_wait3A_235 : memref<64x64xf32, #tpu.memory_space<vmem_shared>>)
      tpu.yield
    }) : () -> ()
    %mul3A_12 = arith.constant 640 : i32
    %mul3A_13 = arith.muli %arg1, %mul3A_12 : i32
    %add3A_14 = arith.constant 128 : i32
    %add3A_15 = arith.addi %mul3A_13, %add3A_14 : i32
    "tpu.region"() ({
      %run_scoped3A_227 = tpu.sem_alloc : memref<!tpu.dma_semaphore, #tpu.memory_space<semaphore_mem>>
      %dma_start3A_228 = arith.constant 0 : i32
      %dma_start3A_229 = tpu.memref_slice %arg10[%add3A_15, %dma_start3A_228] : memref<10240x64xf32, #tpu.memory_space<vmem_shared>> -> memref<64x64xf32, #tpu.memory_space<vmem_shared>>
      %dma_start3A_230 = arith.constant 0 : i32
      %dma_start3A_231 = tpu.memref_slice %arg10[%add3A_15, %dma_start3A_230] : memref<10240x64xf32, #tpu.memory_space<vmem_shared>> -> memref<64x64xf32, #tpu.memory_space<vmem_shared>>
      tpu.enqueue_dma source(%arg9 : memref<64x64xf32, #tpu.memory_space<vmem>>) target(%dma_start3A_231 : memref<64x64xf32, #tpu.memory_space<vmem_shared>>) target_semaphore(%run_scoped3A_227 : memref<!tpu.dma_semaphore, #tpu.memory_space<semaphore_mem>>)
      %dma_wait3A_232 = arith.constant 0 : i32
      %dma_wait3A_233 = tpu.memref_slice %arg10[%add3A_15, %dma_wait3A_232] : memref<10240x64xf32, #tpu.memory_space<vmem_shared>> -> memref<64x64xf32, #tpu.memory_space<vmem_shared>>
      %dma_wait3A_234 = arith.constant 0 : i32
      %dma_wait3A_235 = tpu.memref_slice %arg10[%add3A_15, %dma_wait3A_234] : memref<10240x64xf32, #tpu.memory_space<vmem_shared>> -> memref<64x64xf32, #tpu.memory_space<vmem_shared>>
      tpu.wait_dma2 semaphore(%run_scoped3A_227 : memref<!tpu.dma_semaphore, #tpu.memory_space<semaphore_mem>>) src(%arg9 : memref<64x64xf32, #tpu.memory_space<vmem>>) dst(%dma_wait3A_235 : memref<64x64xf32, #tpu.memory_space<vmem_shared>>)
      tpu.yield
    }) : () -> ()
    %mul3A_16 = arith.constant 640 : i32
    %mul3A_17 = arith.muli %arg1, %mul3A_16 : i32
    %add3A_18 = arith.constant 192 : i32
    %add3A_19 = arith.addi %mul3A_17, %add3A_18 : i32
    "tpu.region"() ({
      %run_scoped3A_227 = tpu.sem_alloc : memref<!tpu.dma_semaphore, #tpu.memory_space<semaphore_mem>>
      %dma_start3A_228 = arith.constant 0 : i32
      %dma_start3A_229 = tpu.memref_slice %arg10[%add3A_19, %dma_start3A_228] : memref<10240x64xf32, #tpu.memory_space<vmem_shared>> -> memref<64x64xf32, #tpu.memory_space<vmem_shared>>
      %dma_start3A_230 = arith.constant 0 : i32
      %dma_start3A_231 = tpu.memref_slice %arg10[%add3A_19, %dma_start3A_230] : memref<10240x64xf32, #tpu.memory_space<vmem_shared>> -> memref<64x64xf32, #tpu.memory_space<vmem_shared>>
      tpu.enqueue_dma source(%arg9 : memref<64x64xf32, #tpu.memory_space<vmem>>) target(%dma_start3A_231 : memref<64x64xf32, #tpu.memory_space<vmem_shared>>) target_semaphore(%run_scoped3A_227 : memref<!tpu.dma_semaphore, #tpu.memory_space<semaphore_mem>>)
      %dma_wait3A_232 = arith.constant 0 : i32
      %dma_wait3A_233 = tpu.memref_slice %arg10[%add3A_19, %dma_wait3A_232] : memref<10240x64xf32, #tpu.memory_space<vmem_shared>> -> memref<64x64xf32, #tpu.memory_space<vmem_shared>>
      %dma_wait3A_234 = arith.constant 0 : i32
      %dma_wait3A_235 = tpu.memref_slice %arg10[%add3A_19, %dma_wait3A_234] : memref<10240x64xf32, #tpu.memory_space<vmem_shared>> -> memref<64x64xf32, #tpu.memory_space<vmem_shared>>
      tpu.wait_dma2 semaphore(%run_scoped3A_227 : memref<!tpu.dma_semaphore, #tpu.memory_space<semaphore_mem>>) src(%arg9 : memref<64x64xf32, #tpu.memory_space<vmem>>) dst(%dma_wait3A_235 : memref<64x64xf32, #tpu.memory_space<vmem_shared>>)
      tpu.yield
    }) : () -> ()
    %mul3A_20 = arith.constant 640 : i32
    %mul3A_21 = arith.muli %arg1, %mul3A_20 : i32
    %add3A_22 = arith.constant 256 : i32
    %add3A_23 = arith.addi %mul3A_21, %add3A_22 : i32
    "tpu.region"() ({
      %run_scoped3A_227 = tpu.sem_alloc : memref<!tpu.dma_semaphore, #tpu.memory_space<semaphore_mem>>
      %dma_start3A_228 = arith.constant 0 : i32
      %dma_start3A_229 = tpu.memref_slice %arg10[%add3A_23, %dma_start3A_228] : memref<10240x64xf32, #tpu.memory_space<vmem_shared>> -> memref<64x64xf32, #tpu.memory_space<vmem_shared>>
      %dma_start3A_230 = arith.constant 0 : i32
      %dma_start3A_231 = tpu.memref_slice %arg10[%add3A_23, %dma_start3A_230] : memref<10240x64xf32, #tpu.memory_space<vmem_shared>> -> memref<64x64xf32, #tpu.memory_space<vmem_shared>>
      tpu.enqueue_dma source(%arg9 : memref<64x64xf32, #tpu.memory_space<vmem>>) target(%dma_start3A_231 : memref<64x64xf32, #tpu.memory_space<vmem_shared>>) target_semaphore(%run_scoped3A_227 : memref<!tpu.dma_semaphore, #tpu.memory_space<semaphore_mem>>)
      %dma_wait3A_232 = arith.constant 0 : i32
      %dma_wait3A_233 = tpu.memref_slice %arg10[%add3A_23, %dma_wait3A_232] : memref<10240x64xf32, #tpu.memory_space<vmem_shared>> -> memref<64x64xf32, #tpu.memory_space<vmem_shared>>
      %dma_wait3A_234 = arith.constant 0 : i32
      %dma_wait3A_235 = tpu.memref_slice %arg10[%add3A_23, %dma_wait3A_234] : memref<10240x64xf32, #tpu.memory_space<vmem_shared>> -> memref<64x64xf32, #tpu.memory_space<vmem_shared>>
      tpu.wait_dma2 semaphore(%run_scoped3A_227 : memref<!tpu.dma_semaphore, #tpu.memory_space<semaphore_mem>>) src(%arg9 : memref<64x64xf32, #tpu.memory_space<vmem>>) dst(%dma_wait3A_235 : memref<64x64xf32, #tpu.memory_space<vmem_shared>>)
      tpu.yield
    }) : () -> ()
    %mul3A_24 = arith.constant 640 : i32
    %mul3A_25 = arith.muli %arg1, %mul3A_24 : i32
    %add3A_26 = arith.constant 320 : i32
    %add3A_27 = arith.addi %mul3A_25, %add3A_26 : i32
    "tpu.region"() ({
      %run_scoped3A_227 = tpu.sem_alloc : memref<!tpu.dma_semaphore, #tpu.memory_space<semaphore_mem>>
      %dma_start3A_228 = arith.constant 0 : i32
      %dma_start3A_229 = tpu.memref_slice %arg10[%add3A_27, %dma_start3A_228] : memref<10240x64xf32, #tpu.memory_space<vmem_shared>> -> memref<64x64xf32, #tpu.memory_space<vmem_shared>>
      %dma_start3A_230 = arith.constant 0 : i32
      %dma_start3A_231 = tpu.memref_slice %arg10[%add3A_27, %dma_start3A_230] : memref<10240x64xf32, #tpu.memory_space<vmem_shared>> -> memref<64x64xf32, #tpu.memory_space<vmem_shared>>
      tpu.enqueue_dma source(%arg9 : memref<64x64xf32, #tpu.memory_space<vmem>>) target(%dma_start3A_231 : memref<64x64xf32, #tpu.memory_space<vmem_shared>>) target_semaphore(%run_scoped3A_227 : memref<!tpu.dma_semaphore, #tpu.memory_space<semaphore_mem>>)
      %dma_wait3A_232 = arith.constant 0 : i32
      %dma_wait3A_233 = tpu.memref_slice %arg10[%add3A_27, %dma_wait3A_232] : memref<10240x64xf32, #tpu.memory_space<vmem_shared>> -> memref<64x64xf32, #tpu.memory_space<vmem_shared>>
      %dma_wait3A_234 = arith.constant 0 : i32
      %dma_wait3A_235 = tpu.memref_slice %arg10[%add3A_27, %dma_wait3A_234] : memref<10240x64xf32, #tpu.memory_space<vmem_shared>> -> memref<64x64xf32, #tpu.memory_space<vmem_shared>>
      tpu.wait_dma2 semaphore(%run_scoped3A_227 : memref<!tpu.dma_semaphore, #tpu.memory_space<semaphore_mem>>) src(%arg9 : memref<64x64xf32, #tpu.memory_space<vmem>>) dst(%dma_wait3A_235 : memref<64x64xf32, #tpu.memory_space<vmem_shared>>)
      tpu.yield
    }) : () -> ()
    %mul3A_28 = arith.constant 640 : i32
    %mul3A_29 = arith.muli %arg1, %mul3A_28 : i32
    %add3A_30 = arith.constant 384 : i32
    %add3A_31 = arith.addi %mul3A_29, %add3A_30 : i32
    "tpu.region"() ({
      %run_scoped3A_227 = tpu.sem_alloc : memref<!tpu.dma_semaphore, #tpu.memory_space<semaphore_mem>>
      %dma_start3A_228 = arith.constant 0 : i32
      %dma_start3A_229 = tpu.memref_slice %arg10[%add3A_31, %dma_start3A_228] : memref<10240x64xf32, #tpu.memory_space<vmem_shared>> -> memref<64x64xf32, #tpu.memory_space<vmem_shared>>
      %dma_start3A_230 = arith.constant 0 : i32
      %dma_start3A_231 = tpu.memref_slice %arg10[%add3A_31, %dma_start3A_230] : memref<10240x64xf32, #tpu.memory_space<vmem_shared>> -> memref<64x64xf32, #tpu.memory_space<vmem_shared>>
      tpu.enqueue_dma source(%arg9 : memref<64x64xf32, #tpu.memory_space<vmem>>) target(%dma_start3A_231 : memref<64x64xf32, #tpu.memory_space<vmem_shared>>) target_semaphore(%run_scoped3A_227 : memref<!tpu.dma_semaphore, #tpu.memory_space<semaphore_mem>>)
      %dma_wait3A_232 = arith.constant 0 : i32
      %dma_wait3A_233 = tpu.memref_slice %arg10[%add3A_31, %dma_wait3A_232] : memref<10240x64xf32, #tpu.memory_space<vmem_shared>> -> memref<64x64xf32, #tpu.memory_space<vmem_shared>>
      %dma_wait3A_234 = arith.constant 0 : i32
      %dma_wait3A_235 = tpu.memref_slice %arg10[%add3A_31, %dma_wait3A_234] : memref<10240x64xf32, #tpu.memory_space<vmem_shared>> -> memref<64x64xf32, #tpu.memory_space<vmem_shared>>
      tpu.wait_dma2 semaphore(%run_scoped3A_227 : memref<!tpu.dma_semaphore, #tpu.memory_space<semaphore_mem>>) src(%arg9 : memref<64x64xf32, #tpu.memory_space<vmem>>) dst(%dma_wait3A_235 : memref<64x64xf32, #tpu.memory_space<vmem_shared>>)
      tpu.yield
    }) : () -> ()
    %mul3A_32 = arith.constant 640 : i32
    %mul3A_33 = arith.muli %arg1, %mul3A_32 : i32
    %add3A_34 = arith.constant 448 : i32
    %add3A_35 = arith.addi %mul3A_33, %add3A_34 : i32
    "tpu.region"() ({
      %run_scoped3A_227 = tpu.sem_alloc : memref<!tpu.dma_semaphore, #tpu.memory_space<semaphore_mem>>
      %dma_start3A_228 = arith.constant 0 : i32
      %dma_start3A_229 = tpu.memref_slice %arg10[%add3A_35, %dma_start3A_228] : memref<10240x64xf32, #tpu.memory_space<vmem_shared>> -> memref<64x64xf32, #tpu.memory_space<vmem_shared>>
      %dma_start3A_230 = arith.constant 0 : i32
      %dma_start3A_231 = tpu.memref_slice %arg10[%add3A_35, %dma_start3A_230] : memref<10240x64xf32, #tpu.memory_space<vmem_shared>> -> memref<64x64xf32, #tpu.memory_space<vmem_shared>>
      tpu.enqueue_dma source(%arg9 : memref<64x64xf32, #tpu.memory_space<vmem>>) target(%dma_start3A_231 : memref<64x64xf32, #tpu.memory_space<vmem_shared>>) target_semaphore(%run_scoped3A_227 : memref<!tpu.dma_semaphore, #tpu.memory_space<semaphore_mem>>)
      %dma_wait3A_232 = arith.constant 0 : i32
      %dma_wait3A_233 = tpu.memref_slice %arg10[%add3A_35, %dma_wait3A_232] : memref<10240x64xf32, #tpu.memory_space<vmem_shared>> -> memref<64x64xf32, #tpu.memory_space<vmem_shared>>
      %dma_wait3A_234 = arith.constant 0 : i32
      %dma_wait3A_235 = tpu.memref_slice %arg10[%add3A_35, %dma_wait3A_234] : memref<10240x64xf32, #tpu.memory_space<vmem_shared>> -> memref<64x64xf32, #tpu.memory_space<vmem_shared>>
      tpu.wait_dma2 semaphore(%run_scoped3A_227 : memref<!tpu.dma_semaphore, #tpu.memory_space<semaphore_mem>>) src(%arg9 : memref<64x64xf32, #tpu.memory_space<vmem>>) dst(%dma_wait3A_235 : memref<64x64xf32, #tpu.memory_space<vmem_shared>>)
      tpu.yield
    }) : () -> ()
    %mul3A_36 = arith.constant 640 : i32
    %mul3A_37 = arith.muli %arg1, %mul3A_36 : i32
    %add3A_38 = arith.constant 512 : i32
    %add3A_39 = arith.addi %mul3A_37, %add3A_38 : i32
    "tpu.region"() ({
      %run_scoped3A_227 = tpu.sem_alloc : memref<!tpu.dma_semaphore, #tpu.memory_space<semaphore_mem>>
      %dma_start3A_228 = arith.constant 0 : i32
      %dma_start3A_229 = tpu.memref_slice %arg10[%add3A_39, %dma_start3A_228] : memref<10240x64xf32, #tpu.memory_space<vmem_shared>> -> memref<64x64xf32, #tpu.memory_space<vmem_shared>>
      %dma_start3A_230 = arith.constant 0 : i32
      %dma_start3A_231 = tpu.memref_slice %arg10[%add3A_39, %dma_start3A_230] : memref<10240x64xf32, #tpu.memory_space<vmem_shared>> -> memref<64x64xf32, #tpu.memory_space<vmem_shared>>
      tpu.enqueue_dma source(%arg9 : memref<64x64xf32, #tpu.memory_space<vmem>>) target(%dma_start3A_231 : memref<64x64xf32, #tpu.memory_space<vmem_shared>>) target_semaphore(%run_scoped3A_227 : memref<!tpu.dma_semaphore, #tpu.memory_space<semaphore_mem>>)
      %dma_wait3A_232 = arith.constant 0 : i32
      %dma_wait3A_233 = tpu.memref_slice %arg10[%add3A_39, %dma_wait3A_232] : memref<10240x64xf32, #tpu.memory_space<vmem_shared>> -> memref<64x64xf32, #tpu.memory_space<vmem_shared>>
      %dma_wait3A_234 = arith.constant 0 : i32
      %dma_wait3A_235 = tpu.memref_slice %arg10[%add3A_39, %dma_wait3A_234] : memref<10240x64xf32, #tpu.memory_space<vmem_shared>> -> memref<64x64xf32, #tpu.memory_space<vmem_shared>>
      tpu.wait_dma2 semaphore(%run_scoped3A_227 : memref<!tpu.dma_semaphore, #tpu.memory_space<semaphore_mem>>) src(%arg9 : memref<64x64xf32, #tpu.memory_space<vmem>>) dst(%dma_wait3A_235 : memref<64x64xf32, #tpu.memory_space<vmem_shared>>)
      tpu.yield
    }) : () -> ()
    %mul3A_40 = arith.constant 640 : i32
    %mul3A_41 = arith.muli %arg1, %mul3A_40 : i32
    %add3A_42 = arith.constant 576 : i32
    %add3A_43 = arith.addi %mul3A_41, %add3A_42 : i32
    "tpu.region"() ({
      %run_scoped3A_227 = tpu.sem_alloc : memref<!tpu.dma_semaphore, #tpu.memory_space<semaphore_mem>>
      %dma_start3A_228 = arith.constant 0 : i32
      %dma_start3A_229 = tpu.memref_slice %arg10[%add3A_43, %dma_start3A_228] : memref<10240x64xf32, #tpu.memory_space<vmem_shared>> -> memref<64x64xf32, #tpu.memory_space<vmem_shared>>
      %dma_start3A_230 = arith.constant 0 : i32
      %dma_start3A_231 = tpu.memref_slice %arg10[%add3A_43, %dma_start3A_230] : memref<10240x64xf32, #tpu.memory_space<vmem_shared>> -> memref<64x64xf32, #tpu.memory_space<vmem_shared>>
      tpu.enqueue_dma source(%arg9 : memref<64x64xf32, #tpu.memory_space<vmem>>) target(%dma_start3A_231 : memref<64x64xf32, #tpu.memory_space<vmem_shared>>) target_semaphore(%run_scoped3A_227 : memref<!tpu.dma_semaphore, #tpu.memory_space<semaphore_mem>>)
      %dma_wait3A_232 = arith.constant 0 : i32
      %dma_wait3A_233 = tpu.memref_slice %arg10[%add3A_43, %dma_wait3A_232] : memref<10240x64xf32, #tpu.memory_space<vmem_shared>> -> memref<64x64xf32, #tpu.memory_space<vmem_shared>>
      %dma_wait3A_234 = arith.constant 0 : i32
      %dma_wait3A_235 = tpu.memref_slice %arg10[%add3A_43, %dma_wait3A_234] : memref<10240x64xf32, #tpu.memory_space<vmem_shared>> -> memref<64x64xf32, #tpu.memory_space<vmem_shared>>
      tpu.wait_dma2 semaphore(%run_scoped3A_227 : memref<!tpu.dma_semaphore, #tpu.memory_space<semaphore_mem>>) src(%arg9 : memref<64x64xf32, #tpu.memory_space<vmem>>) dst(%dma_wait3A_235 : memref<64x64xf32, #tpu.memory_space<vmem_shared>>)
      tpu.yield
    }) : () -> ()
    "tpu.region"() ({
      %run_scoped3A_227 = tpu.sem_alloc : memref<!tpu.dma_semaphore, #tpu.memory_space<semaphore_mem>>
      %dma_start3A_228 = arith.constant 0 : i32
      %dma_start3A_229 = arith.constant 0 : i32
      %dma_start3A_230 = tpu.memref_slice %arg3[%arg1, %dma_start3A_228, %dma_start3A_229] : memref<16x157x128xi32, #tpu.memory_space<hbm>> -> memref<1x157x128xi32, #tpu.memory_space<hbm>>
      %dma_start3A_231 = tpu.memref_squeeze %dma_start3A_230 : memref<1x157x128xi32, #tpu.memory_space<hbm>> -> memref<157x128xi32, #tpu.memory_space<hbm>>
      %dma_start3A_232 = arith.constant 0 : i32
      %dma_start3A_233 = arith.constant 0 : i32
      %dma_start3A_234 = tpu.memref_slice %arg3[%arg1, %dma_start3A_232, %dma_start3A_233] : memref<16x157x128xi32, #tpu.memory_space<hbm>> -> memref<1x157x128xi32, #tpu.memory_space<hbm>>
      %dma_start3A_235 = tpu.memref_squeeze %dma_start3A_234 : memref<1x157x128xi32, #tpu.memory_space<hbm>> -> memref<157x128xi32, #tpu.memory_space<hbm>>
      tpu.enqueue_dma source(%dma_start3A_235 : memref<157x128xi32, #tpu.memory_space<hbm>>) target(%arg6 : memref<157x128xi32, #tpu.memory_space<vmem>>) target_semaphore(%run_scoped3A_227 : memref<!tpu.dma_semaphore, #tpu.memory_space<semaphore_mem>>)
      %dma_wait3A_236 = arith.constant 0 : i32
      %dma_wait3A_237 = arith.constant 0 : i32
      %dma_wait3A_238 = tpu.memref_slice %arg3[%arg1, %dma_wait3A_236, %dma_wait3A_237] : memref<16x157x128xi32, #tpu.memory_space<hbm>> -> memref<1x157x128xi32, #tpu.memory_space<hbm>>
      %dma_wait3A_239 = tpu.memref_squeeze %dma_wait3A_238 : memref<1x157x128xi32, #tpu.memory_space<hbm>> -> memref<157x128xi32, #tpu.memory_space<hbm>>
      %dma_wait3A_240 = arith.constant 0 : i32
      %dma_wait3A_241 = arith.constant 0 : i32
      %dma_wait3A_242 = tpu.memref_slice %arg3[%arg1, %dma_wait3A_240, %dma_wait3A_241] : memref<16x157x128xi32, #tpu.memory_space<hbm>> -> memref<1x157x128xi32, #tpu.memory_space<hbm>>
      %dma_wait3A_243 = tpu.memref_squeeze %dma_wait3A_242 : memref<1x157x128xi32, #tpu.memory_space<hbm>> -> memref<157x128xi32, #tpu.memory_space<hbm>>
      tpu.wait_dma2 semaphore(%run_scoped3A_227 : memref<!tpu.dma_semaphore, #tpu.memory_space<semaphore_mem>>) src(%dma_wait3A_243 : memref<157x128xi32, #tpu.memory_space<hbm>>) dst(%arg6 : memref<157x128xi32, #tpu.memory_space<vmem>>)
      tpu.yield
    }) : () -> ()
    "tpu.region"() ({
      %run_scoped3A_227 = tpu.sem_alloc : memref<!tpu.dma_semaphore, #tpu.memory_space<semaphore_mem>>
      %dma_start3A_228 = arith.constant 0 : i32
      %dma_start3A_229 = arith.constant 0 : i32
      %dma_start3A_230 = tpu.memref_slice %arg4[%arg1, %dma_start3A_228, %dma_start3A_229] : memref<16x157x128xi32, #tpu.memory_space<hbm>> -> memref<1x157x128xi32, #tpu.memory_space<hbm>>
      %dma_start3A_231 = tpu.memref_squeeze %dma_start3A_230 : memref<1x157x128xi32, #tpu.memory_space<hbm>> -> memref<157x128xi32, #tpu.memory_space<hbm>>
      %dma_start3A_232 = arith.constant 0 : i32
      %dma_start3A_233 = arith.constant 0 : i32
      %dma_start3A_234 = tpu.memref_slice %arg4[%arg1, %dma_start3A_232, %dma_start3A_233] : memref<16x157x128xi32, #tpu.memory_space<hbm>> -> memref<1x157x128xi32, #tpu.memory_space<hbm>>
      %dma_start3A_235 = tpu.memref_squeeze %dma_start3A_234 : memref<1x157x128xi32, #tpu.memory_space<hbm>> -> memref<157x128xi32, #tpu.memory_space<hbm>>
      tpu.enqueue_dma source(%dma_start3A_235 : memref<157x128xi32, #tpu.memory_space<hbm>>) target(%arg7 : memref<157x128xi32, #tpu.memory_space<vmem>>) target_semaphore(%run_scoped3A_227 : memref<!tpu.dma_semaphore, #tpu.memory_space<semaphore_mem>>)
      %dma_wait3A_236 = arith.constant 0 : i32
      %dma_wait3A_237 = arith.constant 0 : i32
      %dma_wait3A_238 = tpu.memref_slice %arg4[%arg1, %dma_wait3A_236, %dma_wait3A_237] : memref<16x157x128xi32, #tpu.memory_space<hbm>> -> memref<1x157x128xi32, #tpu.memory_space<hbm>>
      %dma_wait3A_239 = tpu.memref_squeeze %dma_wait3A_238 : memref<1x157x128xi32, #tpu.memory_space<hbm>> -> memref<157x128xi32, #tpu.memory_space<hbm>>
      %dma_wait3A_240 = arith.constant 0 : i32
      %dma_wait3A_241 = arith.constant 0 : i32
      %dma_wait3A_242 = tpu.memref_slice %arg4[%arg1, %dma_wait3A_240, %dma_wait3A_241] : memref<16x157x128xi32, #tpu.memory_space<hbm>> -> memref<1x157x128xi32, #tpu.memory_space<hbm>>
      %dma_wait3A_243 = tpu.memref_squeeze %dma_wait3A_242 : memref<1x157x128xi32, #tpu.memory_space<hbm>> -> memref<157x128xi32, #tpu.memory_space<hbm>>
      tpu.wait_dma2 semaphore(%run_scoped3A_227 : memref<!tpu.dma_semaphore, #tpu.memory_space<semaphore_mem>>) src(%dma_wait3A_243 : memref<157x128xi32, #tpu.memory_space<hbm>>) dst(%arg7 : memref<157x128xi32, #tpu.memory_space<vmem>>)
      tpu.yield
    }) : () -> ()
    %barrier3A = arith.constant 0 : index
    tpu.barrier barrier_id(%barrier3A)
    %dma_start3A = arith.constant 0 : i32
    %dma_start3A_44 = arith.constant 0 : i32
    %dma_start3A_45 = arith.constant 0 : i32
    %dma_start3A_46 = arith.constant 0 : i32
    %dma_start3A_47 = tpu.memref_slice %arg8[%dma_start3A_44, %dma_start3A_45, %dma_start3A_46] : memref<4x128x64xf32, #tpu.memory_space<vmem>> -> memref<1x128x64xf32, #tpu.memory_space<vmem>>
    %dma_start3A_48 = tpu.memref_squeeze %dma_start3A_47 : memref<1x128x64xf32, #tpu.memory_space<vmem>> -> memref<128x64xf32, #tpu.memory_space<vmem>>
    %dma_start3A_49 = arith.constant 0 : i32
    %dma_start3A_50 = tpu.memref_slice %arg6[%dma_start3A, %dma_start3A_49] : memref<157x128xi32, #tpu.memory_space<vmem>> -> memref<1x128xi32, #tpu.memory_space<vmem>>
    %dma_start3A_51 = tpu.memref_squeeze %dma_start3A_50 : memref<1x128xi32, #tpu.memory_space<vmem>> -> memref<128xi32, #tpu.memory_space<vmem>>
    %dma_start3A_52 = arith.constant 0 : i32
    %dma_start3A_53 = arith.constant 0 : i32
    %dma_start3A_54 = tpu.memref_slice %arg2[%arg0, %dma_start3A_52, %dma_start3A_53] : memref<2x10000x64xf32, #tpu.memory_space<hbm>> -> memref<1x10000x64xf32, #tpu.memory_space<hbm>>
    %dma_start3A_55 = tpu.memref_squeeze %dma_start3A_54 : memref<1x10000x64xf32, #tpu.memory_space<hbm>> -> memref<10000x64xf32, #tpu.memory_space<hbm>>
    %dma_start3A_56 = arith.constant 0 : i32
    %dma_start3A_57 = arith.constant 0 : i32
    %dma_start3A_58 = tpu.memref_slice %dma_start3A_55[%dma_start3A_56, %dma_start3A_57] : memref<10000x64xf32, #tpu.memory_space<hbm>> -> memref<10000x64xf32, #tpu.memory_space<hbm>>
    tpu.enqueue_indirect_dma source(%dma_start3A_58 : memref<10000x64xf32, #tpu.memory_space<hbm>>) target(%dma_start3A_48 : memref<128x64xf32, #tpu.memory_space<vmem>>) offsets(%dma_start3A_51 : memref<128xi32, #tpu.memory_space<vmem>>) semaphore(%arg11 : memref<!tpu.dma_semaphore, #tpu.memory_space<semaphore_mem>>)
    %dma_start3A_59 = arith.constant 1 : i32
    %dma_start3A_60 = arith.constant 1 : i32
    %dma_start3A_61 = arith.constant 0 : i32
    %dma_start3A_62 = arith.constant 0 : i32
    %dma_start3A_63 = tpu.memref_slice %arg8[%dma_start3A_60, %dma_start3A_61, %dma_start3A_62] : memref<4x128x64xf32, #tpu.memory_space<vmem>> -> memref<1x128x64xf32, #tpu.memory_space<vmem>>
    %dma_start3A_64 = tpu.memref_squeeze %dma_start3A_63 : memref<1x128x64xf32, #tpu.memory_space<vmem>> -> memref<128x64xf32, #tpu.memory_space<vmem>>
    %dma_start3A_65 = arith.constant 0 : i32
    %dma_start3A_66 = tpu.memref_slice %arg6[%dma_start3A_59, %dma_start3A_65] : memref<157x128xi32, #tpu.memory_space<vmem>> -> memref<1x128xi32, #tpu.memory_space<vmem>>
    %dma_start3A_67 = tpu.memref_squeeze %dma_start3A_66 : memref<1x128xi32, #tpu.memory_space<vmem>> -> memref<128xi32, #tpu.memory_space<vmem>>
    %dma_start3A_68 = arith.constant 0 : i32
    %dma_start3A_69 = arith.constant 0 : i32
    %dma_start3A_70 = tpu.memref_slice %arg2[%arg0, %dma_start3A_68, %dma_start3A_69] : memref<2x10000x64xf32, #tpu.memory_space<hbm>> -> memref<1x10000x64xf32, #tpu.memory_space<hbm>>
    %dma_start3A_71 = tpu.memref_squeeze %dma_start3A_70 : memref<1x10000x64xf32, #tpu.memory_space<hbm>> -> memref<10000x64xf32, #tpu.memory_space<hbm>>
    %dma_start3A_72 = arith.constant 0 : i32
    %dma_start3A_73 = arith.constant 0 : i32
    %dma_start3A_74 = tpu.memref_slice %dma_start3A_71[%dma_start3A_72, %dma_start3A_73] : memref<10000x64xf32, #tpu.memory_space<hbm>> -> memref<10000x64xf32, #tpu.memory_space<hbm>>
    tpu.enqueue_indirect_dma source(%dma_start3A_74 : memref<10000x64xf32, #tpu.memory_space<hbm>>) target(%dma_start3A_64 : memref<128x64xf32, #tpu.memory_space<vmem>>) offsets(%dma_start3A_67 : memref<128xi32, #tpu.memory_space<vmem>>) semaphore(%arg12 : memref<!tpu.dma_semaphore, #tpu.memory_space<semaphore_mem>>)
    %dma_start3A_75 = arith.constant 2 : i32
    %dma_start3A_76 = arith.constant 2 : i32
    %dma_start3A_77 = arith.constant 0 : i32
    %dma_start3A_78 = arith.constant 0 : i32
    %dma_start3A_79 = tpu.memref_slice %arg8[%dma_start3A_76, %dma_start3A_77, %dma_start3A_78] : memref<4x128x64xf32, #tpu.memory_space<vmem>> -> memref<1x128x64xf32, #tpu.memory_space<vmem>>
    %dma_start3A_80 = tpu.memref_squeeze %dma_start3A_79 : memref<1x128x64xf32, #tpu.memory_space<vmem>> -> memref<128x64xf32, #tpu.memory_space<vmem>>
    %dma_start3A_81 = arith.constant 0 : i32
    %dma_start3A_82 = tpu.memref_slice %arg6[%dma_start3A_75, %dma_start3A_81] : memref<157x128xi32, #tpu.memory_space<vmem>> -> memref<1x128xi32, #tpu.memory_space<vmem>>
    %dma_start3A_83 = tpu.memref_squeeze %dma_start3A_82 : memref<1x128xi32, #tpu.memory_space<vmem>> -> memref<128xi32, #tpu.memory_space<vmem>>
    %dma_start3A_84 = arith.constant 0 : i32
    %dma_start3A_85 = arith.constant 0 : i32
    %dma_start3A_86 = tpu.memref_slice %arg2[%arg0, %dma_start3A_84, %dma_start3A_85] : memref<2x10000x64xf32, #tpu.memory_space<hbm>> -> memref<1x10000x64xf32, #tpu.memory_space<hbm>>
    %dma_start3A_87 = tpu.memref_squeeze %dma_start3A_86 : memref<1x10000x64xf32, #tpu.memory_space<hbm>> -> memref<10000x64xf32, #tpu.memory_space<hbm>>
    %dma_start3A_88 = arith.constant 0 : i32
    %dma_start3A_89 = arith.constant 0 : i32
    %dma_start3A_90 = tpu.memref_slice %dma_start3A_87[%dma_start3A_88, %dma_start3A_89] : memref<10000x64xf32, #tpu.memory_space<hbm>> -> memref<10000x64xf32, #tpu.memory_space<hbm>>
    tpu.enqueue_indirect_dma source(%dma_start3A_90 : memref<10000x64xf32, #tpu.memory_space<hbm>>) target(%dma_start3A_80 : memref<128x64xf32, #tpu.memory_space<vmem>>) offsets(%dma_start3A_83 : memref<128xi32, #tpu.memory_space<vmem>>) semaphore(%arg13 : memref<!tpu.dma_semaphore, #tpu.memory_space<semaphore_mem>>)
    %scan3A_91 = arith.constant 0 : i32
    %scan3A_92 = arith.constant 0 : i32
    %scan3A_93 = arith.constant 38 : i32
    %scan3A_94 = arith.addi %scan3A_92, %scan3A_93 : i32
    %scan3A_95 = arith.constant 1 : i32
    %scan3A_96 = scf.for %scan3A_227 = %scan3A_92 to %scan3A_94 step %scan3A_95 iter_args(%scan3A_228 = %scan3A_91) -> (i32)  : i32 {
      %mul3A_229 = arith.constant 4 : i32
      %mul3A_230 = arith.muli %mul3A_229, %scan3A_227 : i32
      %add3A_231 = arith.constant 0 : i32
      %add3A_232 = arith.addi %mul3A_230, %add3A_231 : i32
      %dma_wait3A_233 = arith.constant 0 : i32
      %dma_wait3A_234 = arith.constant 0 : i32
      %dma_wait3A_235 = arith.constant 0 : i32
      %dma_wait3A_236 = arith.constant 0 : i32
      %dma_wait3A_237 = tpu.memref_slice %arg8[%dma_wait3A_234, %dma_wait3A_235, %dma_wait3A_236] : memref<4x128x64xf32, #tpu.memory_space<vmem>> -> memref<1x128x64xf32, #tpu.memory_space<vmem>>
      %dma_wait3A_238 = tpu.memref_squeeze %dma_wait3A_237 : memref<1x128x64xf32, #tpu.memory_space<vmem>> -> memref<128x64xf32, #tpu.memory_space<vmem>>
      %dma_wait3A_239 = arith.constant 0 : i32
      %dma_wait3A_240 = tpu.memref_slice %arg6[%dma_wait3A_233, %dma_wait3A_239] : memref<157x128xi32, #tpu.memory_space<vmem>> -> memref<1x128xi32, #tpu.memory_space<vmem>>
      %dma_wait3A_241 = tpu.memref_squeeze %dma_wait3A_240 : memref<1x128xi32, #tpu.memory_space<vmem>> -> memref<128xi32, #tpu.memory_space<vmem>>
      %dma_wait3A_242 = arith.constant 0 : i32
      %dma_wait3A_243 = arith.constant 0 : i32
      %dma_wait3A_244 = tpu.memref_slice %arg2[%arg0, %dma_wait3A_242, %dma_wait3A_243] : memref<2x10000x64xf32, #tpu.memory_space<hbm>> -> memref<1x10000x64xf32, #tpu.memory_space<hbm>>
      %dma_wait3A_245 = tpu.memref_squeeze %dma_wait3A_244 : memref<1x10000x64xf32, #tpu.memory_space<hbm>> -> memref<10000x64xf32, #tpu.memory_space<hbm>>
      %dma_wait3A_246 = arith.constant 0 : i32
      %dma_wait3A_247 = arith.constant 0 : i32
      %dma_wait3A_248 = tpu.memref_slice %dma_wait3A_245[%dma_wait3A_246, %dma_wait3A_247] : memref<10000x64xf32, #tpu.memory_space<hbm>> -> memref<10000x64xf32, #tpu.memory_space<hbm>>
      tpu.wait_indirect_dma semaphore(%arg11 : memref<!tpu.dma_semaphore, #tpu.memory_space<semaphore_mem>>) src(%dma_wait3A_248 : memref<10000x64xf32, #tpu.memory_space<hbm>>) dst(%dma_wait3A_238 : memref<128x64xf32, #tpu.memory_space<vmem>>)
      %run_scoped3A_249 = arith.constant 0 : i32
      "tpu.region"() ({
        %run_scoped3A_389 = tpu.sem_alloc : memref<!tpu.dma_semaphore, #tpu.memory_space<semaphore_mem>>
        %dma_start3A_390 = arith.constant 0 : i32
        %dma_start3A_391 = arith.constant 0 : i32
        %dma_start3A_392 = tpu.memref_slice %arg8[%run_scoped3A_249, %dma_start3A_390, %dma_start3A_391] : memref<4x128x64xf32, #tpu.memory_space<vmem>> -> memref<1x128x64xf32, #tpu.memory_space<vmem>>
        %dma_start3A_393 = tpu.memref_squeeze %dma_start3A_392 : memref<1x128x64xf32, #tpu.memory_space<vmem>> -> memref<128x64xf32, #tpu.memory_space<vmem>>
        %dma_start3A_394 = arith.constant 0 : i32
        %dma_start3A_395 = tpu.memref_slice %arg7[%add3A_232, %dma_start3A_394] : memref<157x128xi32, #tpu.memory_space<vmem>> -> memref<1x128xi32, #tpu.memory_space<vmem>>
        %dma_start3A_396 = tpu.memref_squeeze %dma_start3A_395 : memref<1x128xi32, #tpu.memory_space<vmem>> -> memref<128xi32, #tpu.memory_space<vmem>>
        %dma_start3A_397 = arith.constant 0 : i32
        %dma_start3A_398 = arith.constant 0 : i32
        %dma_start3A_399 = tpu.memref_slice %arg10[%dma_start3A_397, %dma_start3A_398] : memref<10240x64xf32, #tpu.memory_space<vmem_shared>> -> memref<10240x64xf32, #tpu.memory_space<vmem_shared>>
        tpu.enqueue_indirect_dma source(%dma_start3A_393 : memref<128x64xf32, #tpu.memory_space<vmem>>) target(%dma_start3A_399 : memref<10240x64xf32, #tpu.memory_space<vmem_shared>>) offsets(%dma_start3A_396 : memref<128xi32, #tpu.memory_space<vmem>>) semaphore(%run_scoped3A_389 : memref<!tpu.dma_semaphore, #tpu.memory_space<semaphore_mem>>) {add = true}
        %dma_wait3A_400 = arith.constant 0 : i32
        %dma_wait3A_401 = arith.constant 0 : i32
        %dma_wait3A_402 = tpu.memref_slice %arg8[%run_scoped3A_249, %dma_wait3A_400, %dma_wait3A_401] : memref<4x128x64xf32, #tpu.memory_space<vmem>> -> memref<1x128x64xf32, #tpu.memory_space<vmem>>
        %dma_wait3A_403 = tpu.memref_squeeze %dma_wait3A_402 : memref<1x128x64xf32, #tpu.memory_space<vmem>> -> memref<128x64xf32, #tpu.memory_space<vmem>>
        %dma_wait3A_404 = arith.constant 0 : i32
        %dma_wait3A_405 = tpu.memref_slice %arg7[%add3A_232, %dma_wait3A_404] : memref<157x128xi32, #tpu.memory_space<vmem>> -> memref<1x128xi32, #tpu.memory_space<vmem>>
        %dma_wait3A_406 = tpu.memref_squeeze %dma_wait3A_405 : memref<1x128xi32, #tpu.memory_space<vmem>> -> memref<128xi32, #tpu.memory_space<vmem>>
        %dma_wait3A_407 = arith.constant 0 : i32
        %dma_wait3A_408 = arith.constant 0 : i32
        %dma_wait3A_409 = tpu.memref_slice %arg10[%dma_wait3A_407, %dma_wait3A_408] : memref<10240x64xf32, #tpu.memory_space<vmem_shared>> -> memref<10240x64xf32, #tpu.memory_space<vmem_shared>>
        tpu.wait_indirect_dma semaphore(%run_scoped3A_389 : memref<!tpu.dma_semaphore, #tpu.memory_space<semaphore_mem>>) src(%dma_wait3A_403 : memref<128x64xf32, #tpu.memory_space<vmem>>) dst(%dma_wait3A_409 : memref<10240x64xf32, #tpu.memory_space<vmem_shared>>)
        tpu.yield
      }) : () -> ()
      %add3A_250 = arith.constant 4 : i32
      %add3A_251 = arith.addi %add3A_232, %add3A_250 : i32
      %sub3A = arith.constant 1 : i32
      %sub3A_252 = arith.subi %add3A_251, %sub3A : i32
      %dma_start3A_253 = arith.constant 3 : i32
      %dma_start3A_254 = arith.constant 0 : i32
      %dma_start3A_255 = arith.constant 0 : i32
      %dma_start3A_256 = tpu.memref_slice %arg8[%dma_start3A_253, %dma_start3A_254, %dma_start3A_255] : memref<4x128x64xf32, #tpu.memory_space<vmem>> -> memref<1x128x64xf32, #tpu.memory_space<vmem>>
      %dma_start3A_257 = tpu.memref_squeeze %dma_start3A_256 : memref<1x128x64xf32, #tpu.memory_space<vmem>> -> memref<128x64xf32, #tpu.memory_space<vmem>>
      %dma_start3A_258 = arith.constant 0 : i32
      %dma_start3A_259 = tpu.memref_slice %arg6[%sub3A_252, %dma_start3A_258] : memref<157x128xi32, #tpu.memory_space<vmem>> -> memref<1x128xi32, #tpu.memory_space<vmem>>
      %dma_start3A_260 = tpu.memref_squeeze %dma_start3A_259 : memref<1x128xi32, #tpu.memory_space<vmem>> -> memref<128xi32, #tpu.memory_space<vmem>>
      %dma_start3A_261 = arith.constant 0 : i32
      %dma_start3A_262 = arith.constant 0 : i32
      %dma_start3A_263 = tpu.memref_slice %arg2[%arg0, %dma_start3A_261, %dma_start3A_262] : memref<2x10000x64xf32, #tpu.memory_space<hbm>> -> memref<1x10000x64xf32, #tpu.memory_space<hbm>>
      %dma_start3A_264 = tpu.memref_squeeze %dma_start3A_263 : memref<1x10000x64xf32, #tpu.memory_space<hbm>> -> memref<10000x64xf32, #tpu.memory_space<hbm>>
      %dma_start3A_265 = arith.constant 0 : i32
      %dma_start3A_266 = arith.constant 0 : i32
      %dma_start3A_267 = tpu.memref_slice %dma_start3A_264[%dma_start3A_265, %dma_start3A_266] : memref<10000x64xf32, #tpu.memory_space<hbm>> -> memref<10000x64xf32, #tpu.memory_space<hbm>>
      tpu.enqueue_indirect_dma source(%dma_start3A_267 : memref<10000x64xf32, #tpu.memory_space<hbm>>) target(%dma_start3A_257 : memref<128x64xf32, #tpu.memory_space<vmem>>) offsets(%dma_start3A_260 : memref<128xi32, #tpu.memory_space<vmem>>) semaphore(%arg14 : memref<!tpu.dma_semaphore, #tpu.memory_space<semaphore_mem>>)
      %mul3A_268 = arith.constant 4 : i32
      %mul3A_269 = arith.muli %mul3A_268, %scan3A_227 : i32
      %add3A_270 = arith.constant 1 : i32
      %add3A_271 = arith.addi %mul3A_269, %add3A_270 : i32
      %dma_wait3A_272 = arith.constant 0 : i32
      %dma_wait3A_273 = arith.constant 1 : i32
      %dma_wait3A_274 = arith.constant 0 : i32
      %dma_wait3A_275 = arith.constant 0 : i32
      %dma_wait3A_276 = tpu.memref_slice %arg8[%dma_wait3A_273, %dma_wait3A_274, %dma_wait3A_275] : memref<4x128x64xf32, #tpu.memory_space<vmem>> -> memref<1x128x64xf32, #tpu.memory_space<vmem>>
      %dma_wait3A_277 = tpu.memref_squeeze %dma_wait3A_276 : memref<1x128x64xf32, #tpu.memory_space<vmem>> -> memref<128x64xf32, #tpu.memory_space<vmem>>
      %dma_wait3A_278 = arith.constant 0 : i32
      %dma_wait3A_279 = tpu.memref_slice %arg6[%dma_wait3A_272, %dma_wait3A_278] : memref<157x128xi32, #tpu.memory_space<vmem>> -> memref<1x128xi32, #tpu.memory_space<vmem>>
      %dma_wait3A_280 = tpu.memref_squeeze %dma_wait3A_279 : memref<1x128xi32, #tpu.memory_space<vmem>> -> memref<128xi32, #tpu.memory_space<vmem>>
      %dma_wait3A_281 = arith.constant 0 : i32
      %dma_wait3A_282 = arith.constant 0 : i32
      %dma_wait3A_283 = tpu.memref_slice %arg2[%arg0, %dma_wait3A_281, %dma_wait3A_282] : memref<2x10000x64xf32, #tpu.memory_space<hbm>> -> memref<1x10000x64xf32, #tpu.memory_space<hbm>>
      %dma_wait3A_284 = tpu.memref_squeeze %dma_wait3A_283 : memref<1x10000x64xf32, #tpu.memory_space<hbm>> -> memref<10000x64xf32, #tpu.memory_space<hbm>>
      %dma_wait3A_285 = arith.constant 0 : i32
      %dma_wait3A_286 = arith.constant 0 : i32
      %dma_wait3A_287 = tpu.memref_slice %dma_wait3A_284[%dma_wait3A_285, %dma_wait3A_286] : memref<10000x64xf32, #tpu.memory_space<hbm>> -> memref<10000x64xf32, #tpu.memory_space<hbm>>
      tpu.wait_indirect_dma semaphore(%arg12 : memref<!tpu.dma_semaphore, #tpu.memory_space<semaphore_mem>>) src(%dma_wait3A_287 : memref<10000x64xf32, #tpu.memory_space<hbm>>) dst(%dma_wait3A_277 : memref<128x64xf32, #tpu.memory_space<vmem>>)
      %run_scoped3A_288 = arith.constant 1 : i32
      "tpu.region"() ({
        %run_scoped3A_389 = tpu.sem_alloc : memref<!tpu.dma_semaphore, #tpu.memory_space<semaphore_mem>>
        %dma_start3A_390 = arith.constant 0 : i32
        %dma_start3A_391 = arith.constant 0 : i32
        %dma_start3A_392 = tpu.memref_slice %arg8[%run_scoped3A_288, %dma_start3A_390, %dma_start3A_391] : memref<4x128x64xf32, #tpu.memory_space<vmem>> -> memref<1x128x64xf32, #tpu.memory_space<vmem>>
        %dma_start3A_393 = tpu.memref_squeeze %dma_start3A_392 : memref<1x128x64xf32, #tpu.memory_space<vmem>> -> memref<128x64xf32, #tpu.memory_space<vmem>>
        %dma_start3A_394 = arith.constant 0 : i32
        %dma_start3A_395 = tpu.memref_slice %arg7[%add3A_271, %dma_start3A_394] : memref<157x128xi32, #tpu.memory_space<vmem>> -> memref<1x128xi32, #tpu.memory_space<vmem>>
        %dma_start3A_396 = tpu.memref_squeeze %dma_start3A_395 : memref<1x128xi32, #tpu.memory_space<vmem>> -> memref<128xi32, #tpu.memory_space<vmem>>
        %dma_start3A_397 = arith.constant 0 : i32
        %dma_start3A_398 = arith.constant 0 : i32
        %dma_start3A_399 = tpu.memref_slice %arg10[%dma_start3A_397, %dma_start3A_398] : memref<10240x64xf32, #tpu.memory_space<vmem_shared>> -> memref<10240x64xf32, #tpu.memory_space<vmem_shared>>
        tpu.enqueue_indirect_dma source(%dma_start3A_393 : memref<128x64xf32, #tpu.memory_space<vmem>>) target(%dma_start3A_399 : memref<10240x64xf32, #tpu.memory_space<vmem_shared>>) offsets(%dma_start3A_396 : memref<128xi32, #tpu.memory_space<vmem>>) semaphore(%run_scoped3A_389 : memref<!tpu.dma_semaphore, #tpu.memory_space<semaphore_mem>>) {add = true}
        %dma_wait3A_400 = arith.constant 0 : i32
        %dma_wait3A_401 = arith.constant 0 : i32
        %dma_wait3A_402 = tpu.memref_slice %arg8[%run_scoped3A_288, %dma_wait3A_400, %dma_wait3A_401] : memref<4x128x64xf32, #tpu.memory_space<vmem>> -> memref<1x128x64xf32, #tpu.memory_space<vmem>>
        %dma_wait3A_403 = tpu.memref_squeeze %dma_wait3A_402 : memref<1x128x64xf32, #tpu.memory_space<vmem>> -> memref<128x64xf32, #tpu.memory_space<vmem>>
        %dma_wait3A_404 = arith.constant 0 : i32
        %dma_wait3A_405 = tpu.memref_slice %arg7[%add3A_271, %dma_wait3A_404] : memref<157x128xi32, #tpu.memory_space<vmem>> -> memref<1x128xi32, #tpu.memory_space<vmem>>
        %dma_wait3A_406 = tpu.memref_squeeze %dma_wait3A_405 : memref<1x128xi32, #tpu.memory_space<vmem>> -> memref<128xi32, #tpu.memory_space<vmem>>
        %dma_wait3A_407 = arith.constant 0 : i32
        %dma_wait3A_408 = arith.constant 0 : i32
        %dma_wait3A_409 = tpu.memref_slice %arg10[%dma_wait3A_407, %dma_wait3A_408] : memref<10240x64xf32, #tpu.memory_space<vmem_shared>> -> memref<10240x64xf32, #tpu.memory_space<vmem_shared>>
        tpu.wait_indirect_dma semaphore(%run_scoped3A_389 : memref<!tpu.dma_semaphore, #tpu.memory_space<semaphore_mem>>) src(%dma_wait3A_403 : memref<128x64xf32, #tpu.memory_space<vmem>>) dst(%dma_wait3A_409 : memref<10240x64xf32, #tpu.memory_space<vmem_shared>>)
        tpu.yield
      }) : () -> ()
      %add3A_289 = arith.constant 4 : i32
      %add3A_290 = arith.addi %add3A_271, %add3A_289 : i32
      %sub3A_291 = arith.constant 1 : i32
      %sub3A_292 = arith.subi %add3A_290, %sub3A_291 : i32
      %dma_start3A_293 = arith.constant 0 : i32
      %dma_start3A_294 = arith.constant 0 : i32
      %dma_start3A_295 = arith.constant 0 : i32
      %dma_start3A_296 = tpu.memref_slice %arg8[%dma_start3A_293, %dma_start3A_294, %dma_start3A_295] : memref<4x128x64xf32, #tpu.memory_space<vmem>> -> memref<1x128x64xf32, #tpu.memory_space<vmem>>
      %dma_start3A_297 = tpu.memref_squeeze %dma_start3A_296 : memref<1x128x64xf32, #tpu.memory_space<vmem>> -> memref<128x64xf32, #tpu.memory_space<vmem>>
      %dma_start3A_298 = arith.constant 0 : i32
      %dma_start3A_299 = tpu.memref_slice %arg6[%sub3A_292, %dma_start3A_298] : memref<157x128xi32, #tpu.memory_space<vmem>> -> memref<1x128xi32, #tpu.memory_space<vmem>>
      %dma_start3A_300 = tpu.memref_squeeze %dma_start3A_299 : memref<1x128xi32, #tpu.memory_space<vmem>> -> memref<128xi32, #tpu.memory_space<vmem>>
      %dma_start3A_301 = arith.constant 0 : i32
      %dma_start3A_302 = arith.constant 0 : i32
      %dma_start3A_303 = tpu.memref_slice %arg2[%arg0, %dma_start3A_301, %dma_start3A_302] : memref<2x10000x64xf32, #tpu.memory_space<hbm>> -> memref<1x10000x64xf32, #tpu.memory_space<hbm>>
      %dma_start3A_304 = tpu.memref_squeeze %dma_start3A_303 : memref<1x10000x64xf32, #tpu.memory_space<hbm>> -> memref<10000x64xf32, #tpu.memory_space<hbm>>
      %dma_start3A_305 = arith.constant 0 : i32
      %dma_start3A_306 = arith.constant 0 : i32
      %dma_start3A_307 = tpu.memref_slice %dma_start3A_304[%dma_start3A_305, %dma_start3A_306] : memref<10000x64xf32, #tpu.memory_space<hbm>> -> memref<10000x64xf32, #tpu.memory_space<hbm>>
      tpu.enqueue_indirect_dma source(%dma_start3A_307 : memref<10000x64xf32, #tpu.memory_space<hbm>>) target(%dma_start3A_297 : memref<128x64xf32, #tpu.memory_space<vmem>>) offsets(%dma_start3A_300 : memref<128xi32, #tpu.memory_space<vmem>>) semaphore(%arg11 : memref<!tpu.dma_semaphore, #tpu.memory_space<semaphore_mem>>)
      %mul3A_308 = arith.constant 4 : i32
      %mul3A_309 = arith.muli %mul3A_308, %scan3A_227 : i32
      %add3A_310 = arith.constant 2 : i32
      %add3A_311 = arith.addi %mul3A_309, %add3A_310 : i32
      %dma_wait3A_312 = arith.constant 0 : i32
      %dma_wait3A_313 = arith.constant 2 : i32
      %dma_wait3A_314 = arith.constant 0 : i32
      %dma_wait3A_315 = arith.constant 0 : i32
      %dma_wait3A_316 = tpu.memref_slice %arg8[%dma_wait3A_313, %dma_wait3A_314, %dma_wait3A_315] : memref<4x128x64xf32, #tpu.memory_space<vmem>> -> memref<1x128x64xf32, #tpu.memory_space<vmem>>
      %dma_wait3A_317 = tpu.memref_squeeze %dma_wait3A_316 : memref<1x128x64xf32, #tpu.memory_space<vmem>> -> memref<128x64xf32, #tpu.memory_space<vmem>>
      %dma_wait3A_318 = arith.constant 0 : i32
      %dma_wait3A_319 = tpu.memref_slice %arg6[%dma_wait3A_312, %dma_wait3A_318] : memref<157x128xi32, #tpu.memory_space<vmem>> -> memref<1x128xi32, #tpu.memory_space<vmem>>
      %dma_wait3A_320 = tpu.memref_squeeze %dma_wait3A_319 : memref<1x128xi32, #tpu.memory_space<vmem>> -> memref<128xi32, #tpu.memory_space<vmem>>
      %dma_wait3A_321 = arith.constant 0 : i32
      %dma_wait3A_322 = arith.constant 0 : i32
      %dma_wait3A_323 = tpu.memref_slice %arg2[%arg0, %dma_wait3A_321, %dma_wait3A_322] : memref<2x10000x64xf32, #tpu.memory_space<hbm>> -> memref<1x10000x64xf32, #tpu.memory_space<hbm>>
      %dma_wait3A_324 = tpu.memref_squeeze %dma_wait3A_323 : memref<1x10000x64xf32, #tpu.memory_space<hbm>> -> memref<10000x64xf32, #tpu.memory_space<hbm>>
      %dma_wait3A_325 = arith.constant 0 : i32
      %dma_wait3A_326 = arith.constant 0 : i32
      %dma_wait3A_327 = tpu.memref_slice %dma_wait3A_324[%dma_wait3A_325, %dma_wait3A_326] : memref<10000x64xf32, #tpu.memory_space<hbm>> -> memref<10000x64xf32, #tpu.memory_space<hbm>>
      tpu.wait_indirect_dma semaphore(%arg13 : memref<!tpu.dma_semaphore, #tpu.memory_space<semaphore_mem>>) src(%dma_wait3A_327 : memref<10000x64xf32, #tpu.memory_space<hbm>>) dst(%dma_wait3A_317 : memref<128x64xf32, #tpu.memory_space<vmem>>)
      %run_scoped3A_328 = arith.constant 2 : i32
      "tpu.region"() ({
        %run_scoped3A_389 = tpu.sem_alloc : memref<!tpu.dma_semaphore, #tpu.memory_space<semaphore_mem>>
        %dma_start3A_390 = arith.constant 0 : i32
        %dma_start3A_391 = arith.constant 0 : i32
        %dma_start3A_392 = tpu.memref_slice %arg8[%run_scoped3A_328, %dma_start3A_390, %dma_start3A_391] : memref<4x128x64xf32, #tpu.memory_space<vmem>> -> memref<1x128x64xf32, #tpu.memory_space<vmem>>
        %dma_start3A_393 = tpu.memref_squeeze %dma_start3A_392 : memref<1x128x64xf32, #tpu.memory_space<vmem>> -> memref<128x64xf32, #tpu.memory_space<vmem>>
        %dma_start3A_394 = arith.constant 0 : i32
        %dma_start3A_395 = tpu.memref_slice %arg7[%add3A_311, %dma_start3A_394] : memref<157x128xi32, #tpu.memory_space<vmem>> -> memref<1x128xi32, #tpu.memory_space<vmem>>
        %dma_start3A_396 = tpu.memref_squeeze %dma_start3A_395 : memref<1x128xi32, #tpu.memory_space<vmem>> -> memref<128xi32, #tpu.memory_space<vmem>>
        %dma_start3A_397 = arith.constant 0 : i32
        %dma_start3A_398 = arith.constant 0 : i32
        %dma_start3A_399 = tpu.memref_slice %arg10[%dma_start3A_397, %dma_start3A_398] : memref<10240x64xf32, #tpu.memory_space<vmem_shared>> -> memref<10240x64xf32, #tpu.memory_space<vmem_shared>>
        tpu.enqueue_indirect_dma source(%dma_start3A_393 : memref<128x64xf32, #tpu.memory_space<vmem>>) target(%dma_start3A_399 : memref<10240x64xf32, #tpu.memory_space<vmem_shared>>) offsets(%dma_start3A_396 : memref<128xi32, #tpu.memory_space<vmem>>) semaphore(%run_scoped3A_389 : memref<!tpu.dma_semaphore, #tpu.memory_space<semaphore_mem>>) {add = true}
        %dma_wait3A_400 = arith.constant 0 : i32
        %dma_wait3A_401 = arith.constant 0 : i32
        %dma_wait3A_402 = tpu.memref_slice %arg8[%run_scoped3A_328, %dma_wait3A_400, %dma_wait3A_401] : memref<4x128x64xf32, #tpu.memory_space<vmem>> -> memref<1x128x64xf32, #tpu.memory_space<vmem>>
        %dma_wait3A_403 = tpu.memref_squeeze %dma_wait3A_402 : memref<1x128x64xf32, #tpu.memory_space<vmem>> -> memref<128x64xf32, #tpu.memory_space<vmem>>
        %dma_wait3A_404 = arith.constant 0 : i32
        %dma_wait3A_405 = tpu.memref_slice %arg7[%add3A_311, %dma_wait3A_404] : memref<157x128xi32, #tpu.memory_space<vmem>> -> memref<1x128xi32, #tpu.memory_space<vmem>>
        %dma_wait3A_406 = tpu.memref_squeeze %dma_wait3A_405 : memref<1x128xi32, #tpu.memory_space<vmem>> -> memref<128xi32, #tpu.memory_space<vmem>>
        %dma_wait3A_407 = arith.constant 0 : i32
        %dma_wait3A_408 = arith.constant 0 : i32
        %dma_wait3A_409 = tpu.memref_slice %arg10[%dma_wait3A_407, %dma_wait3A_408] : memref<10240x64xf32, #tpu.memory_space<vmem_shared>> -> memref<10240x64xf32, #tpu.memory_space<vmem_shared>>
        tpu.wait_indirect_dma semaphore(%run_scoped3A_389 : memref<!tpu.dma_semaphore, #tpu.memory_space<semaphore_mem>>) src(%dma_wait3A_403 : memref<128x64xf32, #tpu.memory_space<vmem>>) dst(%dma_wait3A_409 : memref<10240x64xf32, #tpu.memory_space<vmem_shared>>)
        tpu.yield
      }) : () -> ()
      %add3A_329 = arith.constant 4 : i32
      %add3A_330 = arith.addi %add3A_311, %add3A_329 : i32
      %sub3A_331 = arith.constant 1 : i32
      %sub3A_332 = arith.subi %add3A_330, %sub3A_331 : i32
      %dma_start3A_333 = arith.constant 1 : i32
      %dma_start3A_334 = arith.constant 0 : i32
      %dma_start3A_335 = arith.constant 0 : i32
      %dma_start3A_336 = tpu.memref_slice %arg8[%dma_start3A_333, %dma_start3A_334, %dma_start3A_335] : memref<4x128x64xf32, #tpu.memory_space<vmem>> -> memref<1x128x64xf32, #tpu.memory_space<vmem>>
      %dma_start3A_337 = tpu.memref_squeeze %dma_start3A_336 : memref<1x128x64xf32, #tpu.memory_space<vmem>> -> memref<128x64xf32, #tpu.memory_space<vmem>>
      %dma_start3A_338 = arith.constant 0 : i32
      %dma_start3A_339 = tpu.memref_slice %arg6[%sub3A_332, %dma_start3A_338] : memref<157x128xi32, #tpu.memory_space<vmem>> -> memref<1x128xi32, #tpu.memory_space<vmem>>
      %dma_start3A_340 = tpu.memref_squeeze %dma_start3A_339 : memref<1x128xi32, #tpu.memory_space<vmem>> -> memref<128xi32, #tpu.memory_space<vmem>>
      %dma_start3A_341 = arith.constant 0 : i32
      %dma_start3A_342 = arith.constant 0 : i32
      %dma_start3A_343 = tpu.memref_slice %arg2[%arg0, %dma_start3A_341, %dma_start3A_342] : memref<2x10000x64xf32, #tpu.memory_space<hbm>> -> memref<1x10000x64xf32, #tpu.memory_space<hbm>>
      %dma_start3A_344 = tpu.memref_squeeze %dma_start3A_343 : memref<1x10000x64xf32, #tpu.memory_space<hbm>> -> memref<10000x64xf32, #tpu.memory_space<hbm>>
      %dma_start3A_345 = arith.constant 0 : i32
      %dma_start3A_346 = arith.constant 0 : i32
      %dma_start3A_347 = tpu.memref_slice %dma_start3A_344[%dma_start3A_345, %dma_start3A_346] : memref<10000x64xf32, #tpu.memory_space<hbm>> -> memref<10000x64xf32, #tpu.memory_space<hbm>>
      tpu.enqueue_indirect_dma source(%dma_start3A_347 : memref<10000x64xf32, #tpu.memory_space<hbm>>) target(%dma_start3A_337 : memref<128x64xf32, #tpu.memory_space<vmem>>) offsets(%dma_start3A_340 : memref<128xi32, #tpu.memory_space<vmem>>) semaphore(%arg12 : memref<!tpu.dma_semaphore, #tpu.memory_space<semaphore_mem>>)
      %mul3A_348 = arith.constant 4 : i32
      %mul3A_349 = arith.muli %mul3A_348, %scan3A_227 : i32
      %add3A_350 = arith.constant 3 : i32
      %add3A_351 = arith.addi %mul3A_349, %add3A_350 : i32
      %dma_wait3A_352 = arith.constant 0 : i32
      %dma_wait3A_353 = arith.constant 3 : i32
      %dma_wait3A_354 = arith.constant 0 : i32
      %dma_wait3A_355 = arith.constant 0 : i32
      %dma_wait3A_356 = tpu.memref_slice %arg8[%dma_wait3A_353, %dma_wait3A_354, %dma_wait3A_355] : memref<4x128x64xf32, #tpu.memory_space<vmem>> -> memref<1x128x64xf32, #tpu.memory_space<vmem>>
      %dma_wait3A_357 = tpu.memref_squeeze %dma_wait3A_356 : memref<1x128x64xf32, #tpu.memory_space<vmem>> -> memref<128x64xf32, #tpu.memory_space<vmem>>
      %dma_wait3A_358 = arith.constant 0 : i32
      %dma_wait3A_359 = tpu.memref_slice %arg6[%dma_wait3A_352, %dma_wait3A_358] : memref<157x128xi32, #tpu.memory_space<vmem>> -> memref<1x128xi32, #tpu.memory_space<vmem>>
      %dma_wait3A_360 = tpu.memref_squeeze %dma_wait3A_359 : memref<1x128xi32, #tpu.memory_space<vmem>> -> memref<128xi32, #tpu.memory_space<vmem>>
      %dma_wait3A_361 = arith.constant 0 : i32
      %dma_wait3A_362 = arith.constant 0 : i32
      %dma_wait3A_363 = tpu.memref_slice %arg2[%arg0, %dma_wait3A_361, %dma_wait3A_362] : memref<2x10000x64xf32, #tpu.memory_space<hbm>> -> memref<1x10000x64xf32, #tpu.memory_space<hbm>>
      %dma_wait3A_364 = tpu.memref_squeeze %dma_wait3A_363 : memref<1x10000x64xf32, #tpu.memory_space<hbm>> -> memref<10000x64xf32, #tpu.memory_space<hbm>>
      %dma_wait3A_365 = arith.constant 0 : i32
      %dma_wait3A_366 = arith.constant 0 : i32
      %dma_wait3A_367 = tpu.memref_slice %dma_wait3A_364[%dma_wait3A_365, %dma_wait3A_366] : memref<10000x64xf32, #tpu.memory_space<hbm>> -> memref<10000x64xf32, #tpu.memory_space<hbm>>
      tpu.wait_indirect_dma semaphore(%arg14 : memref<!tpu.dma_semaphore, #tpu.memory_space<semaphore_mem>>) src(%dma_wait3A_367 : memref<10000x64xf32, #tpu.memory_space<hbm>>) dst(%dma_wait3A_357 : memref<128x64xf32, #tpu.memory_space<vmem>>)
      %run_scoped3A_368 = arith.constant 3 : i32
      "tpu.region"() ({
        %run_scoped3A_389 = tpu.sem_alloc : memref<!tpu.dma_semaphore, #tpu.memory_space<semaphore_mem>>
        %dma_start3A_390 = arith.constant 0 : i32
        %dma_start3A_391 = arith.constant 0 : i32
        %dma_start3A_392 = tpu.memref_slice %arg8[%run_scoped3A_368, %dma_start3A_390, %dma_start3A_391] : memref<4x128x64xf32, #tpu.memory_space<vmem>> -> memref<1x128x64xf32, #tpu.memory_space<vmem>>
        %dma_start3A_393 = tpu.memref_squeeze %dma_start3A_392 : memref<1x128x64xf32, #tpu.memory_space<vmem>> -> memref<128x64xf32, #tpu.memory_space<vmem>>
        %dma_start3A_394 = arith.constant 0 : i32
        %dma_start3A_395 = tpu.memref_slice %arg7[%add3A_351, %dma_start3A_394] : memref<157x128xi32, #tpu.memory_space<vmem>> -> memref<1x128xi32, #tpu.memory_space<vmem>>
        %dma_start3A_396 = tpu.memref_squeeze %dma_start3A_395 : memref<1x128xi32, #tpu.memory_space<vmem>> -> memref<128xi32, #tpu.memory_space<vmem>>
        %dma_start3A_397 = arith.constant 0 : i32
        %dma_start3A_398 = arith.constant 0 : i32
        %dma_start3A_399 = tpu.memref_slice %arg10[%dma_start3A_397, %dma_start3A_398] : memref<10240x64xf32, #tpu.memory_space<vmem_shared>> -> memref<10240x64xf32, #tpu.memory_space<vmem_shared>>
        tpu.enqueue_indirect_dma source(%dma_start3A_393 : memref<128x64xf32, #tpu.memory_space<vmem>>) target(%dma_start3A_399 : memref<10240x64xf32, #tpu.memory_space<vmem_shared>>) offsets(%dma_start3A_396 : memref<128xi32, #tpu.memory_space<vmem>>) semaphore(%run_scoped3A_389 : memref<!tpu.dma_semaphore, #tpu.memory_space<semaphore_mem>>) {add = true}
        %dma_wait3A_400 = arith.constant 0 : i32
        %dma_wait3A_401 = arith.constant 0 : i32
        %dma_wait3A_402 = tpu.memref_slice %arg8[%run_scoped3A_368, %dma_wait3A_400, %dma_wait3A_401] : memref<4x128x64xf32, #tpu.memory_space<vmem>> -> memref<1x128x64xf32, #tpu.memory_space<vmem>>
        %dma_wait3A_403 = tpu.memref_squeeze %dma_wait3A_402 : memref<1x128x64xf32, #tpu.memory_space<vmem>> -> memref<128x64xf32, #tpu.memory_space<vmem>>
        %dma_wait3A_404 = arith.constant 0 : i32
        %dma_wait3A_405 = tpu.memref_slice %arg7[%add3A_351, %dma_wait3A_404] : memref<157x128xi32, #tpu.memory_space<vmem>> -> memref<1x128xi32, #tpu.memory_space<vmem>>
        %dma_wait3A_406 = tpu.memref_squeeze %dma_wait3A_405 : memref<1x128xi32, #tpu.memory_space<vmem>> -> memref<128xi32, #tpu.memory_space<vmem>>
        %dma_wait3A_407 = arith.constant 0 : i32
        %dma_wait3A_408 = arith.constant 0 : i32
        %dma_wait3A_409 = tpu.memref_slice %arg10[%dma_wait3A_407, %dma_wait3A_408] : memref<10240x64xf32, #tpu.memory_space<vmem_shared>> -> memref<10240x64xf32, #tpu.memory_space<vmem_shared>>
        tpu.wait_indirect_dma semaphore(%run_scoped3A_389 : memref<!tpu.dma_semaphore, #tpu.memory_space<semaphore_mem>>) src(%dma_wait3A_403 : memref<128x64xf32, #tpu.memory_space<vmem>>) dst(%dma_wait3A_409 : memref<10240x64xf32, #tpu.memory_space<vmem_shared>>)
        tpu.yield
      }) : () -> ()
      %add3A_369 = arith.constant 4 : i32
      %add3A_370 = arith.addi %add3A_351, %add3A_369 : i32
      %sub3A_371 = arith.constant 1 : i32
      %sub3A_372 = arith.subi %add3A_370, %sub3A_371 : i32
      %dma_start3A_373 = arith.constant 2 : i32
      %dma_start3A_374 = arith.constant 0 : i32
      %dma_start3A_375 = arith.constant 0 : i32
      %dma_start3A_376 = tpu.memref_slice %arg8[%dma_start3A_373, %dma_start3A_374, %dma_start3A_375] : memref<4x128x64xf32, #tpu.memory_space<vmem>> -> memref<1x128x64xf32, #tpu.memory_space<vmem>>
      %dma_start3A_377 = tpu.memref_squeeze %dma_start3A_376 : memref<1x128x64xf32, #tpu.memory_space<vmem>> -> memref<128x64xf32, #tpu.memory_space<vmem>>
      %dma_start3A_378 = arith.constant 0 : i32
      %dma_start3A_379 = tpu.memref_slice %arg6[%sub3A_372, %dma_start3A_378] : memref<157x128xi32, #tpu.memory_space<vmem>> -> memref<1x128xi32, #tpu.memory_space<vmem>>
      %dma_start3A_380 = tpu.memref_squeeze %dma_start3A_379 : memref<1x128xi32, #tpu.memory_space<vmem>> -> memref<128xi32, #tpu.memory_space<vmem>>
      %dma_start3A_381 = arith.constant 0 : i32
      %dma_start3A_382 = arith.constant 0 : i32
      %dma_start3A_383 = tpu.memref_slice %arg2[%arg0, %dma_start3A_381, %dma_start3A_382] : memref<2x10000x64xf32, #tpu.memory_space<hbm>> -> memref<1x10000x64xf32, #tpu.memory_space<hbm>>
      %dma_start3A_384 = tpu.memref_squeeze %dma_start3A_383 : memref<1x10000x64xf32, #tpu.memory_space<hbm>> -> memref<10000x64xf32, #tpu.memory_space<hbm>>
      %dma_start3A_385 = arith.constant 0 : i32
      %dma_start3A_386 = arith.constant 0 : i32
      %dma_start3A_387 = tpu.memref_slice %dma_start3A_384[%dma_start3A_385, %dma_start3A_386] : memref<10000x64xf32, #tpu.memory_space<hbm>> -> memref<10000x64xf32, #tpu.memory_space<hbm>>
      tpu.enqueue_indirect_dma source(%dma_start3A_387 : memref<10000x64xf32, #tpu.memory_space<hbm>>) target(%dma_start3A_377 : memref<128x64xf32, #tpu.memory_space<vmem>>) offsets(%dma_start3A_380 : memref<128xi32, #tpu.memory_space<vmem>>) semaphore(%arg13 : memref<!tpu.dma_semaphore, #tpu.memory_space<semaphore_mem>>)
      %scan3A_388 = arith.constant 0 : i32
      scf.yield %scan3A_388 : i32
    }
    %scan3A_97 = arith.constant 38 : i32
    %dma_wait3A = arith.constant 0 : i32
    %dma_wait3A_98 = arith.constant 0 : i32
    %dma_wait3A_99 = arith.constant 0 : i32
    %dma_wait3A_100 = arith.constant 0 : i32
    %dma_wait3A_101 = tpu.memref_slice %arg8[%dma_wait3A_98, %dma_wait3A_99, %dma_wait3A_100] : memref<4x128x64xf32, #tpu.memory_space<vmem>> -> memref<1x128x64xf32, #tpu.memory_space<vmem>>
    %dma_wait3A_102 = tpu.memref_squeeze %dma_wait3A_101 : memref<1x128x64xf32, #tpu.memory_space<vmem>> -> memref<128x64xf32, #tpu.memory_space<vmem>>
    %dma_wait3A_103 = arith.constant 0 : i32
    %dma_wait3A_104 = tpu.memref_slice %arg6[%dma_wait3A, %dma_wait3A_103] : memref<157x128xi32, #tpu.memory_space<vmem>> -> memref<1x128xi32, #tpu.memory_space<vmem>>
    %dma_wait3A_105 = tpu.memref_squeeze %dma_wait3A_104 : memref<1x128xi32, #tpu.memory_space<vmem>> -> memref<128xi32, #tpu.memory_space<vmem>>
    %dma_wait3A_106 = arith.constant 0 : i32
    %dma_wait3A_107 = arith.constant 0 : i32
    %dma_wait3A_108 = tpu.memref_slice %arg2[%arg0, %dma_wait3A_106, %dma_wait3A_107] : memref<2x10000x64xf32, #tpu.memory_space<hbm>> -> memref<1x10000x64xf32, #tpu.memory_space<hbm>>
    %dma_wait3A_109 = tpu.memref_squeeze %dma_wait3A_108 : memref<1x10000x64xf32, #tpu.memory_space<hbm>> -> memref<10000x64xf32, #tpu.memory_space<hbm>>
    %dma_wait3A_110 = arith.constant 0 : i32
    %dma_wait3A_111 = arith.constant 0 : i32
    %dma_wait3A_112 = tpu.memref_slice %dma_wait3A_109[%dma_wait3A_110, %dma_wait3A_111] : memref<10000x64xf32, #tpu.memory_space<hbm>> -> memref<10000x64xf32, #tpu.memory_space<hbm>>
    tpu.wait_indirect_dma semaphore(%arg11 : memref<!tpu.dma_semaphore, #tpu.memory_space<semaphore_mem>>) src(%dma_wait3A_112 : memref<10000x64xf32, #tpu.memory_space<hbm>>) dst(%dma_wait3A_102 : memref<128x64xf32, #tpu.memory_space<vmem>>)
    %run_scoped3A = arith.constant 0 : i32
    %run_scoped3A_113 = arith.constant 152 : i32
    "tpu.region"() ({
      %run_scoped3A_227 = tpu.sem_alloc : memref<!tpu.dma_semaphore, #tpu.memory_space<semaphore_mem>>
      %dma_start3A_228 = arith.constant 0 : i32
      %dma_start3A_229 = arith.constant 0 : i32
      %dma_start3A_230 = tpu.memref_slice %arg8[%run_scoped3A, %dma_start3A_228, %dma_start3A_229] : memref<4x128x64xf32, #tpu.memory_space<vmem>> -> memref<1x128x64xf32, #tpu.memory_space<vmem>>
      %dma_start3A_231 = tpu.memref_squeeze %dma_start3A_230 : memref<1x128x64xf32, #tpu.memory_space<vmem>> -> memref<128x64xf32, #tpu.memory_space<vmem>>
      %dma_start3A_232 = arith.constant 0 : i32
      %dma_start3A_233 = tpu.memref_slice %arg7[%run_scoped3A_113, %dma_start3A_232] : memref<157x128xi32, #tpu.memory_space<vmem>> -> memref<1x128xi32, #tpu.memory_space<vmem>>
      %dma_start3A_234 = tpu.memref_squeeze %dma_start3A_233 : memref<1x128xi32, #tpu.memory_space<vmem>> -> memref<128xi32, #tpu.memory_space<vmem>>
      %dma_start3A_235 = arith.constant 0 : i32
      %dma_start3A_236 = arith.constant 0 : i32
      %dma_start3A_237 = tpu.memref_slice %arg10[%dma_start3A_235, %dma_start3A_236] : memref<10240x64xf32, #tpu.memory_space<vmem_shared>> -> memref<10240x64xf32, #tpu.memory_space<vmem_shared>>
      tpu.enqueue_indirect_dma source(%dma_start3A_231 : memref<128x64xf32, #tpu.memory_space<vmem>>) target(%dma_start3A_237 : memref<10240x64xf32, #tpu.memory_space<vmem_shared>>) offsets(%dma_start3A_234 : memref<128xi32, #tpu.memory_space<vmem>>) semaphore(%run_scoped3A_227 : memref<!tpu.dma_semaphore, #tpu.memory_space<semaphore_mem>>) {add = true}
      %dma_wait3A_238 = arith.constant 0 : i32
      %dma_wait3A_239 = arith.constant 0 : i32
      %dma_wait3A_240 = tpu.memref_slice %arg8[%run_scoped3A, %dma_wait3A_238, %dma_wait3A_239] : memref<4x128x64xf32, #tpu.memory_space<vmem>> -> memref<1x128x64xf32, #tpu.memory_space<vmem>>
      %dma_wait3A_241 = tpu.memref_squeeze %dma_wait3A_240 : memref<1x128x64xf32, #tpu.memory_space<vmem>> -> memref<128x64xf32, #tpu.memory_space<vmem>>
      %dma_wait3A_242 = arith.constant 0 : i32
      %dma_wait3A_243 = tpu.memref_slice %arg7[%run_scoped3A_113, %dma_wait3A_242] : memref<157x128xi32, #tpu.memory_space<vmem>> -> memref<1x128xi32, #tpu.memory_space<vmem>>
      %dma_wait3A_244 = tpu.memref_squeeze %dma_wait3A_243 : memref<1x128xi32, #tpu.memory_space<vmem>> -> memref<128xi32, #tpu.memory_space<vmem>>
      %dma_wait3A_245 = arith.constant 0 : i32
      %dma_wait3A_246 = arith.constant 0 : i32
      %dma_wait3A_247 = tpu.memref_slice %arg10[%dma_wait3A_245, %dma_wait3A_246] : memref<10240x64xf32, #tpu.memory_space<vmem_shared>> -> memref<10240x64xf32, #tpu.memory_space<vmem_shared>>
      tpu.wait_indirect_dma semaphore(%run_scoped3A_227 : memref<!tpu.dma_semaphore, #tpu.memory_space<semaphore_mem>>) src(%dma_wait3A_241 : memref<128x64xf32, #tpu.memory_space<vmem>>) dst(%dma_wait3A_247 : memref<10240x64xf32, #tpu.memory_space<vmem_shared>>)
      tpu.yield
    }) : () -> ()
    %dma_start3A_114 = arith.constant 155 : i32
    %dma_start3A_115 = arith.constant 3 : i32
    %dma_start3A_116 = arith.constant 0 : i32
    %dma_start3A_117 = arith.constant 0 : i32
    %dma_start3A_118 = tpu.memref_slice %arg8[%dma_start3A_115, %dma_start3A_116, %dma_start3A_117] : memref<4x128x64xf32, #tpu.memory_space<vmem>> -> memref<1x128x64xf32, #tpu.memory_space<vmem>>
    %dma_start3A_119 = tpu.memref_squeeze %dma_start3A_118 : memref<1x128x64xf32, #tpu.memory_space<vmem>> -> memref<128x64xf32, #tpu.memory_space<vmem>>
    %dma_start3A_120 = arith.constant 0 : i32
    %dma_start3A_121 = tpu.memref_slice %arg6[%dma_start3A_114, %dma_start3A_120] : memref<157x128xi32, #tpu.memory_space<vmem>> -> memref<1x128xi32, #tpu.memory_space<vmem>>
    %dma_start3A_122 = tpu.memref_squeeze %dma_start3A_121 : memref<1x128xi32, #tpu.memory_space<vmem>> -> memref<128xi32, #tpu.memory_space<vmem>>
    %dma_start3A_123 = arith.constant 0 : i32
    %dma_start3A_124 = arith.constant 0 : i32
    %dma_start3A_125 = tpu.memref_slice %arg2[%arg0, %dma_start3A_123, %dma_start3A_124] : memref<2x10000x64xf32, #tpu.memory_space<hbm>> -> memref<1x10000x64xf32, #tpu.memory_space<hbm>>
    %dma_start3A_126 = tpu.memref_squeeze %dma_start3A_125 : memref<1x10000x64xf32, #tpu.memory_space<hbm>> -> memref<10000x64xf32, #tpu.memory_space<hbm>>
    %dma_start3A_127 = arith.constant 0 : i32
    %dma_start3A_128 = arith.constant 0 : i32
    %dma_start3A_129 = tpu.memref_slice %dma_start3A_126[%dma_start3A_127, %dma_start3A_128] : memref<10000x64xf32, #tpu.memory_space<hbm>> -> memref<10000x64xf32, #tpu.memory_space<hbm>>
    tpu.enqueue_indirect_dma source(%dma_start3A_129 : memref<10000x64xf32, #tpu.memory_space<hbm>>) target(%dma_start3A_119 : memref<128x64xf32, #tpu.memory_space<vmem>>) offsets(%dma_start3A_122 : memref<128xi32, #tpu.memory_space<vmem>>) semaphore(%arg14 : memref<!tpu.dma_semaphore, #tpu.memory_space<semaphore_mem>>)
    %dma_wait3A_130 = arith.constant 0 : i32
    %dma_wait3A_131 = arith.constant 1 : i32
    %dma_wait3A_132 = arith.constant 0 : i32
    %dma_wait3A_133 = arith.constant 0 : i32
    %dma_wait3A_134 = tpu.memref_slice %arg8[%dma_wait3A_131, %dma_wait3A_132, %dma_wait3A_133] : memref<4x128x64xf32, #tpu.memory_space<vmem>> -> memref<1x128x64xf32, #tpu.memory_space<vmem>>
    %dma_wait3A_135 = tpu.memref_squeeze %dma_wait3A_134 : memref<1x128x64xf32, #tpu.memory_space<vmem>> -> memref<128x64xf32, #tpu.memory_space<vmem>>
    %dma_wait3A_136 = arith.constant 0 : i32
    %dma_wait3A_137 = tpu.memref_slice %arg6[%dma_wait3A_130, %dma_wait3A_136] : memref<157x128xi32, #tpu.memory_space<vmem>> -> memref<1x128xi32, #tpu.memory_space<vmem>>
    %dma_wait3A_138 = tpu.memref_squeeze %dma_wait3A_137 : memref<1x128xi32, #tpu.memory_space<vmem>> -> memref<128xi32, #tpu.memory_space<vmem>>
    %dma_wait3A_139 = arith.constant 0 : i32
    %dma_wait3A_140 = arith.constant 0 : i32
    %dma_wait3A_141 = tpu.memref_slice %arg2[%arg0, %dma_wait3A_139, %dma_wait3A_140] : memref<2x10000x64xf32, #tpu.memory_space<hbm>> -> memref<1x10000x64xf32, #tpu.memory_space<hbm>>
    %dma_wait3A_142 = tpu.memref_squeeze %dma_wait3A_141 : memref<1x10000x64xf32, #tpu.memory_space<hbm>> -> memref<10000x64xf32, #tpu.memory_space<hbm>>
    %dma_wait3A_143 = arith.constant 0 : i32
    %dma_wait3A_144 = arith.constant 0 : i32
    %dma_wait3A_145 = tpu.memref_slice %dma_wait3A_142[%dma_wait3A_143, %dma_wait3A_144] : memref<10000x64xf32, #tpu.memory_space<hbm>> -> memref<10000x64xf32, #tpu.memory_space<hbm>>
    tpu.wait_indirect_dma semaphore(%arg12 : memref<!tpu.dma_semaphore, #tpu.memory_space<semaphore_mem>>) src(%dma_wait3A_145 : memref<10000x64xf32, #tpu.memory_space<hbm>>) dst(%dma_wait3A_135 : memref<128x64xf32, #tpu.memory_space<vmem>>)
    %run_scoped3A_146 = arith.constant 1 : i32
    %run_scoped3A_147 = arith.constant 153 : i32
    "tpu.region"() ({
      %run_scoped3A_227 = tpu.sem_alloc : memref<!tpu.dma_semaphore, #tpu.memory_space<semaphore_mem>>
      %dma_start3A_228 = arith.constant 0 : i32
      %dma_start3A_229 = arith.constant 0 : i32
      %dma_start3A_230 = tpu.memref_slice %arg8[%run_scoped3A_146, %dma_start3A_228, %dma_start3A_229] : memref<4x128x64xf32, #tpu.memory_space<vmem>> -> memref<1x128x64xf32, #tpu.memory_space<vmem>>
      %dma_start3A_231 = tpu.memref_squeeze %dma_start3A_230 : memref<1x128x64xf32, #tpu.memory_space<vmem>> -> memref<128x64xf32, #tpu.memory_space<vmem>>
      %dma_start3A_232 = arith.constant 0 : i32
      %dma_start3A_233 = tpu.memref_slice %arg7[%run_scoped3A_147, %dma_start3A_232] : memref<157x128xi32, #tpu.memory_space<vmem>> -> memref<1x128xi32, #tpu.memory_space<vmem>>
      %dma_start3A_234 = tpu.memref_squeeze %dma_start3A_233 : memref<1x128xi32, #tpu.memory_space<vmem>> -> memref<128xi32, #tpu.memory_space<vmem>>
      %dma_start3A_235 = arith.constant 0 : i32
      %dma_start3A_236 = arith.constant 0 : i32
      %dma_start3A_237 = tpu.memref_slice %arg10[%dma_start3A_235, %dma_start3A_236] : memref<10240x64xf32, #tpu.memory_space<vmem_shared>> -> memref<10240x64xf32, #tpu.memory_space<vmem_shared>>
      tpu.enqueue_indirect_dma source(%dma_start3A_231 : memref<128x64xf32, #tpu.memory_space<vmem>>) target(%dma_start3A_237 : memref<10240x64xf32, #tpu.memory_space<vmem_shared>>) offsets(%dma_start3A_234 : memref<128xi32, #tpu.memory_space<vmem>>) semaphore(%run_scoped3A_227 : memref<!tpu.dma_semaphore, #tpu.memory_space<semaphore_mem>>) {add = true}
      %dma_wait3A_238 = arith.constant 0 : i32
      %dma_wait3A_239 = arith.constant 0 : i32
      %dma_wait3A_240 = tpu.memref_slice %arg8[%run_scoped3A_146, %dma_wait3A_238, %dma_wait3A_239] : memref<4x128x64xf32, #tpu.memory_space<vmem>> -> memref<1x128x64xf32, #tpu.memory_space<vmem>>
      %dma_wait3A_241 = tpu.memref_squeeze %dma_wait3A_240 : memref<1x128x64xf32, #tpu.memory_space<vmem>> -> memref<128x64xf32, #tpu.memory_space<vmem>>
      %dma_wait3A_242 = arith.constant 0 : i32
      %dma_wait3A_243 = tpu.memref_slice %arg7[%run_scoped3A_147, %dma_wait3A_242] : memref<157x128xi32, #tpu.memory_space<vmem>> -> memref<1x128xi32, #tpu.memory_space<vmem>>
      %dma_wait3A_244 = tpu.memref_squeeze %dma_wait3A_243 : memref<1x128xi32, #tpu.memory_space<vmem>> -> memref<128xi32, #tpu.memory_space<vmem>>
      %dma_wait3A_245 = arith.constant 0 : i32
      %dma_wait3A_246 = arith.constant 0 : i32
      %dma_wait3A_247 = tpu.memref_slice %arg10[%dma_wait3A_245, %dma_wait3A_246] : memref<10240x64xf32, #tpu.memory_space<vmem_shared>> -> memref<10240x64xf32, #tpu.memory_space<vmem_shared>>
      tpu.wait_indirect_dma semaphore(%run_scoped3A_227 : memref<!tpu.dma_semaphore, #tpu.memory_space<semaphore_mem>>) src(%dma_wait3A_241 : memref<128x64xf32, #tpu.memory_space<vmem>>) dst(%dma_wait3A_247 : memref<10240x64xf32, #tpu.memory_space<vmem_shared>>)
      tpu.yield
    }) : () -> ()
    %dma_start3A_148 = arith.constant 156 : i32
    %dma_start3A_149 = arith.constant 0 : i32
    %dma_start3A_150 = arith.constant 0 : i32
    %dma_start3A_151 = arith.constant 0 : i32
    %dma_start3A_152 = tpu.memref_slice %arg8[%dma_start3A_149, %dma_start3A_150, %dma_start3A_151] : memref<4x128x64xf32, #tpu.memory_space<vmem>> -> memref<1x128x64xf32, #tpu.memory_space<vmem>>
    %dma_start3A_153 = tpu.memref_squeeze %dma_start3A_152 : memref<1x128x64xf32, #tpu.memory_space<vmem>> -> memref<128x64xf32, #tpu.memory_space<vmem>>
    %dma_start3A_154 = arith.constant 0 : i32
    %dma_start3A_155 = tpu.memref_slice %arg6[%dma_start3A_148, %dma_start3A_154] : memref<157x128xi32, #tpu.memory_space<vmem>> -> memref<1x128xi32, #tpu.memory_space<vmem>>
    %dma_start3A_156 = tpu.memref_squeeze %dma_start3A_155 : memref<1x128xi32, #tpu.memory_space<vmem>> -> memref<128xi32, #tpu.memory_space<vmem>>
    %dma_start3A_157 = arith.constant 0 : i32
    %dma_start3A_158 = arith.constant 0 : i32
    %dma_start3A_159 = tpu.memref_slice %arg2[%arg0, %dma_start3A_157, %dma_start3A_158] : memref<2x10000x64xf32, #tpu.memory_space<hbm>> -> memref<1x10000x64xf32, #tpu.memory_space<hbm>>
    %dma_start3A_160 = tpu.memref_squeeze %dma_start3A_159 : memref<1x10000x64xf32, #tpu.memory_space<hbm>> -> memref<10000x64xf32, #tpu.memory_space<hbm>>
    %dma_start3A_161 = arith.constant 0 : i32
    %dma_start3A_162 = arith.constant 0 : i32
    %dma_start3A_163 = tpu.memref_slice %dma_start3A_160[%dma_start3A_161, %dma_start3A_162] : memref<10000x64xf32, #tpu.memory_space<hbm>> -> memref<10000x64xf32, #tpu.memory_space<hbm>>
    tpu.enqueue_indirect_dma source(%dma_start3A_163 : memref<10000x64xf32, #tpu.memory_space<hbm>>) target(%dma_start3A_153 : memref<128x64xf32, #tpu.memory_space<vmem>>) offsets(%dma_start3A_156 : memref<128xi32, #tpu.memory_space<vmem>>) semaphore(%arg11 : memref<!tpu.dma_semaphore, #tpu.memory_space<semaphore_mem>>)
    %dma_wait3A_164 = arith.constant 0 : i32
    %dma_wait3A_165 = arith.constant 2 : i32
    %dma_wait3A_166 = arith.constant 0 : i32
    %dma_wait3A_167 = arith.constant 0 : i32
    %dma_wait3A_168 = tpu.memref_slice %arg8[%dma_wait3A_165, %dma_wait3A_166, %dma_wait3A_167] : memref<4x128x64xf32, #tpu.memory_space<vmem>> -> memref<1x128x64xf32, #tpu.memory_space<vmem>>
    %dma_wait3A_169 = tpu.memref_squeeze %dma_wait3A_168 : memref<1x128x64xf32, #tpu.memory_space<vmem>> -> memref<128x64xf32, #tpu.memory_space<vmem>>
    %dma_wait3A_170 = arith.constant 0 : i32
    %dma_wait3A_171 = tpu.memref_slice %arg6[%dma_wait3A_164, %dma_wait3A_170] : memref<157x128xi32, #tpu.memory_space<vmem>> -> memref<1x128xi32, #tpu.memory_space<vmem>>
    %dma_wait3A_172 = tpu.memref_squeeze %dma_wait3A_171 : memref<1x128xi32, #tpu.memory_space<vmem>> -> memref<128xi32, #tpu.memory_space<vmem>>
    %dma_wait3A_173 = arith.constant 0 : i32
    %dma_wait3A_174 = arith.constant 0 : i32
    %dma_wait3A_175 = tpu.memref_slice %arg2[%arg0, %dma_wait3A_173, %dma_wait3A_174] : memref<2x10000x64xf32, #tpu.memory_space<hbm>> -> memref<1x10000x64xf32, #tpu.memory_space<hbm>>
    %dma_wait3A_176 = tpu.memref_squeeze %dma_wait3A_175 : memref<1x10000x64xf32, #tpu.memory_space<hbm>> -> memref<10000x64xf32, #tpu.memory_space<hbm>>
    %dma_wait3A_177 = arith.constant 0 : i32
    %dma_wait3A_178 = arith.constant 0 : i32
    %dma_wait3A_179 = tpu.memref_slice %dma_wait3A_176[%dma_wait3A_177, %dma_wait3A_178] : memref<10000x64xf32, #tpu.memory_space<hbm>> -> memref<10000x64xf32, #tpu.memory_space<hbm>>
    tpu.wait_indirect_dma semaphore(%arg13 : memref<!tpu.dma_semaphore, #tpu.memory_space<semaphore_mem>>) src(%dma_wait3A_179 : memref<10000x64xf32, #tpu.memory_space<hbm>>) dst(%dma_wait3A_169 : memref<128x64xf32, #tpu.memory_space<vmem>>)
    %run_scoped3A_180 = arith.constant 2 : i32
    %run_scoped3A_181 = arith.constant 154 : i32
    "tpu.region"() ({
      %run_scoped3A_227 = tpu.sem_alloc : memref<!tpu.dma_semaphore, #tpu.memory_space<semaphore_mem>>
      %dma_start3A_228 = arith.constant 0 : i32
      %dma_start3A_229 = arith.constant 0 : i32
      %dma_start3A_230 = tpu.memref_slice %arg8[%run_scoped3A_180, %dma_start3A_228, %dma_start3A_229] : memref<4x128x64xf32, #tpu.memory_space<vmem>> -> memref<1x128x64xf32, #tpu.memory_space<vmem>>
      %dma_start3A_231 = tpu.memref_squeeze %dma_start3A_230 : memref<1x128x64xf32, #tpu.memory_space<vmem>> -> memref<128x64xf32, #tpu.memory_space<vmem>>
      %dma_start3A_232 = arith.constant 0 : i32
      %dma_start3A_233 = tpu.memref_slice %arg7[%run_scoped3A_181, %dma_start3A_232] : memref<157x128xi32, #tpu.memory_space<vmem>> -> memref<1x128xi32, #tpu.memory_space<vmem>>
      %dma_start3A_234 = tpu.memref_squeeze %dma_start3A_233 : memref<1x128xi32, #tpu.memory_space<vmem>> -> memref<128xi32, #tpu.memory_space<vmem>>
      %dma_start3A_235 = arith.constant 0 : i32
      %dma_start3A_236 = arith.constant 0 : i32
      %dma_start3A_237 = tpu.memref_slice %arg10[%dma_start3A_235, %dma_start3A_236] : memref<10240x64xf32, #tpu.memory_space<vmem_shared>> -> memref<10240x64xf32, #tpu.memory_space<vmem_shared>>
      tpu.enqueue_indirect_dma source(%dma_start3A_231 : memref<128x64xf32, #tpu.memory_space<vmem>>) target(%dma_start3A_237 : memref<10240x64xf32, #tpu.memory_space<vmem_shared>>) offsets(%dma_start3A_234 : memref<128xi32, #tpu.memory_space<vmem>>) semaphore(%run_scoped3A_227 : memref<!tpu.dma_semaphore, #tpu.memory_space<semaphore_mem>>) {add = true}
      %dma_wait3A_238 = arith.constant 0 : i32
      %dma_wait3A_239 = arith.constant 0 : i32
      %dma_wait3A_240 = tpu.memref_slice %arg8[%run_scoped3A_180, %dma_wait3A_238, %dma_wait3A_239] : memref<4x128x64xf32, #tpu.memory_space<vmem>> -> memref<1x128x64xf32, #tpu.memory_space<vmem>>
      %dma_wait3A_241 = tpu.memref_squeeze %dma_wait3A_240 : memref<1x128x64xf32, #tpu.memory_space<vmem>> -> memref<128x64xf32, #tpu.memory_space<vmem>>
      %dma_wait3A_242 = arith.constant 0 : i32
      %dma_wait3A_243 = tpu.memref_slice %arg7[%run_scoped3A_181, %dma_wait3A_242] : memref<157x128xi32, #tpu.memory_space<vmem>> -> memref<1x128xi32, #tpu.memory_space<vmem>>
      %dma_wait3A_244 = tpu.memref_squeeze %dma_wait3A_243 : memref<1x128xi32, #tpu.memory_space<vmem>> -> memref<128xi32, #tpu.memory_space<vmem>>
      %dma_wait3A_245 = arith.constant 0 : i32
      %dma_wait3A_246 = arith.constant 0 : i32
      %dma_wait3A_247 = tpu.memref_slice %arg10[%dma_wait3A_245, %dma_wait3A_246] : memref<10240x64xf32, #tpu.memory_space<vmem_shared>> -> memref<10240x64xf32, #tpu.memory_space<vmem_shared>>
      tpu.wait_indirect_dma semaphore(%run_scoped3A_227 : memref<!tpu.dma_semaphore, #tpu.memory_space<semaphore_mem>>) src(%dma_wait3A_241 : memref<128x64xf32, #tpu.memory_space<vmem>>) dst(%dma_wait3A_247 : memref<10240x64xf32, #tpu.memory_space<vmem_shared>>)
      tpu.yield
    }) : () -> ()
    %dma_wait3A_182 = arith.constant 0 : i32
    %dma_wait3A_183 = arith.constant 3 : i32
    %dma_wait3A_184 = arith.constant 0 : i32
    %dma_wait3A_185 = arith.constant 0 : i32
    %dma_wait3A_186 = tpu.memref_slice %arg8[%dma_wait3A_183, %dma_wait3A_184, %dma_wait3A_185] : memref<4x128x64xf32, #tpu.memory_space<vmem>> -> memref<1x128x64xf32, #tpu.memory_space<vmem>>
    %dma_wait3A_187 = tpu.memref_squeeze %dma_wait3A_186 : memref<1x128x64xf32, #tpu.memory_space<vmem>> -> memref<128x64xf32, #tpu.memory_space<vmem>>
    %dma_wait3A_188 = arith.constant 0 : i32
    %dma_wait3A_189 = tpu.memref_slice %arg6[%dma_wait3A_182, %dma_wait3A_188] : memref<157x128xi32, #tpu.memory_space<vmem>> -> memref<1x128xi32, #tpu.memory_space<vmem>>
    %dma_wait3A_190 = tpu.memref_squeeze %dma_wait3A_189 : memref<1x128xi32, #tpu.memory_space<vmem>> -> memref<128xi32, #tpu.memory_space<vmem>>
    %dma_wait3A_191 = arith.constant 0 : i32
    %dma_wait3A_192 = arith.constant 0 : i32
    %dma_wait3A_193 = tpu.memref_slice %arg2[%arg0, %dma_wait3A_191, %dma_wait3A_192] : memref<2x10000x64xf32, #tpu.memory_space<hbm>> -> memref<1x10000x64xf32, #tpu.memory_space<hbm>>
    %dma_wait3A_194 = tpu.memref_squeeze %dma_wait3A_193 : memref<1x10000x64xf32, #tpu.memory_space<hbm>> -> memref<10000x64xf32, #tpu.memory_space<hbm>>
    %dma_wait3A_195 = arith.constant 0 : i32
    %dma_wait3A_196 = arith.constant 0 : i32
    %dma_wait3A_197 = tpu.memref_slice %dma_wait3A_194[%dma_wait3A_195, %dma_wait3A_196] : memref<10000x64xf32, #tpu.memory_space<hbm>> -> memref<10000x64xf32, #tpu.memory_space<hbm>>
    tpu.wait_indirect_dma semaphore(%arg14 : memref<!tpu.dma_semaphore, #tpu.memory_space<semaphore_mem>>) src(%dma_wait3A_197 : memref<10000x64xf32, #tpu.memory_space<hbm>>) dst(%dma_wait3A_187 : memref<128x64xf32, #tpu.memory_space<vmem>>)
    %run_scoped3A_198 = arith.constant 3 : i32
    %run_scoped3A_199 = arith.constant 155 : i32
    "tpu.region"() ({
      %run_scoped3A_227 = tpu.sem_alloc : memref<!tpu.dma_semaphore, #tpu.memory_space<semaphore_mem>>
      %dma_start3A_228 = arith.constant 0 : i32
      %dma_start3A_229 = arith.constant 0 : i32
      %dma_start3A_230 = tpu.memref_slice %arg8[%run_scoped3A_198, %dma_start3A_228, %dma_start3A_229] : memref<4x128x64xf32, #tpu.memory_space<vmem>> -> memref<1x128x64xf32, #tpu.memory_space<vmem>>
      %dma_start3A_231 = tpu.memref_squeeze %dma_start3A_230 : memref<1x128x64xf32, #tpu.memory_space<vmem>> -> memref<128x64xf32, #tpu.memory_space<vmem>>
      %dma_start3A_232 = arith.constant 0 : i32
      %dma_start3A_233 = tpu.memref_slice %arg7[%run_scoped3A_199, %dma_start3A_232] : memref<157x128xi32, #tpu.memory_space<vmem>> -> memref<1x128xi32, #tpu.memory_space<vmem>>
      %dma_start3A_234 = tpu.memref_squeeze %dma_start3A_233 : memref<1x128xi32, #tpu.memory_space<vmem>> -> memref<128xi32, #tpu.memory_space<vmem>>
      %dma_start3A_235 = arith.constant 0 : i32
      %dma_start3A_236 = arith.constant 0 : i32
      %dma_start3A_237 = tpu.memref_slice %arg10[%dma_start3A_235, %dma_start3A_236] : memref<10240x64xf32, #tpu.memory_space<vmem_shared>> -> memref<10240x64xf32, #tpu.memory_space<vmem_shared>>
      tpu.enqueue_indirect_dma source(%dma_start3A_231 : memref<128x64xf32, #tpu.memory_space<vmem>>) target(%dma_start3A_237 : memref<10240x64xf32, #tpu.memory_space<vmem_shared>>) offsets(%dma_start3A_234 : memref<128xi32, #tpu.memory_space<vmem>>) semaphore(%run_scoped3A_227 : memref<!tpu.dma_semaphore, #tpu.memory_space<semaphore_mem>>) {add = true}
      %dma_wait3A_238 = arith.constant 0 : i32
      %dma_wait3A_239 = arith.constant 0 : i32
      %dma_wait3A_240 = tpu.memref_slice %arg8[%run_scoped3A_198, %dma_wait3A_238, %dma_wait3A_239] : memref<4x128x64xf32, #tpu.memory_space<vmem>> -> memref<1x128x64xf32, #tpu.memory_space<vmem>>
      %dma_wait3A_241 = tpu.memref_squeeze %dma_wait3A_240 : memref<1x128x64xf32, #tpu.memory_space<vmem>> -> memref<128x64xf32, #tpu.memory_space<vmem>>
      %dma_wait3A_242 = arith.constant 0 : i32
      %dma_wait3A_243 = tpu.memref_slice %arg7[%run_scoped3A_199, %dma_wait3A_242] : memref<157x128xi32, #tpu.memory_space<vmem>> -> memref<1x128xi32, #tpu.memory_space<vmem>>
      %dma_wait3A_244 = tpu.memref_squeeze %dma_wait3A_243 : memref<1x128xi32, #tpu.memory_space<vmem>> -> memref<128xi32, #tpu.memory_space<vmem>>
      %dma_wait3A_245 = arith.constant 0 : i32
      %dma_wait3A_246 = arith.constant 0 : i32
      %dma_wait3A_247 = tpu.memref_slice %arg10[%dma_wait3A_245, %dma_wait3A_246] : memref<10240x64xf32, #tpu.memory_space<vmem_shared>> -> memref<10240x64xf32, #tpu.memory_space<vmem_shared>>
      tpu.wait_indirect_dma semaphore(%run_scoped3A_227 : memref<!tpu.dma_semaphore, #tpu.memory_space<semaphore_mem>>) src(%dma_wait3A_241 : memref<128x64xf32, #tpu.memory_space<vmem>>) dst(%dma_wait3A_247 : memref<10240x64xf32, #tpu.memory_space<vmem_shared>>)
      tpu.yield
    }) : () -> ()
    %dma_wait3A_200 = arith.constant 0 : i32
    %dma_wait3A_201 = arith.constant 0 : i32
    %dma_wait3A_202 = arith.constant 0 : i32
    %dma_wait3A_203 = arith.constant 0 : i32
    %dma_wait3A_204 = tpu.memref_slice %arg8[%dma_wait3A_201, %dma_wait3A_202, %dma_wait3A_203] : memref<4x128x64xf32, #tpu.memory_space<vmem>> -> memref<1x128x64xf32, #tpu.memory_space<vmem>>
    %dma_wait3A_205 = tpu.memref_squeeze %dma_wait3A_204 : memref<1x128x64xf32, #tpu.memory_space<vmem>> -> memref<128x64xf32, #tpu.memory_space<vmem>>
    %dma_wait3A_206 = arith.constant 0 : i32
    %dma_wait3A_207 = tpu.memref_slice %arg6[%dma_wait3A_200, %dma_wait3A_206] : memref<157x128xi32, #tpu.memory_space<vmem>> -> memref<1x128xi32, #tpu.memory_space<vmem>>
    %dma_wait3A_208 = tpu.memref_squeeze %dma_wait3A_207 : memref<1x128xi32, #tpu.memory_space<vmem>> -> memref<128xi32, #tpu.memory_space<vmem>>
    %dma_wait3A_209 = arith.constant 0 : i32
    %dma_wait3A_210 = arith.constant 0 : i32
    %dma_wait3A_211 = tpu.memref_slice %arg2[%arg0, %dma_wait3A_209, %dma_wait3A_210] : memref<2x10000x64xf32, #tpu.memory_space<hbm>> -> memref<1x10000x64xf32, #tpu.memory_space<hbm>>
    %dma_wait3A_212 = tpu.memref_squeeze %dma_wait3A_211 : memref<1x10000x64xf32, #tpu.memory_space<hbm>> -> memref<10000x64xf32, #tpu.memory_space<hbm>>
    %dma_wait3A_213 = arith.constant 0 : i32
    %dma_wait3A_214 = arith.constant 0 : i32
    %dma_wait3A_215 = tpu.memref_slice %dma_wait3A_212[%dma_wait3A_213, %dma_wait3A_214] : memref<10000x64xf32, #tpu.memory_space<hbm>> -> memref<10000x64xf32, #tpu.memory_space<hbm>>
    tpu.wait_indirect_dma semaphore(%arg11 : memref<!tpu.dma_semaphore, #tpu.memory_space<semaphore_mem>>) src(%dma_wait3A_215 : memref<10000x64xf32, #tpu.memory_space<hbm>>) dst(%dma_wait3A_205 : memref<128x64xf32, #tpu.memory_space<vmem>>)
    %run_scoped3A_216 = arith.constant 0 : i32
    %run_scoped3A_217 = arith.constant 156 : i32
    "tpu.region"() ({
      %run_scoped3A_227 = tpu.sem_alloc : memref<!tpu.dma_semaphore, #tpu.memory_space<semaphore_mem>>
      %dma_start3A_228 = arith.constant 0 : i32
      %dma_start3A_229 = arith.constant 0 : i32
      %dma_start3A_230 = tpu.memref_slice %arg8[%run_scoped3A_216, %dma_start3A_228, %dma_start3A_229] : memref<4x128x64xf32, #tpu.memory_space<vmem>> -> memref<1x128x64xf32, #tpu.memory_space<vmem>>
      %dma_start3A_231 = tpu.memref_squeeze %dma_start3A_230 : memref<1x128x64xf32, #tpu.memory_space<vmem>> -> memref<128x64xf32, #tpu.memory_space<vmem>>
      %dma_start3A_232 = arith.constant 0 : i32
      %dma_start3A_233 = tpu.memref_slice %arg7[%run_scoped3A_217, %dma_start3A_232] : memref<157x128xi32, #tpu.memory_space<vmem>> -> memref<1x128xi32, #tpu.memory_space<vmem>>
      %dma_start3A_234 = tpu.memref_squeeze %dma_start3A_233 : memref<1x128xi32, #tpu.memory_space<vmem>> -> memref<128xi32, #tpu.memory_space<vmem>>
      %dma_start3A_235 = arith.constant 0 : i32
      %dma_start3A_236 = arith.constant 0 : i32
      %dma_start3A_237 = tpu.memref_slice %arg10[%dma_start3A_235, %dma_start3A_236] : memref<10240x64xf32, #tpu.memory_space<vmem_shared>> -> memref<10240x64xf32, #tpu.memory_space<vmem_shared>>
      tpu.enqueue_indirect_dma source(%dma_start3A_231 : memref<128x64xf32, #tpu.memory_space<vmem>>) target(%dma_start3A_237 : memref<10240x64xf32, #tpu.memory_space<vmem_shared>>) offsets(%dma_start3A_234 : memref<128xi32, #tpu.memory_space<vmem>>) semaphore(%run_scoped3A_227 : memref<!tpu.dma_semaphore, #tpu.memory_space<semaphore_mem>>) {add = true}
      %dma_wait3A_238 = arith.constant 0 : i32
      %dma_wait3A_239 = arith.constant 0 : i32
      %dma_wait3A_240 = tpu.memref_slice %arg8[%run_scoped3A_216, %dma_wait3A_238, %dma_wait3A_239] : memref<4x128x64xf32, #tpu.memory_space<vmem>> -> memref<1x128x64xf32, #tpu.memory_space<vmem>>
      %dma_wait3A_241 = tpu.memref_squeeze %dma_wait3A_240 : memref<1x128x64xf32, #tpu.memory_space<vmem>> -> memref<128x64xf32, #tpu.memory_space<vmem>>
      %dma_wait3A_242 = arith.constant 0 : i32
      %dma_wait3A_243 = tpu.memref_slice %arg7[%run_scoped3A_217, %dma_wait3A_242] : memref<157x128xi32, #tpu.memory_space<vmem>> -> memref<1x128xi32, #tpu.memory_space<vmem>>
      %dma_wait3A_244 = tpu.memref_squeeze %dma_wait3A_243 : memref<1x128xi32, #tpu.memory_space<vmem>> -> memref<128xi32, #tpu.memory_space<vmem>>
      %dma_wait3A_245 = arith.constant 0 : i32
      %dma_wait3A_246 = arith.constant 0 : i32
      %dma_wait3A_247 = tpu.memref_slice %arg10[%dma_wait3A_245, %dma_wait3A_246] : memref<10240x64xf32, #tpu.memory_space<vmem_shared>> -> memref<10240x64xf32, #tpu.memory_space<vmem_shared>>
      tpu.wait_indirect_dma semaphore(%run_scoped3A_227 : memref<!tpu.dma_semaphore, #tpu.memory_space<semaphore_mem>>) src(%dma_wait3A_241 : memref<128x64xf32, #tpu.memory_space<vmem>>) dst(%dma_wait3A_247 : memref<10240x64xf32, #tpu.memory_space<vmem_shared>>)
      tpu.yield
    }) : () -> ()
    %barrier3A_218 = arith.constant 0 : index
    tpu.barrier barrier_id(%barrier3A_218)
    %mul3A_219 = arith.constant 640 : i32
    %mul3A_220 = arith.muli %arg1, %mul3A_219 : i32
    %lt3A = arith.constant 15 : i32
    %lt3A_221 = arith.cmpi slt, %arg1, %lt3A : i32
    %convert_element_type3A = arith.extui %lt3A_221 : i1 to i32
    %cond3A = arith.constant 0 : i32
    %cond3A_222 = arith.cmpi ne, %convert_element_type3A, %cond3A : i32
    scf.if %cond3A_222 {
      "tpu.region"() ({
        %run_scoped3A_227 = tpu.sem_alloc : memref<!tpu.dma_semaphore, #tpu.memory_space<semaphore_mem>>
        %dma_start3A_228 = arith.constant 0 : i32
        %dma_start3A_229 = tpu.memref_slice %arg5[%arg0, %mul3A_220, %dma_start3A_228] : memref<2x10000x64xf32, #tpu.memory_space<hbm>> -> memref<1x640x64xf32, #tpu.memory_space<hbm>>
        %dma_start3A_230 = tpu.memref_squeeze %dma_start3A_229 : memref<1x640x64xf32, #tpu.memory_space<hbm>> -> memref<640x64xf32, #tpu.memory_space<hbm>>
        %dma_start3A_231 = arith.constant 0 : i32
        %dma_start3A_232 = tpu.memref_slice %arg10[%mul3A_220, %dma_start3A_231] : memref<10240x64xf32, #tpu.memory_space<vmem_shared>> -> memref<640x64xf32, #tpu.memory_space<vmem_shared>>
        tpu.enqueue_dma source(%dma_start3A_232 : memref<640x64xf32, #tpu.memory_space<vmem_shared>>) target(%dma_start3A_230 : memref<640x64xf32, #tpu.memory_space<hbm>>) target_semaphore(%run_scoped3A_227 : memref<!tpu.dma_semaphore, #tpu.memory_space<semaphore_mem>>)
        %dma_wait3A_233 = arith.constant 0 : i32
        %dma_wait3A_234 = tpu.memref_slice %arg5[%arg0, %mul3A_220, %dma_wait3A_233] : memref<2x10000x64xf32, #tpu.memory_space<hbm>> -> memref<1x640x64xf32, #tpu.memory_space<hbm>>
        %dma_wait3A_235 = tpu.memref_squeeze %dma_wait3A_234 : memref<1x640x64xf32, #tpu.memory_space<hbm>> -> memref<640x64xf32, #tpu.memory_space<hbm>>
        %dma_wait3A_236 = arith.constant 0 : i32
        %dma_wait3A_237 = tpu.memref_slice %arg10[%mul3A_220, %dma_wait3A_236] : memref<10240x64xf32, #tpu.memory_space<vmem_shared>> -> memref<640x64xf32, #tpu.memory_space<vmem_shared>>
        tpu.wait_dma2 semaphore(%run_scoped3A_227 : memref<!tpu.dma_semaphore, #tpu.memory_space<semaphore_mem>>) src(%dma_wait3A_237 : memref<640x64xf32, #tpu.memory_space<vmem_shared>>) dst(%dma_wait3A_235 : memref<640x64xf32, #tpu.memory_space<hbm>>)
        tpu.yield
      }) : () -> ()
    } else {
    }
    %eq3A = arith.constant 15 : i32
    %eq3A_223 = arith.cmpi eq, %arg1, %eq3A : i32
    %convert_element_type3A_224 = arith.extui %eq3A_223 : i1 to i32
    %cond3A_225 = arith.constant 0 : i32
    %cond3A_226 = arith.cmpi ne, %convert_element_type3A_224, %cond3A_225 : i32
    scf.if %cond3A_226 {
      "tpu.region"() ({
        %run_scoped3A_227 = tpu.sem_alloc : memref<!tpu.dma_semaphore, #tpu.memory_space<semaphore_mem>>
        %dma_start3A_228 = arith.constant 9600 : i32
        %dma_start3A_229 = arith.constant 0 : i32
        %dma_start3A_230 = tpu.memref_slice %arg5[%arg0, %dma_start3A_228, %dma_start3A_229] : memref<2x10000x64xf32, #tpu.memory_space<hbm>> -> memref<1x400x64xf32, #tpu.memory_space<hbm>>
        %dma_start3A_231 = tpu.memref_squeeze %dma_start3A_230 : memref<1x400x64xf32, #tpu.memory_space<hbm>> -> memref<400x64xf32, #tpu.memory_space<hbm>>
        %dma_start3A_232 = arith.constant 9600 : i32
        %dma_start3A_233 = arith.constant 0 : i32
        %dma_start3A_234 = tpu.memref_slice %arg10[%dma_start3A_232, %dma_start3A_233] : memref<10240x64xf32, #tpu.memory_space<vmem_shared>> -> memref<400x64xf32, #tpu.memory_space<vmem_shared>>
        tpu.enqueue_dma source(%dma_start3A_234 : memref<400x64xf32, #tpu.memory_space<vmem_shared>>) target(%dma_start3A_231 : memref<400x64xf32, #tpu.memory_space<hbm>>) target_semaphore(%run_scoped3A_227 : memref<!tpu.dma_semaphore, #tpu.memory_space<semaphore_mem>>)
        %dma_wait3A_235 = arith.constant 9600 : i32
        %dma_wait3A_236 = arith.constant 0 : i32
        %dma_wait3A_237 = tpu.memref_slice %arg5[%arg0, %dma_wait3A_235, %dma_wait3A_236] : memref<2x10000x64xf32, #tpu.memory_space<hbm>> -> memref<1x400x64xf32, #tpu.memory_space<hbm>>
        %dma_wait3A_238 = tpu.memref_squeeze %dma_wait3A_237 : memref<1x400x64xf32, #tpu.memory_space<hbm>> -> memref<400x64xf32, #tpu.memory_space<hbm>>
        %dma_wait3A_239 = arith.constant 9600 : i32
        %dma_wait3A_240 = arith.constant 0 : i32
        %dma_wait3A_241 = tpu.memref_slice %arg10[%dma_wait3A_239, %dma_wait3A_240] : memref<10240x64xf32, #tpu.memory_space<vmem_shared>> -> memref<400x64xf32, #tpu.memory_space<vmem_shared>>
        tpu.wait_dma2 semaphore(%run_scoped3A_227 : memref<!tpu.dma_semaphore, #tpu.memory_space<semaphore_mem>>) src(%dma_wait3A_241 : memref<400x64xf32, #tpu.memory_space<vmem_shared>>) dst(%dma_wait3A_238 : memref<400x64xf32, #tpu.memory_space<hbm>>)
        tpu.yield
      }) : () -> ()
    } else {
    }
    return
  }
}

module attributes {stable_mosaic.version = 14 : i64} {
  func.func @_layer_body(%arg0: memref<2x10000x64xf32, #tpu.memory_space<vmem>>, %arg1: memref<2x10000x64xf32, #tpu.memory_space<vmem>>, %arg2: memref<128x128xf32, #tpu.memory_space<vmem>>, %arg3: memref<1x128xf32, #tpu.memory_space<vmem>>, %arg4: memref<128x128xf32, #tpu.memory_space<vmem>>, %arg5: memref<1x128xf32, #tpu.memory_space<vmem>>, %arg6: memref<1x128xf32, #tpu.memory_space<vmem>>, %arg7: memref<1x128xf32, #tpu.memory_space<vmem>>, %arg8: memref<2x10000x64xf32, #tpu.memory_space<vmem>>) attributes {dimension_semantics = [], scalar_prefetch = 0 : i64, scratch_operands = 0 : i64, tpu.core_type = #tpu.core_type<tc>} {
    %get3A = arith.constant 0 : index
    %get3A_0 = arith.constant 0 : index
    %get3A_1 = arith.constant 0 : index
    %get3A_2 = vector.load %arg0[%get3A, %get3A_0, %get3A_1] : memref<2x10000x64xf32, #tpu.memory_space<vmem>>, vector<2x10000x64xf32>
    %get3A_3 = arith.constant 0 : index
    %get3A_4 = arith.constant 0 : index
    %get3A_5 = arith.constant 0 : index
    %get3A_6 = vector.load %arg1[%get3A_3, %get3A_4, %get3A_5] : memref<2x10000x64xf32, #tpu.memory_space<vmem>>, vector<2x10000x64xf32>
    %get3A_7 = arith.constant 0 : index
    %get3A_8 = arith.constant 0 : index
    %get3A_9 = vector.load %arg2[%get3A_7, %get3A_8] : memref<128x128xf32, #tpu.memory_space<vmem>>, vector<128x128xf32>
    %get3A_10 = arith.constant 0 : index
    %get3A_11 = arith.constant 0 : index
    %get3A_12 = vector.load %arg3[%get3A_10, %get3A_11] : memref<1x128xf32, #tpu.memory_space<vmem>>, vector<1x128xf32>
    %get3A_13 = arith.constant 0 : index
    %get3A_14 = arith.constant 0 : index
    %get3A_15 = vector.load %arg4[%get3A_13, %get3A_14] : memref<128x128xf32, #tpu.memory_space<vmem>>, vector<128x128xf32>
    %get3A_16 = arith.constant 0 : index
    %get3A_17 = arith.constant 0 : index
    %get3A_18 = vector.load %arg5[%get3A_16, %get3A_17] : memref<1x128xf32, #tpu.memory_space<vmem>>, vector<1x128xf32>
    %get3A_19 = arith.constant 0 : index
    %get3A_20 = arith.constant 0 : index
    %get3A_21 = vector.load %arg6[%get3A_19, %get3A_20] : memref<1x128xf32, #tpu.memory_space<vmem>>, vector<1x128xf32>
    %get3A_22 = arith.constant 0 : index
    %get3A_23 = arith.constant 0 : index
    %get3A_24 = vector.load %arg7[%get3A_22, %get3A_23] : memref<1x128xf32, #tpu.memory_space<vmem>>, vector<1x128xf32>
    %slice3A = vector.extract_strided_slice %get3A_2 {offsets = [0, 0, 0], sizes = [1, 10000, 64], strides = [1, 1, 1]} : vector<2x10000x64xf32> to vector<1x10000x64xf32>
    %squeeze3A = vector.shape_cast %slice3A : vector<1x10000x64xf32> to vector<10000x64xf32>
    %slice3A_25 = vector.extract_strided_slice %get3A_2 {offsets = [1, 0, 0], sizes = [1, 10000, 64], strides = [1, 1, 1]} : vector<2x10000x64xf32> to vector<1x10000x64xf32>
    %squeeze3A_26 = vector.shape_cast %slice3A_25 : vector<1x10000x64xf32> to vector<10000x64xf32>
    %concatenate3A = tpu.concatenate %squeeze3A, %squeeze3A_26 in 1 : vector<10000x64xf32>, vector<10000x64xf32> -> vector<10000x128xf32>
    %slice3A_27 = vector.extract_strided_slice %get3A_6 {offsets = [0, 0, 0], sizes = [1, 10000, 64], strides = [1, 1, 1]} : vector<2x10000x64xf32> to vector<1x10000x64xf32>
    %squeeze3A_28 = vector.shape_cast %slice3A_27 : vector<1x10000x64xf32> to vector<10000x64xf32>
    %slice3A_29 = vector.extract_strided_slice %get3A_6 {offsets = [1, 0, 0], sizes = [1, 10000, 64], strides = [1, 1, 1]} : vector<2x10000x64xf32> to vector<1x10000x64xf32>
    %squeeze3A_30 = vector.shape_cast %slice3A_29 : vector<1x10000x64xf32> to vector<10000x64xf32>
    %concatenate3A_31 = tpu.concatenate %squeeze3A_28, %squeeze3A_30 in 1 : vector<10000x64xf32>, vector<10000x64xf32> -> vector<10000x128xf32>
    %add3A = arith.addf %concatenate3A, %concatenate3A_31 : vector<10000x128xf32>
    %dot_general3A = arith.constant dense<0.000000e+00> : vector<10000x128xf32>
    %dot_general3A_32 = tpu.matmul %add3A, %get3A_9, %dot_general3A {dimension_numbers = #tpu.dot_dimension_numbers<[1], [0], [0], [1], [0, 0, 1, 1], [], []>, transpose_lhs_hint = false} : vector<10000x128xf32>, vector<128x128xf32>, vector<10000x128xf32> -> vector<10000x128xf32>
    %add3A_33 = vector.broadcast %get3A_12 : vector<1x128xf32> to vector<10000x128xf32>
    %add3A_34 = arith.addf %dot_general3A_32, %add3A_33 : vector<10000x128xf32>
    %max3A = arith.constant 0.000000e+00 : f32
    %max3A_35 = vector.broadcast %max3A : f32 to vector<10000x128xf32>
    %max3A_36 = arith.maximumf %add3A_34, %max3A_35 : vector<10000x128xf32>
    %dot_general3A_37 = arith.constant dense<0.000000e+00> : vector<10000x128xf32>
    %dot_general3A_38 = tpu.matmul %max3A_36, %get3A_15, %dot_general3A_37 {dimension_numbers = #tpu.dot_dimension_numbers<[1], [0], [0], [1], [0, 0, 1, 1], [], []>, transpose_lhs_hint = false} : vector<10000x128xf32>, vector<128x128xf32>, vector<10000x128xf32> -> vector<10000x128xf32>
    %add3A_39 = vector.broadcast %get3A_18 : vector<1x128xf32> to vector<10000x128xf32>
    %add3A_40 = arith.addf %dot_general3A_38, %add3A_39 : vector<10000x128xf32>
    %reduce_sum3A = arith.constant dense<0.000000e+00> : vector<128xf32>
    %reduce_sum3A_41 = vector.multi_reduction <add>, %add3A_40, %reduce_sum3A [0] : vector<10000x128xf32> to vector<128xf32>
    %broadcast_in_dim3A = vector.shape_cast %reduce_sum3A_41 : vector<128xf32> to vector<1x128xf32>
    %div3A = arith.constant 1.000000e+04 : f32
    %div3A_42 = vector.broadcast %div3A : f32 to vector<1x128xf32>
    %div3A_43 = arith.divf %broadcast_in_dim3A, %div3A_42 : vector<1x128xf32>
    %sub3A = vector.broadcast %div3A_43 : vector<1x128xf32> to vector<10000x128xf32>
    %sub3A_44 = arith.subf %add3A_40, %sub3A : vector<10000x128xf32>
    %mul3A = arith.mulf %sub3A_44, %sub3A_44 : vector<10000x128xf32>
    %reduce_sum3A_45 = arith.constant dense<0.000000e+00> : vector<128xf32>
    %reduce_sum3A_46 = vector.multi_reduction <add>, %mul3A, %reduce_sum3A_45 [0] : vector<10000x128xf32> to vector<128xf32>
    %broadcast_in_dim3A_47 = vector.shape_cast %reduce_sum3A_46 : vector<128xf32> to vector<1x128xf32>
    %div3A_48 = arith.constant 1.000000e+04 : f32
    %div3A_49 = vector.broadcast %div3A_48 : f32 to vector<1x128xf32>
    %div3A_50 = arith.divf %broadcast_in_dim3A_47, %div3A_49 : vector<1x128xf32>
    %add3A_51 = arith.constant 9.99999974E-6 : f32
    %add3A_52 = vector.broadcast %add3A_51 : f32 to vector<1x128xf32>
    %add3A_53 = arith.addf %div3A_50, %add3A_52 : vector<1x128xf32>
    %rsqrt3A = math.rsqrt %add3A_53 : vector<1x128xf32>
    %mul3A_54 = vector.broadcast %rsqrt3A : vector<1x128xf32> to vector<10000x128xf32>
    %mul3A_55 = arith.mulf %sub3A_44, %mul3A_54 : vector<10000x128xf32>
    %mul3A_56 = vector.broadcast %get3A_21 : vector<1x128xf32> to vector<10000x128xf32>
    %mul3A_57 = arith.mulf %mul3A_55, %mul3A_56 : vector<10000x128xf32>
    %add3A_58 = vector.broadcast %get3A_24 : vector<1x128xf32> to vector<10000x128xf32>
    %add3A_59 = arith.addf %mul3A_57, %add3A_58 : vector<10000x128xf32>
    %max3A_60 = arith.constant 0.000000e+00 : f32
    %max3A_61 = vector.broadcast %max3A_60 : f32 to vector<10000x128xf32>
    %max3A_62 = arith.maximumf %add3A_59, %max3A_61 : vector<10000x128xf32>
    %slice3A_63 = vector.extract_strided_slice %max3A_62 {offsets = [0, 0], sizes = [10000, 64], strides = [1, 1]} : vector<10000x128xf32> to vector<10000x64xf32>
    %slice3A_64 = vector.extract_strided_slice %max3A_62 {offsets = [0, 64], sizes = [10000, 64], strides = [1, 1]} : vector<10000x128xf32> to vector<10000x64xf32>
    %stack3A = vector.shape_cast %slice3A_63 : vector<10000x64xf32> to vector<1x10000x64xf32>
    %stack3A_65 = vector.shape_cast %slice3A_64 : vector<10000x64xf32> to vector<1x10000x64xf32>
    %stack3A_66 = tpu.concatenate %stack3A, %stack3A_65 in 0 : vector<1x10000x64xf32>, vector<1x10000x64xf32> -> vector<2x10000x64xf32>
    %swap3A = arith.constant 0 : index
    %swap3A_67 = arith.constant 0 : index
    %swap3A_68 = arith.constant 0 : index
    %swap3A_69 = vector.load %arg8[%swap3A, %swap3A_67, %swap3A_68] : memref<2x10000x64xf32, #tpu.memory_space<vmem>>, vector<2x10000x64xf32>
    tpu.vector_store %arg8[%swap3A, %swap3A_67, %swap3A_68], %stack3A_66 {strides = array<i32>} : memref<2x10000x64xf32, #tpu.memory_space<vmem>>, vector<2x10000x64xf32>,
    return
  }
}

module attributes {stable_mosaic.version = 14 : i64} {
  func.func @_final_body(%arg0: memref<2x10000x64xf32, #tpu.memory_space<vmem>>, %arg1: memref<2x10000x64xf32, #tpu.memory_space<vmem>>, %arg2: memref<128x128xf32, #tpu.memory_space<vmem>>, %arg3: memref<1x128xf32, #tpu.memory_space<vmem>>, %arg4: memref<128x128xf32, #tpu.memory_space<vmem>>, %arg5: memref<1x128xf32, #tpu.memory_space<vmem>>, %arg6: memref<1x128xf32, #tpu.memory_space<vmem>>, %arg7: memref<1x128xf32, #tpu.memory_space<vmem>>, %arg8: memref<1x10000xi32, #tpu.memory_space<vmem>>, %arg9: memref<128x40xf32, #tpu.memory_space<vmem>>, %arg10: memref<1x40xf32, #tpu.memory_space<vmem>>, %arg11: memref<128x40xf32, #tpu.memory_space<vmem>>) attributes {dimension_semantics = [], scalar_prefetch = 0 : i64, scratch_operands = 0 : i64, tpu.core_type = #tpu.core_type<tc>} {
    %get3A = arith.constant 0 : index
    %get3A_0 = arith.constant 0 : index
    %get3A_1 = arith.constant 0 : index
    %get3A_2 = vector.load %arg0[%get3A, %get3A_0, %get3A_1] : memref<2x10000x64xf32, #tpu.memory_space<vmem>>, vector<2x10000x64xf32>
    %get3A_3 = arith.constant 0 : index
    %get3A_4 = arith.constant 0 : index
    %get3A_5 = arith.constant 0 : index
    %get3A_6 = vector.load %arg1[%get3A_3, %get3A_4, %get3A_5] : memref<2x10000x64xf32, #tpu.memory_space<vmem>>, vector<2x10000x64xf32>
    %get3A_7 = arith.constant 0 : index
    %get3A_8 = arith.constant 0 : index
    %get3A_9 = vector.load %arg2[%get3A_7, %get3A_8] : memref<128x128xf32, #tpu.memory_space<vmem>>, vector<128x128xf32>
    %get3A_10 = arith.constant 0 : index
    %get3A_11 = arith.constant 0 : index
    %get3A_12 = vector.load %arg3[%get3A_10, %get3A_11] : memref<1x128xf32, #tpu.memory_space<vmem>>, vector<1x128xf32>
    %get3A_13 = arith.constant 0 : index
    %get3A_14 = arith.constant 0 : index
    %get3A_15 = vector.load %arg4[%get3A_13, %get3A_14] : memref<128x128xf32, #tpu.memory_space<vmem>>, vector<128x128xf32>
    %get3A_16 = arith.constant 0 : index
    %get3A_17 = arith.constant 0 : index
    %get3A_18 = vector.load %arg5[%get3A_16, %get3A_17] : memref<1x128xf32, #tpu.memory_space<vmem>>, vector<1x128xf32>
    %get3A_19 = arith.constant 0 : index
    %get3A_20 = arith.constant 0 : index
    %get3A_21 = vector.load %arg6[%get3A_19, %get3A_20] : memref<1x128xf32, #tpu.memory_space<vmem>>, vector<1x128xf32>
    %get3A_22 = arith.constant 0 : index
    %get3A_23 = arith.constant 0 : index
    %get3A_24 = vector.load %arg7[%get3A_22, %get3A_23] : memref<1x128xf32, #tpu.memory_space<vmem>>, vector<1x128xf32>
    %slice3A = vector.extract_strided_slice %get3A_2 {offsets = [0, 0, 0], sizes = [1, 10000, 64], strides = [1, 1, 1]} : vector<2x10000x64xf32> to vector<1x10000x64xf32>
    %squeeze3A = vector.shape_cast %slice3A : vector<1x10000x64xf32> to vector<10000x64xf32>
    %slice3A_25 = vector.extract_strided_slice %get3A_2 {offsets = [1, 0, 0], sizes = [1, 10000, 64], strides = [1, 1, 1]} : vector<2x10000x64xf32> to vector<1x10000x64xf32>
    %squeeze3A_26 = vector.shape_cast %slice3A_25 : vector<1x10000x64xf32> to vector<10000x64xf32>
    %concatenate3A = tpu.concatenate %squeeze3A, %squeeze3A_26 in 1 : vector<10000x64xf32>, vector<10000x64xf32> -> vector<10000x128xf32>
    %slice3A_27 = vector.extract_strided_slice %get3A_6 {offsets = [0, 0, 0], sizes = [1, 10000, 64], strides = [1, 1, 1]} : vector<2x10000x64xf32> to vector<1x10000x64xf32>
    %squeeze3A_28 = vector.shape_cast %slice3A_27 : vector<1x10000x64xf32> to vector<10000x64xf32>
    %slice3A_29 = vector.extract_strided_slice %get3A_6 {offsets = [1, 0, 0], sizes = [1, 10000, 64], strides = [1, 1, 1]} : vector<2x10000x64xf32> to vector<1x10000x64xf32>
    %squeeze3A_30 = vector.shape_cast %slice3A_29 : vector<1x10000x64xf32> to vector<10000x64xf32>
    %concatenate3A_31 = tpu.concatenate %squeeze3A_28, %squeeze3A_30 in 1 : vector<10000x64xf32>, vector<10000x64xf32> -> vector<10000x128xf32>
    %add3A = arith.addf %concatenate3A, %concatenate3A_31 : vector<10000x128xf32>
    %dot_general3A = arith.constant dense<0.000000e+00> : vector<10000x128xf32>
    %dot_general3A_32 = tpu.matmul %add3A, %get3A_9, %dot_general3A {dimension_numbers = #tpu.dot_dimension_numbers<[1], [0], [0], [1], [0, 0, 1, 1], [], []>, transpose_lhs_hint = false} : vector<10000x128xf32>, vector<128x128xf32>, vector<10000x128xf32> -> vector<10000x128xf32>
    %add3A_33 = vector.broadcast %get3A_12 : vector<1x128xf32> to vector<10000x128xf32>
    %add3A_34 = arith.addf %dot_general3A_32, %add3A_33 : vector<10000x128xf32>
    %max3A = arith.constant 0.000000e+00 : f32
    %max3A_35 = vector.broadcast %max3A : f32 to vector<10000x128xf32>
    %max3A_36 = arith.maximumf %add3A_34, %max3A_35 : vector<10000x128xf32>
    %dot_general3A_37 = arith.constant dense<0.000000e+00> : vector<10000x128xf32>
    %dot_general3A_38 = tpu.matmul %max3A_36, %get3A_15, %dot_general3A_37 {dimension_numbers = #tpu.dot_dimension_numbers<[1], [0], [0], [1], [0, 0, 1, 1], [], []>, transpose_lhs_hint = false} : vector<10000x128xf32>, vector<128x128xf32>, vector<10000x128xf32> -> vector<10000x128xf32>
    %add3A_39 = vector.broadcast %get3A_18 : vector<1x128xf32> to vector<10000x128xf32>
    %add3A_40 = arith.addf %dot_general3A_38, %add3A_39 : vector<10000x128xf32>
    %reduce_sum3A = arith.constant dense<0.000000e+00> : vector<128xf32>
    %reduce_sum3A_41 = vector.multi_reduction <add>, %add3A_40, %reduce_sum3A [0] : vector<10000x128xf32> to vector<128xf32>
    %broadcast_in_dim3A = vector.shape_cast %reduce_sum3A_41 : vector<128xf32> to vector<1x128xf32>
    %div3A = arith.constant 1.000000e+04 : f32
    %div3A_42 = vector.broadcast %div3A : f32 to vector<1x128xf32>
    %div3A_43 = arith.divf %broadcast_in_dim3A, %div3A_42 : vector<1x128xf32>
    %sub3A = vector.broadcast %div3A_43 : vector<1x128xf32> to vector<10000x128xf32>
    %sub3A_44 = arith.subf %add3A_40, %sub3A : vector<10000x128xf32>
    %mul3A = arith.mulf %sub3A_44, %sub3A_44 : vector<10000x128xf32>
    %reduce_sum3A_45 = arith.constant dense<0.000000e+00> : vector<128xf32>
    %reduce_sum3A_46 = vector.multi_reduction <add>, %mul3A, %reduce_sum3A_45 [0] : vector<10000x128xf32> to vector<128xf32>
    %broadcast_in_dim3A_47 = vector.shape_cast %reduce_sum3A_46 : vector<128xf32> to vector<1x128xf32>
    %div3A_48 = arith.constant 1.000000e+04 : f32
    %div3A_49 = vector.broadcast %div3A_48 : f32 to vector<1x128xf32>
    %div3A_50 = arith.divf %broadcast_in_dim3A_47, %div3A_49 : vector<1x128xf32>
    %add3A_51 = arith.constant 9.99999974E-6 : f32
    %add3A_52 = vector.broadcast %add3A_51 : f32 to vector<1x128xf32>
    %add3A_53 = arith.addf %div3A_50, %add3A_52 : vector<1x128xf32>
    %rsqrt3A = math.rsqrt %add3A_53 : vector<1x128xf32>
    %mul3A_54 = vector.broadcast %rsqrt3A : vector<1x128xf32> to vector<10000x128xf32>
    %mul3A_55 = arith.mulf %sub3A_44, %mul3A_54 : vector<10000x128xf32>
    %mul3A_56 = vector.broadcast %get3A_21 : vector<1x128xf32> to vector<10000x128xf32>
    %mul3A_57 = arith.mulf %mul3A_55, %mul3A_56 : vector<10000x128xf32>
    %add3A_58 = vector.broadcast %get3A_24 : vector<1x128xf32> to vector<10000x128xf32>
    %add3A_59 = arith.addf %mul3A_57, %add3A_58 : vector<10000x128xf32>
    %iota3A = tpu.iota {dimensions = array<i32: 0>} : vector<128x1xi32>
    %get3A_60 = arith.constant 0 : index
    %get3A_61 = arith.constant 0 : index
    %get3A_62 = vector.load %arg8[%get3A_60, %get3A_61] : memref<1x10000xi32, #tpu.memory_space<vmem>>, vector<1x10000xi32>
    %eq3A = vector.broadcast %iota3A : vector<128x1xi32> to vector<128x10000xi32>
    %eq3A_63 = vector.broadcast %get3A_62 : vector<1x10000xi32> to vector<128x10000xi32>
    %eq3A_64 = arith.cmpi eq, %eq3A, %eq3A_63 : vector<128x10000xi32>
    %convert_element_type3A = arith.extui %eq3A_64 : vector<128x10000xi1> to vector<128x10000xi32>
    %convert_element_type3A_65 = arith.sitofp %convert_element_type3A : vector<128x10000xi32> to vector<128x10000xf32>
    %dot_general3A_66 = arith.constant dense<0.000000e+00> : vector<128x128xf32>
    %dot_general3A_67 = tpu.matmul %convert_element_type3A_65, %add3A_59, %dot_general3A_66 {dimension_numbers = #tpu.dot_dimension_numbers<[1], [0], [0], [1], [0, 0, 1, 1], [], []>, transpose_lhs_hint = false} : vector<128x10000xf32>, vector<10000x128xf32>, vector<128x128xf32> -> vector<128x128xf32>
    %get3A_68 = arith.constant 0 : index
    %get3A_69 = arith.constant 0 : index
    %get3A_70 = vector.load %arg9[%get3A_68, %get3A_69] : memref<128x40xf32, #tpu.memory_space<vmem>>, vector<128x40xf32>
    %dot_general3A_71 = arith.constant dense<0.000000e+00> : vector<128x40xf32>
    %dot_general3A_72 = tpu.matmul %dot_general3A_67, %get3A_70, %dot_general3A_71 {dimension_numbers = #tpu.dot_dimension_numbers<[1], [0], [0], [1], [0, 0, 1, 1], [], []>, transpose_lhs_hint = false} : vector<128x128xf32>, vector<128x40xf32>, vector<128x40xf32> -> vector<128x40xf32>
    %get3A_73 = arith.constant 0 : index
    %get3A_74 = arith.constant 0 : index
    %get3A_75 = vector.load %arg10[%get3A_73, %get3A_74] : memref<1x40xf32, #tpu.memory_space<vmem>>, vector<1x40xf32>
    %add3A_76 = vector.broadcast %get3A_75 : vector<1x40xf32> to vector<128x40xf32>
    %add3A_77 = arith.addf %dot_general3A_72, %add3A_76 : vector<128x40xf32>
    %swap3A = arith.constant 0 : index
    %swap3A_78 = arith.constant 0 : index
    %swap3A_79 = vector.load %arg11[%swap3A, %swap3A_78] : memref<128x40xf32, #tpu.memory_space<vmem>>, vector<128x40xf32>
    tpu.vector_store %arg11[%swap3A, %swap3A_78], %add3A_77 {strides = array<i32>} : memref<128x40xf32, #tpu.memory_space<vmem>>, vector<128x40xf32>,
    return
  }
}

</mosaic_0001>

<sc_bundles>
// kernel: kernel.6.cloned.1.call-start
scs
__scs_entry_jumppad:
0x0: {  	(pc) =	sbr.rel $0x88, $3  }
0x1: {  	(tag) =	ssettag $0x0;
	lr =	simm.s32 $0x1  }
0x2: {  	[smem:$0x3F90] =	sst lr;
	_ =	strace $0xD0000000  }
0x3: {  	_ = 	snop  }
0x4: {  	_ = 	snop  }
0x5: {  	_ = 	snop  }
0x6: {  	_ = 	snop  }
0x7: {  	_ = 	snop  }
__scs_overlays_trampoline_lowered:
0x8: {  	[smem:$0x3F9F] =	sst s0  }
0x9: {  	[smem:$0x3FA0] =	sst s1  }
0xa: {  	[smem:$0x3FA1] =	sst s2  }
0xb: {  	[smem:$0x3FA2] =	sst s3  }
0xc: {  	[smem:$0x3FA3] =	sst s4  }
0xd: {  	[smem:$0x3FA4] =	sst s5  }
0xe: {  	[smem:$0x3FA5] =	sst s6  }
0xf: {  	[smem:$0x3FA6] =	sst s7  }
0x10: {  	[smem:$0x3FA7] =	sst s8  }
0x11: {  	[smem:$0x3FA8] =	sst s9;
	s0 =	simm.s32 @!p0 $0x0  }
0x12: {  	s1 =	sld [smem:$0x3F8E];
	s0 =	simm.s32 @p0 $0x1  }
0x13: {  	[smem:$0x3FA9] =	sst s0;
	s0 =	simm.s32 @!p1 $0x0  }
0x14: {  	s2 =	sld [smem:$0x3F8D];
	s0 =	simm.s32 @p1 $0x1  }
0x15: {  	[smem:$0x3FAA] =	sst s0;
	s0 =	simm.s32 @!p2 $0x0  }
0x16: {  	s3 =	sld [smem:$0x3FDB];
	s0 =	simm.s32 @p2 $0x1  }
0x17: {  	s4 =	simm.s32 $0x1BF5;
	[smem:$0x3FAC] =	sst s0  }
0x18: {  	s0 =	sld [smem:$0x3F8F];
	_ =	swait.ge [sflag:s4], $0x0  }
0x19: {  	s7 =	sld [smem:$0x3F90]  }
0x1a: {  	s8 =	sadd.s32 $0xFFFFE003, lr  }
0x1b: {  	s9 =	sadd.s32 $0xFFFFFEF7, lr;
	s5 =	simm.s32 $0xFFFFFFFF;
	p2 =	slt.u32 s8, $0xFFFFF086  }
0x1c: {  	p1 =	slt.u32 s9, $0xF7A;
	s5 =	simm.s32 @!p2 $0x0  }
0x1d: {  	s5 =	simm.s32 @p1 $0x1;
	p0 =	seq.s32 s7, s2  }
0x1e: {  	s7 =	smul.u32 @!p0 $0xF7A, s2;
	p2 =	seq.s32 @!p0 s5, $0x0  }
0x1f: {  	s9 =	smul.u32 $0xF7A, s1;
	s8 =	simm.s32 @!p0 $0x1BF5;
	p2 =	por !p2, p0  }
0x20: {  	[sflag:s8] =	ssyncset.s32 @!p0 $0xFFFFF086;
	s6 =	sadd.s32 @!p0 s3, s7;
	s7 =	simm.s32 @!p0 $0x108  }
0x21: {  	s3 =	sadd.s32 s3, s9;
	s6 =	sadd.s32 @!p0 $0x88, s6;
	s7 =	simm.s32 @p2 $0x1082  }
0x22: {  	[simem:s7], [sflag:s8] =	dma.local @!p0 [hbm:s6], $0xF7A  }
0x23: {  	s9 =	sor.u32 $0xD0000000, s2;
	s6 =	simm.s32 $0x108;
	_ =	swait.ge @!p0 [sflag:s8], $0x0  }
0x24: {  	s3 =	sadd.s32 $0x88, s3;
	s6 =	simm.s32 @!p1 $0x1082;
	[sflag:s4] =	ssyncset.s32 $0xFFFFF086  }
0x25: {  	[simem:s6], [sflag:s4] =	dma.local [hbm:s3], $0xF7A  }
0x26: {  	[smem:$0x3F90] =	sst s1;
	(tag) =	ssettag s2;
	_ =	strace s9  }
0x27: {  	s1 =	sld [smem:$0x3FA0]  }
0x28: {  	s2 =	sld [smem:$0x3FA1]  }
0x29: {  	s4 =	sld [smem:$0x3FA3]  }
0x2a: {  	p0 =	seq.s32 s5, $0x0;
	s5 =	sld [smem:$0x3FA4]  }
0x2b: {  	s6 =	sld [smem:$0x3FA5]  }
0x2c: {  	s7 =	sld [smem:$0x3FA6]  }
0x2d: {  	s3 =	simm.s32 $0x108;
	s8 =	sld [smem:$0x3FA7]  }
0x2e: {  	s3 =	simm.s32 @!p0 $0x1082;
	s9 =	sld [smem:$0x3FA8]  }
0x2f: {  	lr =	sadd.s32 s0, s3;
	s0 =	sld [smem:$0x3F9F]  }
0x30: {  	s3 =	sld [smem:$0x3FA2]  }
0x31: {  	[smem:$0x3FAB] =	sst s10  }
0x32: {  	s10 =	sld [smem:$0x3FA9];
	_ =	sdelay $0x3  }
0x33: {  	p0 =	seq.s32 s10, $0x1;
	s10 =	sld [smem:$0x3FAB];
	_ =	sdelay $0x3  }
0x34: {  	[smem:$0x3FAB] =	sst s10  }
0x35: {  	s10 =	sld [smem:$0x3FAA];
	_ =	sdelay $0x3  }
0x36: {  	p1 =	seq.s32 s10, $0x1;
	s10 =	sld [smem:$0x3FAB];
	_ =	sdelay $0x3  }
0x37: {  	[smem:$0x3FAB] =	sst s10  }
0x38: {  	s10 =	sld [smem:$0x3FAC]  }
0x39: {  	_ = 	snop;
	(pc) =	sbr.ind lr, $3  }
0x3a: {  	_ = 	snop  }
0x3b: {  	_ = 	snop  }
0x3c: {  	p2 =	seq.s32 s10, $0x1;
	s10 =	sld [smem:$0x3FAB]  }
0x3d: {  	_ =	shalt  }
0x3e: {  	_ =	shalt  }
0x3f: {  	_ =	shalt  }
0x40: {  	_ =	shalt  }
0x41: {  	_ =	shalt  }
0x42: {  	_ =	shalt  }
0x43: {  	_ =	shalt  }
0x44: {  	_ =	shalt  }
0x45: {  	_ =	shalt  }
0x46: {  	_ =	shalt  }
0x47: {  	_ =	shalt  }
0x48: {  	_ =	shalt  }
0x49: {  	_ =	shalt  }
0x4a: {  	_ =	shalt  }
0x4b: {  	_ =	shalt  }
0x4c: {  	_ =	shalt  }
0x4d: {  	_ =	shalt  }
0x4e: {  	_ =	shalt  }
0x4f: {  	_ =	shalt  }
0x50: {  	_ =	shalt  }
0x51: {  	_ =	shalt  }
0x52: {  	_ =	shalt  }
0x53: {  	_ =	shalt  }
0x54: {  	_ =	shalt  }
0x55: {  	_ =	shalt  }
0x56: {  	_ =	shalt  }
0x57: {  	_ =	shalt  }
0x58: {  	_ =	shalt  }
0x59: {  	_ =	shalt  }
0x5a: {  	_ =	shalt  }
0x5b: {  	_ =	shalt  }
0x5c: {  	_ =	shalt  }
0x5d: {  	_ =	shalt  }
0x5e: {  	_ =	shalt  }
0x5f: {  	_ =	shalt  }
0x60: {  	_ =	shalt  }
0x61: {  	_ =	shalt  }
0x62: {  	_ =	shalt  }
0x63: {  	_ =	shalt  }
0x64: {  	_ =	shalt  }
0x65: {  	_ =	shalt  }
0x66: {  	_ =	shalt  }
0x67: {  	_ =	shalt  }
0x68: {  	_ =	shalt  }
0x69: {  	_ =	shalt  }
0x6a: {  	_ =	shalt  }
0x6b: {  	_ =	shalt  }
0x6c: {  	_ =	shalt  }
0x6d: {  	_ =	shalt  }
0x6e: {  	_ =	shalt  }
0x6f: {  	_ =	shalt  }
0x70: {  	_ =	shalt  }
0x71: {  	_ =	shalt  }
0x72: {  	_ =	shalt  }
0x73: {  	_ =	shalt  }
0x74: {  	_ =	shalt  }
0x75: {  	_ =	shalt  }
0x76: {  	_ =	shalt  }
0x77: {  	_ =	shalt  }
0x78: {  	_ =	shalt  }
0x79: {  	_ =	shalt  }
0x7a: {  	_ =	shalt  }
0x7b: {  	_ =	shalt  }
0x7c: {  	_ =	shalt  }
0x7d: {  	_ =	shalt  }
0x7e: {  	_ =	shalt  }
0x7f: {  	_ =	shalt  }
0x80: {  	_ =	shalt  }
0x81: {  	_ =	shalt  }
0x82: {  	_ =	shalt  }
0x83: {  	_ =	shalt  }
0x84: {  	_ =	shalt  }
0x85: {  	_ =	shalt  }
0x86: {  	_ =	shalt  }
0x87: {  	_ =	shalt  }
.Lfunc_end0:
.L_simem_size_0:
called_computation_lowered:
.L_overlay_start_0:
0x88: {  	s2 =	sld [smem:$0x3FD9]  }
0x89: {  	s3 =	sld [smem:$0x3FFE];
	_ =	sdelay $0x1  }
0x8a: {  	s1 =	srdreg.scid  }
0x8b: {  	s0 =	sand.u32 $0x1, s1  }
0x8c: {  	s16 =	sshll.u32 s0, $0xA;
	s2 =	sadd.s32 s3, s2  }
0x8d: {  	s2 =	sadd.s32 s2, s16  }
0x8e: {  	[smem:$0x3FB7] =	sst s2  }
0x8f: {  	_ = 	snop  }
0x90: {  	(tm) =	ssettm $0x1  }
0x91: {  	s17 =	sld [smem:$0x3FFB];
	_ =	sdelay $0x3  }
0x92: {  	_ =	strace s17  }
0x93: {  	s2 =	sld [smem:$0x3FFC];
	_ =	sdelay $0x3  }
0x94: {  	_ =	strace s2  }
0x95: {  	s2 =	sld [smem:$0x3FFD];
	_ =	sdelay $0x3  }
0x96: {  	_ =	strace s2  }
0x97: {  	_ =	strace $0x8FFFFFFF  }
0x98: {  	s18 =	sld [smem:$0x3FDB];
	_ =	sdelay $0x1  }
0x99: {  	s19 =	simm.s32 $_scs_section_size  }
0x9a: {  	s4 =	simm.s32 $_size__tile_overlayer_lowered;
	s5 =	simm.s32 $_tile_overlayer_lowered  }
0x9b: {  	s22 =	simm.s32 $0x1BFF;
	s21 =	sshll.u32 s5, $0x1;
	s2 =	sadd.s32 s19, s18  }
0x9c: {  	s6 =	simm.s32 $0x0;
	s20 =	sshll.u32 s4, $0x1;
	s4 =	sadd.s32 s21, s2  }
0x9d: {  	[timem:s6], [sflag:s22] =	dma.local [hbm:s4], s20  }
0x9e: {  	_ =	swait.ge [sflag:s22], s20  }
0x9f: {  	s3 =	ssub.s32 $0x0, s20;
	[sflag:s22] =	ssyncset.done $0x0  }
0xa0: {  	[sflag:s22] =	ssyncadd.s32 s3;
	_ =	sdelay $0x1  }
0xa1: {  	s23 =	simm.s32 $0x1B8B  }
0xa2: {  	_ =	swait.ge [sflag:s23], $0x1  }
0xa3: {  	[sflag:s23] =	ssyncset.done $0x0  }
0xa4: {  	s25 =	simm.s32 $0x1B8E;
	s24 =	sld [smem:$0x3FFE];
	[sflag:s23] =	ssyncadd.s32 $0xFFFFFFFF  }
0xa5: {  	s26 =	simm.s32 $execute0_lowered;
	[smem:$0x3FD2] =	sst s25  }
0xa6: {  	s4 =	sshll.u32 s26, $0x1;
	_ =	strace $0x80000046;
	[dreg:$0x1] =	wrdreg $0xFFFFFFFF  }
0xa7: {  	s28 =	simm.s32 $_size_execute0_lowered;
	s2 =	sadd.s32 s2, s4;
	[dreg:$0x0] =	wrdreg $0x0  }
0xa8: {  	s4 =	sshll.u32 s28, $0x1;
	[dreg:$0x2] =	wrdreg s2  }
0xa9: {  	[dreg:$0x3] =	wrdreg s4  }
0xaa: {  	[dreg:$0x4] =	wrdreg $0xC0  }
0xab: {  	_ =	task [dreg:s6], $0x5FFFF  }
0xac: {  	[dreg:$0x1] =	wrdreg $0xFFFFFFFF  }
0xad: {  	[dreg:$0x0] =	wrdreg $0x60  }
0xae: {  	[dreg:$0x2] =	wrdreg s24  }
0xaf: {  	[dreg:$0x3] =	wrdreg $0x12D000  }
0xb0: {  	[dreg:$0x4] =	wrdreg $0x9  }
0xb1: {  	_ =	task.clear_ibuf [dreg:s6], $0x5FFFF;
	_ =	strace $0x90000046  }
0xb2: {  	s29 =	simm.s32 $0x9;
	_ =	strace $0x80000048  }
0xb3: {  	_ =	swait.ge [sflag:s29], $0x1  }
0xb4: {  	[sflag:s29] =	ssyncadd.s32 $0xFFFFFFFF  }
0xb5: {  	_ =	strace $0x90000048  }
0xb6: {  	_ =	sfence  }
0xb7: {  	s30 =	sld [smem:$0x0];
	_ =	sdelay $0x2  }
0xb8: {  	s31 =	sshll.u32 s1, $0xD;
	s1 =	sshrl.u32 s1, $0x2  }
0xb9: {  	s3 =	sand.u32 $0x4000, s31;
	s1 =	sadd.s32 s1, s30  }
0xba: {  	s0 =	sor.u32 s3, s0;
	s1 =	sshll.u32 s1, $0x11  }
0xbb: {  	s0 =	sor.u32 s1, s0  }
0xbc: {  	s0 =	sadd.s32 $0x8F2B, s0  }
0xbd: {  	[sflag:s0] =	ssyncadd.remote.s32 $0x1  }
0xbe: {  	_ =	sfence.sel $0xFFFF  }
0xbf: {  	[dreg:$0x0] =	wrdreg $0xFFFFFFFF;
	(pc) =	sbr.abs _section_cstart, $3  }
0xc0: {  	[dreg:$0x1] =	wrdreg $0xFFFFFFFF  }
0xc1: {  	_ =	task.clear_ibuf [dreg:s6], $0x2FFFF;
	_ =	strace $0x9FFFFFFF  }
0xc2: {  	(tm) =	ssettm $0x7FFFFFFF  }
0xc3: {  	_ =	shalt  }
tec
execute0_lowered:
.L_overlay_start_1:
0x0: {  	(tag) =	ssettag $0x1  }
0x1: {  	s0 =	rddreg [dreg:$0x0]  }
0x2: {  	s1 =	rddreg [dreg:$0x1]  }
0x3: {  	s2 =	srdreg.scid;
	s3 =	simm.s32 $0x0;
	s22 =	stileid.u32  }
0x4: {  	s20 =	simm.s32 $0x11D00;
	s21 =	simm.s32 $0x5;
	s23 =	simm.s32 $0x80  }
0x5: {  	s24 =	simm.s32 $0x9D00;
	s29 =	simm.s32 $0xDD00;
	s4 =	smul.u32 $0x9D0, s22  }
0x6: {  	s30 =	simm.s32 $0x1;
	s31 =	simm.s32 $0xFD00;
	s6 =	smul.u32 $0x28000, s22  }
0x7: {  	s2 =	sand.u32 $0x1, s2;
	[smem:$0x7FF] =	sst s3;
	s18 =	smul.u32 $0xA000, s22  }
0x8: {  	p0 =	seq.s32 s22, $0xF;
	s22 =	simm.s32 $0x3;
	s5 =	smul.u32 $0x9C400, s2  }
0x9: {  	_ =	strace $0x80000047;
	s2 =	ssub.s32 $0x2, s2;
	s15 =	sadd.s32 s4, s0  }
0xa: {  	s25 =	sshrl.u32 s2, $0x1;
	s6 =	sshrl.u32 s6, $0x2;
	s4 =	sadd.s32 s18, s1  }
0xb: {  	s16 =	sshrl.u32 s5, $0x3;
	s2 =	ssub.s32 s2, s25;
	s13 =	sadd.s32 s6, s1  }
0xc: {  	s14 =	sadd.s32 $0x7FC00, s15;
	s5 =	sadd.s32 s18, s5;
	s15 =	sadd.s32 $0x75E00, s15  }
0xd: {  	s17 =	sadd.s32 s16, s0;
	s0 =	sadd.s32 $0x89A00, s0;
	s6 =	sadd.s32 $0x1000, s13  }
0xe: {  	s26 =	sadd.s32 $0x2000, s13;
	s7 =	sadd.s32 $0x3000, s13;
	s8 =	sadd.s32 $0x4000, s13  }
0xf: {  	s9 =	sadd.s32 $0x5000, s13;
	s10 =	sadd.s32 $0x6000, s13;
	s11 =	sadd.s32 $0x7000, s13  }
0x10: {  	s12 =	sadd.s32 $0x8000, s13;
	s13 =	sadd.s32 $0x9000, s13;
	s5 =	sshrl.u32 s5, $0x3  }
0x11: {  	s19 =	smax.u32 s2, $0x1;
	s2 =	simm.s32 $0x4;
	[dreg:$0x3] =	wrdreg s6  }
0x12: {  	[dreg:$0x4] =	wrdreg s26;
	s28 =	sadd.s32 s0, s16;
	s16 =	sadd.s32 $0x4EC00, s17  }
0x13: {  	s17 =	sadd.s32 s0, s5;
	s0 =	sadd.s32 $0x96000, s1;
	s26 =	simm.s32 $0xBD00  }
0x14: {  	v0 =	vimm.f32 $0.0e+00;
	s18 =	sadd.s32 $0x12C00, s28;
	s25 =	sshrl.u32 @p0 s0, $0x3;
	s0 =	simm.s32 $0x2  }
.LBB2_1:
0x15: {  	s28 =	simm.s32 $0x100;
	s5 =	simm.s32 $0x0  }
.LBB2_2:
0x16: {  	p1 =	sne.s32 s28, $0x3F00;
	[tilespmem:s5+$0x11D30] =	vst v0;
	s6 =	smov.u32 s28;
	s28 =	sadd.s32 $0x100, s28  }
.Ltmp0:
0x17: {  	[tilespmem:s5+$0x11D20] =	vst v0;
	(pc) =	sbr.rel @p1 .LBB2_2-.Ltmp0, $3  }
0x18: {  	[tilespmem:s5+$0x11D00] =	vst v0  }
0x19: {  	[tilespmem:s5+$0x11D10] =	vst v0;
	_ =	sdelay $0x1  }
0x1a: {  	s5 =	sshra.s32 s6, $0x2  }
0x1b: {  	[tilespmem:s5+$0x11D30] =	vst v0  }
0x1c: {  	[tilespmem:s5+$0x11D20] =	vst v0  }
0x1d: {  	[tilespmem:s5+$0x11D00] =	vst v0  }
0x1e: {  	[tilespmem:s5+$0x11D10] =	vst v0  }
0x1f: {  	[spmem:s4] =	stream.linear.scatter [tilespmem:s20], [sflag:$0x5], $0x1000, $0x38;
	[tilespmem:$0x1CD00] =	vst v63  }
0x20: {  	_ =	swait.ge [sflag:s21], $0x1000  }
0x21: {  	[sflag:s21] =	ssyncset.done $0x0  }
0x22: {  	s6 =	rddreg [dreg:$0x3];
	[sflag:s21] =	ssyncadd.s32 $0xFFFFF000  }
0x23: {  	[spmem:s6] =	stream.linear.scatter [tilespmem:s20], [sflag:$0x5], $0x1000, $0x38;
	[tilespmem:$0x1CD00] =	vst v63  }
0x24: {  	_ =	swait.ge [sflag:s21], $0x1000  }
0x25: {  	[sflag:s21] =	ssyncset.done $0x0  }
0x26: {  	s6 =	rddreg [dreg:$0x4];
	[sflag:s21] =	ssyncadd.s32 $0xFFFFF000  }
0x27: {  	[spmem:s6] =	stream.linear.scatter [tilespmem:s20], [sflag:$0x5], $0x1000, $0x38;
	[tilespmem:$0x1CD00] =	vst v63  }
0x28: {  	_ =	swait.ge [sflag:s21], $0x1000  }
0x29: {  	[sflag:s21] =	ssyncset.done $0x0  }
0x2a: {  	[sflag:s21] =	ssyncadd.s32 $0xFFFFF000  }
0x2b: {  	[spmem:s7] =	stream.linear.scatter [tilespmem:s20], [sflag:$0x5], $0x1000, $0x38;
	[tilespmem:$0x1CD00] =	vst v63  }
0x2c: {  	_ =	swait.ge [sflag:s21], $0x1000  }
0x2d: {  	[sflag:s21] =	ssyncset.done $0x0  }
0x2e: {  	[sflag:s21] =	ssyncadd.s32 $0xFFFFF000  }
0x2f: {  	[spmem:s8] =	stream.linear.scatter [tilespmem:s20], [sflag:$0x5], $0x1000, $0x38;
	[tilespmem:$0x1CD00] =	vst v63  }
0x30: {  	_ =	swait.ge [sflag:s21], $0x1000  }
0x31: {  	[sflag:s21] =	ssyncset.done $0x0  }
0x32: {  	[sflag:s21] =	ssyncadd.s32 $0xFFFFF000  }
0x33: {  	[spmem:s9] =	stream.linear.scatter [tilespmem:s20], [sflag:$0x5], $0x1000, $0x38;
	[tilespmem:$0x1CD00] =	vst v63  }
0x34: {  	_ =	swait.ge [sflag:s21], $0x1000  }
0x35: {  	[sflag:s21] =	ssyncset.done $0x0  }
0x36: {  	[sflag:s21] =	ssyncadd.s32 $0xFFFFF000  }
0x37: {  	[spmem:s10] =	stream.linear.scatter [tilespmem:s20], [sflag:$0x5], $0x1000, $0x38;
	[tilespmem:$0x1CD00] =	vst v63  }
0x38: {  	_ =	swait.ge [sflag:s21], $0x1000  }
0x39: {  	[sflag:s21] =	ssyncset.done $0x0  }
0x3a: {  	[sflag:s21] =	ssyncadd.s32 $0xFFFFF000  }
0x3b: {  	[spmem:s11] =	stream.linear.scatter [tilespmem:s20], [sflag:$0x5], $0x1000, $0x38;
	[tilespmem:$0x1CD00] =	vst v63  }
0x3c: {  	_ =	swait.ge [sflag:s21], $0x1000  }
0x3d: {  	[sflag:s21] =	ssyncset.done $0x0  }
0x3e: {  	[sflag:s21] =	ssyncadd.s32 $0xFFFFF000  }
0x3f: {  	[spmem:s12] =	stream.linear.scatter [tilespmem:s20], [sflag:$0x5], $0x1000, $0x38;
	[tilespmem:$0x1CD00] =	vst v63  }
0x40: {  	_ =	swait.ge [sflag:s21], $0x1000  }
0x41: {  	[sflag:s21] =	ssyncset.done $0x0  }
0x42: {  	[sflag:s21] =	ssyncadd.s32 $0xFFFFF000  }
0x43: {  	[spmem:s13] =	stream.linear.scatter [tilespmem:s20], [sflag:$0x5], $0x1000, $0x38;
	[tilespmem:$0x1CD00] =	vst v63  }
0x44: {  	_ =	swait.ge [sflag:s21], $0x1000  }
0x45: {  	[sflag:s21] =	ssyncset.done $0x0  }
0x46: {  	s5 =	simm.s32 $0x0;
	[sflag:s21] =	ssyncadd.s32 $0xFFFFF000  }
0x47: {  	[tilespmem:s5], [sflag:$0x5] =	stream.linear.gather [hbm4b:s14+s5], $0x4E80, $0x38;
	[tilespmem:$0x1CD00] =	vst v63  }
0x48: {  	_ =	swait.ge [sflag:s21], $0x4E80  }
0x49: {  	[sflag:s21] =	ssyncset.done $0x0  }
0x4a: {  	s6 =	simm.s32 $0x4E80;
	[sflag:s21] =	ssyncadd.s32 $0xFFFFB180  }
0x4b: {  	[tilespmem:s6], [sflag:$0x5] =	stream.linear.gather [hbm4b:s15+s5], $0x4E80, $0x38;
	[tilespmem:$0x1CD00] =	vst v63  }
0x4c: {  	_ =	swait.ge [sflag:s21], $0x4E80  }
0x4d: {  	[sflag:s21] =	ssyncset.done $0x0  }
0x4e: {  	[sflag:s21] =	ssyncadd.s32 $0xFFFFB180  }
0x4f: {  	[bflag:$0x0] =	sbarrier.arrive $0xFFFF  }
0x50: {  	[tilespmem:s24], [sflag:$0x1] =	stream.indirect.gather [hbm4b:s16+s23], $0x40, s5, s23, $0xb8;
	[tilespmem:$0x1CD00] =	vst v63  }
0x51: {  	_ = 	snop  }
0x52: {  	[tilespmem:s26], [sflag:$0x2] =	stream.indirect.gather [hbm4b:s16+s23], $0x40, s23, s23, $0xb8;
	[tilespmem:$0x1CD00] =	vst v63  }
0x53: {  	s6 =	simm.s32 $0x100  }
0x54: {  	[tilespmem:s29], [sflag:$0x3] =	stream.indirect.gather [hbm4b:s16+s23], $0x40, s6, s23, $0xb8;
	[tilespmem:$0x1CD00] =	vst v63  }
0x55: {  	_ =	swait.ge [sflag:s30], $0x2000  }
0x56: {  	[sflag:s30] =	ssyncset.done $0x0  }
0x57: {  	s6 =	simm.s32 $0x4E80;
	[sflag:s30] =	ssyncadd.s32 $0xFFFFE000  }
0x58: {  	[spmem:s1] =	stream.indirect.scatter.add.f32 [tilespmem:s24], [sflag:$0x5], $0x40, s6, s23, $0xb8;
	[tilespmem:$0x1CD00] =	vst v63  }
0x59: {  	_ =	swait.ge [sflag:s21], $0x2000  }
0x5a: {  	[sflag:s21] =	ssyncset.done $0x0  }
0x5b: {  	s6 =	simm.s32 $0x180;
	[sflag:s21] =	ssyncadd.s32 $0xFFFFE000  }
0x5c: {  	[tilespmem:s31], [sflag:$0x4] =	stream.indirect.gather [hbm4b:s16+s23], $0x40, s6, s23, $0xb8;
	[tilespmem:$0x1CD00] =	vst v63  }
0x5d: {  	_ =	swait.ge [sflag:s0], $0x2000  }
0x5e: {  	[sflag:s0] =	ssyncset.done $0x0  }
0x5f: {  	s6 =	simm.s32 $0x4F00;
	[sflag:s0] =	ssyncadd.s32 $0xFFFFE000  }
0x60: {  	[spmem:s1] =	stream.indirect.scatter.add.f32 [tilespmem:s26], [sflag:$0x5], $0x40, s6, s23, $0xb8;
	[tilespmem:$0x1CD00] =	vst v63  }
0x61: {  	_ =	swait.ge [sflag:s21], $0x2000  }
0x62: {  	[sflag:s21] =	ssyncset.done $0x0  }
0x63: {  	s6 =	simm.s32 $0x200;
	[sflag:s21] =	ssyncadd.s32 $0xFFFFE000  }
0x64: {  	[tilespmem:s24], [sflag:$0x1] =	stream.indirect.gather [hbm4b:s16+s23], $0x40, s6, s23, $0xb8;
	[tilespmem:$0x1CD00] =	vst v63  }
0x65: {  	_ =	swait.ge [sflag:s22], $0x2000  }
0x66: {  	[sflag:s22] =	ssyncset.done $0x0  }
0x67: {  	s6 =	simm.s32 $0x4F80;
	[sflag:s22] =	ssyncadd.s32 $0xFFFFE000  }
0x68: {  	[spmem:s1] =	stream.indirect.scatter.add.f32 [tilespmem:s29], [sflag:$0x5], $0x40, s6, s23, $0xb8;
	[tilespmem:$0x1CD00] =	vst v63  }
0x69: {  	_ =	swait.ge [sflag:s21], $0x2000  }
0x6a: {  	[sflag:s21] =	ssyncset.done $0x0  }
0x6b: {  	s6 =	simm.s32 $0x280;
	[sflag:s21] =	ssyncadd.s32 $0xFFFFE000  }
0x6c: {  	[tilespmem:s26], [sflag:$0x2] =	stream.indirect.gather [hbm4b:s16+s23], $0x40, s6, s23, $0xb8;
	[tilespmem:$0x1CD00] =	vst v63  }
0x6d: {  	_ =	swait.ge [sflag:s2], $0x2000  }
0x6e: {  	[sflag:s2] =	ssyncset.done $0x0  }
0x6f: {  	s6 =	simm.s32 $0x5000;
	[sflag:s2] =	ssyncadd.s32 $0xFFFFE000  }
0x70: {  	[spmem:s1] =	stream.indirect.scatter.add.f32 [tilespmem:s31], [sflag:$0x5], $0x40, s6, s23, $0xb8;
	[tilespmem:$0x1CD00] =	vst v63  }
0x71: {  	_ =	swait.ge [sflag:s21], $0x2000  }
0x72: {  	[sflag:s21] =	ssyncset.done $0x0  }
0x73: {  	s28 =	simm.s32 $0x800;
	s5 =	simm.s32 $0x300;
	[sflag:s21] =	ssyncadd.s32 $0xFFFFE000  }
.LBB2_4:
0x74: {  	[tilespmem:s29], [sflag:$0x3] =	stream.indirect.gather [hbm4b:s16+s23], $0x40, s5, s23, $0xb8;
	[tilespmem:$0x1CD00] =	vst v63  }
0x75: {  	s5 =	smov.u32 s28  }
0x76: {  	p1 =	sne.s32 s28, $0x12800;
	s28 =	sadd.s32 $0x800, s28;
	_ =	swait.ge [sflag:s30], $0x2000  }
0x77: {  	s5 =	sshra.s32 s5, $0x2;
	[sflag:s30] =	ssyncset.done $0x0  }
0x78: {  	s6 =	sadd.s32 $0x4E80, s5;
	[sflag:s30] =	ssyncadd.s32 $0xFFFFE000  }
0x79: {  	[spmem:s1] =	stream.indirect.scatter.add.f32 [tilespmem:s24], [sflag:$0x5], $0x40, s6, s23, $0xb8;
	[tilespmem:$0x1CD00] =	vst v63  }
0x7a: {  	_ =	swait.ge [sflag:s21], $0x2000  }
0x7b: {  	[sflag:s21] =	ssyncset.done $0x0  }
0x7c: {  	s6 =	sadd.s32 $0x180, s5;
	[sflag:s21] =	ssyncadd.s32 $0xFFFFE000  }
0x7d: {  	[tilespmem:s31], [sflag:$0x4] =	stream.indirect.gather [hbm4b:s16+s23], $0x40, s6, s23, $0xb8;
	[tilespmem:$0x1CD00] =	vst v63  }
0x7e: {  	_ =	swait.ge [sflag:s0], $0x2000  }
0x7f: {  	[sflag:s0] =	ssyncset.done $0x0  }
0x80: {  	s6 =	sadd.s32 $0x4F00, s5;
	[sflag:s0] =	ssyncadd.s32 $0xFFFFE000  }
0x81: {  	[spmem:s1] =	stream.indirect.scatter.add.f32 [tilespmem:s26], [sflag:$0x5], $0x40, s6, s23, $0xb8;
	[tilespmem:$0x1CD00] =	vst v63  }
0x82: {  	_ =	swait.ge [sflag:s21], $0x2000  }
0x83: {  	[sflag:s21] =	ssyncset.done $0x0  }
0x84: {  	s6 =	sadd.s32 $0x200, s5;
	[sflag:s21] =	ssyncadd.s32 $0xFFFFE000  }
0x85: {  	[tilespmem:s24], [sflag:$0x1] =	stream.indirect.gather [hbm4b:s16+s23], $0x40, s6, s23, $0xb8;
	[tilespmem:$0x1CD00] =	vst v63  }
0x86: {  	_ =	swait.ge [sflag:s22], $0x2000  }
0x87: {  	[sflag:s22] =	ssyncset.done $0x0  }
0x88: {  	s6 =	sadd.s32 $0x4F80, s5;
	[sflag:s22] =	ssyncadd.s32 $0xFFFFE000  }
0x89: {  	[spmem:s1] =	stream.indirect.scatter.add.f32 [tilespmem:s29], [sflag:$0x5], $0x40, s6, s23, $0xb8;
	[tilespmem:$0x1CD00] =	vst v63  }
0x8a: {  	_ =	swait.ge [sflag:s21], $0x2000  }
0x8b: {  	[sflag:s21] =	ssyncset.done $0x0  }
0x8c: {  	s6 =	sadd.s32 $0x280, s5;
	[sflag:s21] =	ssyncadd.s32 $0xFFFFE000  }
0x8d: {  	[tilespmem:s26], [sflag:$0x2] =	stream.indirect.gather [hbm4b:s16+s23], $0x40, s6, s23, $0xb8;
	[tilespmem:$0x1CD00] =	vst v63  }
0x8e: {  	_ =	swait.ge [sflag:s2], $0x2000  }
0x8f: {  	[sflag:s2] =	ssyncset.done $0x0  }
.Ltmp1:
0x90: {  	s6 =	sadd.s32 $0x5000, s5;
	[sflag:s2] =	ssyncadd.s32 $0xFFFFE000;
	(pc) =	sbr.rel @p1 .LBB2_4-.Ltmp1, $4  }
0x91: {  	[spmem:s1] =	stream.indirect.scatter.add.f32 [tilespmem:s31], [sflag:$0x5], $0x40, s6, s23, $0xb8;
	[tilespmem:$0x1CD00] =	vst v63  }
0x92: {  	_ =	swait.ge [sflag:s21], $0x2000  }
0x93: {  	[sflag:s21] =	ssyncset.done $0x0  }
0x94: {  	s5 =	sadd.s32 $0x300, s5;
	[sflag:s21] =	ssyncadd.s32 $0xFFFFE000  }
0x95: {  	[tilespmem:s29], [sflag:$0x3] =	stream.indirect.gather [hbm4b:s16+s23], $0x40, s5, s23, $0xb8;
	[tilespmem:$0x1CD00] =	vst v63  }
0x96: {  	_ =	swait.ge [sflag:s30], $0x2000  }
0x97: {  	[sflag:s30] =	ssyncset.done $0x0  }
0x98: {  	s28 =	simm.s32 $0x9A80;
	[sflag:s30] =	ssyncadd.s32 $0xFFFFE000  }
0x99: {  	[spmem:s1] =	stream.indirect.scatter.add.f32 [tilespmem:s24], [sflag:$0x5], $0x40, s28, s23, $0xb8;
	[tilespmem:$0x1CD00] =	vst v63  }
0x9a: {  	_ =	swait.ge [sflag:s21], $0x2000  }
0x9b: {  	[sflag:s21] =	ssyncset.done $0x0  }
0x9c: {  	s6 =	simm.s32 $0x4D80;
	[sflag:s21] =	ssyncadd.s32 $0xFFFFE000  }
0x9d: {  	[tilespmem:s31], [sflag:$0x4] =	stream.indirect.gather [hbm4b:s16+s23], $0x40, s6, s23, $0xb8;
	[tilespmem:$0x1CD00] =	vst v63  }
0x9e: {  	_ =	swait.ge [sflag:s0], $0x2000  }
0x9f: {  	[sflag:s0] =	ssyncset.done $0x0  }
0xa0: {  	s28 =	simm.s32 $0x9B00;
	[sflag:s0] =	ssyncadd.s32 $0xFFFFE000  }
0xa1: {  	[spmem:s1] =	stream.indirect.scatter.add.f32 [tilespmem:s26], [sflag:$0x5], $0x40, s28, s23, $0xb8;
	[tilespmem:$0x1CD00] =	vst v63  }
0xa2: {  	_ =	swait.ge [sflag:s21], $0x2000  }
0xa3: {  	[sflag:s21] =	ssyncset.done $0x0  }
0xa4: {  	s6 =	simm.s32 $0x4E00;
	[sflag:s21] =	ssyncadd.s32 $0xFFFFE000  }
0xa5: {  	[tilespmem:s24], [sflag:$0x1] =	stream.indirect.gather [hbm4b:s16+s23], $0x40, s6, s23, $0xb8;
	[tilespmem:$0x1CD00] =	vst v63  }
0xa6: {  	_ =	swait.ge [sflag:s22], $0x2000  }
0xa7: {  	[sflag:s22] =	ssyncset.done $0x0  }
0xa8: {  	s28 =	simm.s32 $0x9B80;
	[sflag:s22] =	ssyncadd.s32 $0xFFFFE000  }
0xa9: {  	[spmem:s1] =	stream.indirect.scatter.add.f32 [tilespmem:s29], [sflag:$0x5], $0x40, s28, s23, $0xb8;
	[tilespmem:$0x1CD00] =	vst v63  }
0xaa: {  	_ =	swait.ge [sflag:s21], $0x2000  }
0xab: {  	[sflag:s21] =	ssyncset.done $0x0  }
0xac: {  	[sflag:s21] =	ssyncadd.s32 $0xFFFFE000  }
0xad: {  	_ =	swait.ge [sflag:s2], $0x2000  }
0xae: {  	[sflag:s2] =	ssyncset.done $0x0  }
0xaf: {  	s6 =	simm.s32 $0x9C00;
	[sflag:s2] =	ssyncadd.s32 $0xFFFFE000  }
0xb0: {  	[spmem:s1] =	stream.indirect.scatter.add.f32 [tilespmem:s31], [sflag:$0x5], $0x40, s6, s23, $0xb8;
	[tilespmem:$0x1CD00] =	vst v63  }
0xb1: {  	_ =	swait.ge [sflag:s21], $0x2000  }
0xb2: {  	[sflag:s21] =	ssyncset.done $0x0  }
0xb3: {  	[sflag:s21] =	ssyncadd.s32 $0xFFFFE000  }
0xb4: {  	_ =	swait.ge [sflag:s30], $0x2000  }
0xb5: {  	[sflag:s30] =	ssyncset.done $0x0  }
0xb6: {  	s28 =	simm.s32 $0x9C80;
	[sflag:s30] =	ssyncadd.s32 $0xFFFFE000  }
0xb7: {  	[spmem:s1] =	stream.indirect.scatter.add.f32 [tilespmem:s24], [sflag:$0x5], $0x40, s28, s23, $0xb8;
	[tilespmem:$0x1CD00] =	vst v63  }
0xb8: {  	_ =	swait.ge [sflag:s21], $0x2000  }
0xb9: {  	[sflag:s21] =	ssyncset.done $0x0  }
0xba: {  	[sflag:s21] =	ssyncadd.s32 $0xFFFFE000  }
0xbb: {  	s5 =	simm.s32 @p0 $0x1FC5;
	[bflag:$0x0] =	sbarrier.arrive $0xFFFF  }
0xbc: {  	[hbm:s18], [sflag:s5] =	dma.local @p0 [spmem:s25], $0xC80  }
0xbd: {  	s5 =	simm.s32 @p0 $0x5  }
0xbe: {  	s3 =	sadd.s32 $0x1, s3;
	s6 =	stileid.u32;
	_ =	swait.ge @p0 [sflag:s5], $0xC80  }
0xbf: {  	p1 =	sne.s32 s3, s19;
	s6 =	sshll.u32 @!p0 s6, $0x6;
	[sflag:s5] =	ssyncset.done @p0 $0x0  }
0xc0: {  	[sflag:s5] =	ssyncadd.s32 @p0 $0xFFFFF380;
	s5 =	sor.u32 @!p0 $0x1C05, s6;
	s6 =	sshrl.u32 @!p0 s4, $0x3  }
0xc1: {  	[hbm:s17], [sflag:s5] =	dma.local @!p0 [spmem:s6], $0x1400  }
.Ltmp2:
0xc2: {  	_ = 	snop;
	(pc) =	sbr.rel @p1 .LBB2_1-.Ltmp2, $4  }
0xc3: {  	s5 =	simm.s32 @!p0 $0x5  }
0xc4: {  	_ =	swait.ge @!p0 [sflag:s5], $0x1400  }
0xc5: {  	[sflag:s5] =	ssyncset.done @!p0 $0x0  }
0xc6: {  	[sflag:s5] =	ssyncadd.s32 @!p0 $0xFFFFEC00  }
0xc7: {  	_ =	sfence.sel $0x180000  }
0xc8: {  	[bflag:$0x0] =	sbarrier.arrive $0xFFFF  }
0xc9: {  	_ =	strace $0x90000047  }
0xca: {  	s0 =	stileid.u32;
	[bflag:$0x2] =	sbarrier.arrive $0xFFFF  }
0xcb: {  	p0 =	sne.s32 s0, $0x0;
	s0 =	rddreg [dreg:$0x2]  }
0xcc: {  	s0 =	sadd.s32 @!p0 $0x100000, s0  }
0xcd: {  	[sflag:s0] =	ssyncadd.tile.s32 @!p0 $0x1;
	_ =	shalt  }
.Lfunc_end2:
_tile_overlayer_lowered:
.L_overlay_start_2:
0xce: {  	(tag) =	ssettag $0x2  }
0xcf: {  	s0 =	rddreg [dreg:$0x0];
	s2 =	stileid.u32  }
0xd0: {  	s1 =	rddreg [dreg:$0x1];
	p0 =	sne.s32 s2, $0x0  }
0xd1: {  	s3 =	rddreg [dreg:$0x2];
	[bflag:$0x3] =	sbarrier.arrive $0xFFFF;
	s2 =	simm.s32 @!p0 $0x1C05  }
0xd2: {  	[timem:s3], [sflag:s2] =	dma.local @!p0 [hbm:s0], s1  }
0xd3: {  	s0 =	simm.s32 @!p0 $0x5  }
0xd4: {  	_ =	swait.ge @!p0 [sflag:s0], s1  }
0xd5: {  	s1 =	ssub.s32 @!p0 $0x0, s1;
	[sflag:s0] =	ssyncset.done @!p0 $0x0  }
0xd6: {  	[sflag:s0] =	ssyncadd.s32 @!p0 s1  }
0xd7: {  	[bflag:$0x3] =	sbarrier.arrive $0xFFFF  }
0xd8: {  	_ =	shalt  }

// kernel: kernel.9.cloned.1.call-start
scs
__scs_entry_jumppad:
0x0: {  	(pc) =	sbr.rel $0x88, $3  }
0x1: {  	(tag) =	ssettag $0x0;
	lr =	simm.s32 $0x1  }
0x2: {  	[smem:$0x3F90] =	sst lr;
	_ =	strace $0xD0000000  }
0x3: {  	_ = 	snop  }
0x4: {  	_ = 	snop  }
0x5: {  	_ = 	snop  }
0x6: {  	_ = 	snop  }
0x7: {  	_ = 	snop  }
__scs_overlays_trampoline_lowered:
0x8: {  	[smem:$0x3F9F] =	sst s0  }
0x9: {  	[smem:$0x3FA0] =	sst s1  }
0xa: {  	[smem:$0x3FA1] =	sst s2  }
0xb: {  	[smem:$0x3FA2] =	sst s3  }
0xc: {  	[smem:$0x3FA3] =	sst s4  }
0xd: {  	[smem:$0x3FA4] =	sst s5  }
0xe: {  	[smem:$0x3FA5] =	sst s6  }
0xf: {  	[smem:$0x3FA6] =	sst s7  }
0x10: {  	[smem:$0x3FA7] =	sst s8  }
0x11: {  	[smem:$0x3FA8] =	sst s9;
	s0 =	simm.s32 @!p0 $0x0  }
0x12: {  	s1 =	sld [smem:$0x3F8E];
	s0 =	simm.s32 @p0 $0x1  }
0x13: {  	[smem:$0x3FA9] =	sst s0;
	s0 =	simm.s32 @!p1 $0x0  }
0x14: {  	s2 =	sld [smem:$0x3F8D];
	s0 =	simm.s32 @p1 $0x1  }
0x15: {  	[smem:$0x3FAA] =	sst s0;
	s0 =	simm.s32 @!p2 $0x0  }
0x16: {  	s3 =	sld [smem:$0x3FDB];
	s0 =	simm.s32 @p2 $0x1  }
0x17: {  	s4 =	simm.s32 $0x1BF5;
	[smem:$0x3FAC] =	sst s0  }
0x18: {  	s0 =	sld [smem:$0x3F8F];
	_ =	swait.ge [sflag:s4], $0x0  }
0x19: {  	s7 =	sld [smem:$0x3F90]  }
0x1a: {  	s8 =	sadd.s32 $0xFFFFE003, lr  }
0x1b: {  	s9 =	sadd.s32 $0xFFFFFEF7, lr;
	s5 =	simm.s32 $0xFFFFFFFF;
	p2 =	slt.u32 s8, $0xFFFFF086  }
0x1c: {  	p1 =	slt.u32 s9, $0xF7A;
	s5 =	simm.s32 @!p2 $0x0  }
0x1d: {  	s5 =	simm.s32 @p1 $0x1;
	p0 =	seq.s32 s7, s2  }
0x1e: {  	s7 =	smul.u32 @!p0 $0xF7A, s2;
	p2 =	seq.s32 @!p0 s5, $0x0  }
0x1f: {  	s9 =	smul.u32 $0xF7A, s1;
	s8 =	simm.s32 @!p0 $0x1BF5;
	p2 =	por !p2, p0  }
0x20: {  	[sflag:s8] =	ssyncset.s32 @!p0 $0xFFFFF086;
	s6 =	sadd.s32 @!p0 s3, s7;
	s7 =	simm.s32 @!p0 $0x108  }
0x21: {  	s3 =	sadd.s32 s3, s9;
	s6 =	sadd.s32 @!p0 $0x88, s6;
	s7 =	simm.s32 @p2 $0x1082  }
0x22: {  	[simem:s7], [sflag:s8] =	dma.local @!p0 [hbm:s6], $0xF7A  }
0x23: {  	s9 =	sor.u32 $0xD0000000, s2;
	s6 =	simm.s32 $0x108;
	_ =	swait.ge @!p0 [sflag:s8], $0x0  }
0x24: {  	s3 =	sadd.s32 $0x88, s3;
	s6 =	simm.s32 @!p1 $0x1082;
	[sflag:s4] =	ssyncset.s32 $0xFFFFF086  }
0x25: {  	[simem:s6], [sflag:s4] =	dma.local [hbm:s3], $0xF7A  }
0x26: {  	[smem:$0x3F90] =	sst s1;
	(tag) =	ssettag s2;
	_ =	strace s9  }
0x27: {  	s1 =	sld [smem:$0x3FA0]  }
0x28: {  	s2 =	sld [smem:$0x3FA1]  }
0x29: {  	s4 =	sld [smem:$0x3FA3]  }
0x2a: {  	p0 =	seq.s32 s5, $0x0;
	s5 =	sld [smem:$0x3FA4]  }
0x2b: {  	s6 =	sld [smem:$0x3FA5]  }
0x2c: {  	s7 =	sld [smem:$0x3FA6]  }
0x2d: {  	s3 =	simm.s32 $0x108;
	s8 =	sld [smem:$0x3FA7]  }
0x2e: {  	s3 =	simm.s32 @!p0 $0x1082;
	s9 =	sld [smem:$0x3FA8]  }
0x2f: {  	lr =	sadd.s32 s0, s3;
	s0 =	sld [smem:$0x3F9F]  }
0x30: {  	s3 =	sld [smem:$0x3FA2]  }
0x31: {  	[smem:$0x3FAB] =	sst s10  }
0x32: {  	s10 =	sld [smem:$0x3FA9];
	_ =	sdelay $0x3  }
0x33: {  	p0 =	seq.s32 s10, $0x1;
	s10 =	sld [smem:$0x3FAB];
	_ =	sdelay $0x3  }
0x34: {  	[smem:$0x3FAB] =	sst s10  }
0x35: {  	s10 =	sld [smem:$0x3FAA];
	_ =	sdelay $0x3  }
0x36: {  	p1 =	seq.s32 s10, $0x1;
	s10 =	sld [smem:$0x3FAB];
	_ =	sdelay $0x3  }
0x37: {  	[smem:$0x3FAB] =	sst s10  }
0x38: {  	s10 =	sld [smem:$0x3FAC]  }
0x39: {  	_ = 	snop;
	(pc) =	sbr.ind lr, $3  }
0x3a: {  	_ = 	snop  }
0x3b: {  	_ = 	snop  }
0x3c: {  	p2 =	seq.s32 s10, $0x1;
	s10 =	sld [smem:$0x3FAB]  }
0x3d: {  	_ =	shalt  }
0x3e: {  	_ =	shalt  }
0x3f: {  	_ =	shalt  }
0x40: {  	_ =	shalt  }
0x41: {  	_ =	shalt  }
0x42: {  	_ =	shalt  }
0x43: {  	_ =	shalt  }
0x44: {  	_ =	shalt  }
0x45: {  	_ =	shalt  }
0x46: {  	_ =	shalt  }
0x47: {  	_ =	shalt  }
0x48: {  	_ =	shalt  }
0x49: {  	_ =	shalt  }
0x4a: {  	_ =	shalt  }
0x4b: {  	_ =	shalt  }
0x4c: {  	_ =	shalt  }
0x4d: {  	_ =	shalt  }
0x4e: {  	_ =	shalt  }
0x4f: {  	_ =	shalt  }
0x50: {  	_ =	shalt  }
0x51: {  	_ =	shalt  }
0x52: {  	_ =	shalt  }
0x53: {  	_ =	shalt  }
0x54: {  	_ =	shalt  }
0x55: {  	_ =	shalt  }
0x56: {  	_ =	shalt  }
0x57: {  	_ =	shalt  }
0x58: {  	_ =	shalt  }
0x59: {  	_ =	shalt  }
0x5a: {  	_ =	shalt  }
0x5b: {  	_ =	shalt  }
0x5c: {  	_ =	shalt  }
0x5d: {  	_ =	shalt  }
0x5e: {  	_ =	shalt  }
0x5f: {  	_ =	shalt  }
0x60: {  	_ =	shalt  }
0x61: {  	_ =	shalt  }
0x62: {  	_ =	shalt  }
0x63: {  	_ =	shalt  }
0x64: {  	_ =	shalt  }
0x65: {  	_ =	shalt  }
0x66: {  	_ =	shalt  }
0x67: {  	_ =	shalt  }
0x68: {  	_ =	shalt  }
0x69: {  	_ =	shalt  }
0x6a: {  	_ =	shalt  }
0x6b: {  	_ =	shalt  }
0x6c: {  	_ =	shalt  }
0x6d: {  	_ =	shalt  }
0x6e: {  	_ =	shalt  }
0x6f: {  	_ =	shalt  }
0x70: {  	_ =	shalt  }
0x71: {  	_ =	shalt  }
0x72: {  	_ =	shalt  }
0x73: {  	_ =	shalt  }
0x74: {  	_ =	shalt  }
0x75: {  	_ =	shalt  }
0x76: {  	_ =	shalt  }
0x77: {  	_ =	shalt  }
0x78: {  	_ =	shalt  }
0x79: {  	_ =	shalt  }
0x7a: {  	_ =	shalt  }
0x7b: {  	_ =	shalt  }
0x7c: {  	_ =	shalt  }
0x7d: {  	_ =	shalt  }
0x7e: {  	_ =	shalt  }
0x7f: {  	_ =	shalt  }
0x80: {  	_ =	shalt  }
0x81: {  	_ =	shalt  }
0x82: {  	_ =	shalt  }
0x83: {  	_ =	shalt  }
0x84: {  	_ =	shalt  }
0x85: {  	_ =	shalt  }
0x86: {  	_ =	shalt  }
0x87: {  	_ =	shalt  }
.Lfunc_end0:
.L_simem_size_0:
called_computation.1_lowered:
.L_overlay_start_0:
0x88: {  	s2 =	sld [smem:$0x3FD9]  }
0x89: {  	s3 =	sld [smem:$0x3FFE];
	_ =	sdelay $0x1  }
0x8a: {  	s1 =	srdreg.scid  }
0x8b: {  	s0 =	sand.u32 $0x1, s1  }
0x8c: {  	s16 =	sshll.u32 s0, $0xA;
	s2 =	sadd.s32 s3, s2  }
0x8d: {  	s2 =	sadd.s32 s2, s16  }
0x8e: {  	[smem:$0x3FB7] =	sst s2  }
0x8f: {  	_ = 	snop  }
0x90: {  	(tm) =	ssettm $0x1  }
0x91: {  	s17 =	sld [smem:$0x3FFB];
	_ =	sdelay $0x3  }
0x92: {  	_ =	strace s17  }
0x93: {  	s2 =	sld [smem:$0x3FFC];
	_ =	sdelay $0x3  }
0x94: {  	_ =	strace s2  }
0x95: {  	s2 =	sld [smem:$0x3FFD];
	_ =	sdelay $0x3  }
0x96: {  	_ =	strace s2  }
0x97: {  	_ =	strace $0x8FFFFFFF  }
0x98: {  	s18 =	sld [smem:$0x3FDB];
	_ =	sdelay $0x1  }
0x99: {  	s19 =	simm.s32 $_scs_section_size  }
0x9a: {  	s4 =	simm.s32 $_size__tile_overlayer_lowered;
	s5 =	simm.s32 $_tile_overlayer_lowered  }
0x9b: {  	s22 =	simm.s32 $0x1BFF;
	s21 =	sshll.u32 s5, $0x1;
	s2 =	sadd.s32 s19, s18  }
0x9c: {  	s6 =	simm.s32 $0x0;
	s20 =	sshll.u32 s4, $0x1;
	s4 =	sadd.s32 s21, s2  }
0x9d: {  	[timem:s6], [sflag:s22] =	dma.local [hbm:s4], s20  }
0x9e: {  	_ =	swait.ge [sflag:s22], s20  }
0x9f: {  	s3 =	ssub.s32 $0x0, s20;
	[sflag:s22] =	ssyncset.done $0x0  }
0xa0: {  	[sflag:s22] =	ssyncadd.s32 s3;
	_ =	sdelay $0x1  }
0xa1: {  	s23 =	simm.s32 $0x1B8B  }
0xa2: {  	_ =	swait.ge [sflag:s23], $0x1  }
0xa3: {  	[sflag:s23] =	ssyncset.done $0x0  }
0xa4: {  	s25 =	simm.s32 $0x1B8E;
	s24 =	sld [smem:$0x3FFE];
	[sflag:s23] =	ssyncadd.s32 $0xFFFFFFFF  }
0xa5: {  	s26 =	simm.s32 $execute0_lowered;
	[smem:$0x3FD2] =	sst s25  }
0xa6: {  	s4 =	sshll.u32 s26, $0x1;
	_ =	strace $0x80000049;
	[dreg:$0x1] =	wrdreg $0xFFFFFFFF  }
0xa7: {  	s28 =	simm.s32 $_size_execute0_lowered;
	s2 =	sadd.s32 s2, s4;
	[dreg:$0x0] =	wrdreg $0x0  }
0xa8: {  	s4 =	sshll.u32 s28, $0x1;
	[dreg:$0x2] =	wrdreg s2  }
0xa9: {  	[dreg:$0x3] =	wrdreg s4  }
0xaa: {  	[dreg:$0x4] =	wrdreg $0xC0  }
0xab: {  	_ =	task [dreg:s6], $0x5FFFF  }
0xac: {  	[dreg:$0x1] =	wrdreg $0xFFFFFFFF  }
0xad: {  	[dreg:$0x0] =	wrdreg $0x60  }
0xae: {  	[dreg:$0x2] =	wrdreg s24  }
0xaf: {  	[dreg:$0x3] =	wrdreg $0x12D000  }
0xb0: {  	[dreg:$0x4] =	wrdreg $0x9  }
0xb1: {  	_ =	task.clear_ibuf [dreg:s6], $0x5FFFF;
	_ =	strace $0x90000049  }
0xb2: {  	s29 =	simm.s32 $0x9;
	_ =	strace $0x8000004B  }
0xb3: {  	_ =	swait.ge [sflag:s29], $0x1  }
0xb4: {  	[sflag:s29] =	ssyncadd.s32 $0xFFFFFFFF  }
0xb5: {  	_ =	strace $0x9000004B  }
0xb6: {  	_ =	sfence  }
0xb7: {  	s30 =	sld [smem:$0x0];
	_ =	sdelay $0x2  }
0xb8: {  	s31 =	sshll.u32 s1, $0xD;
	s1 =	sshrl.u32 s1, $0x2  }
0xb9: {  	s3 =	sand.u32 $0x4000, s31;
	s1 =	sadd.s32 s1, s30  }
0xba: {  	s0 =	sor.u32 s3, s0;
	s1 =	sshll.u32 s1, $0x11  }
0xbb: {  	s0 =	sor.u32 s1, s0  }
0xbc: {  	s0 =	sadd.s32 $0x8F2B, s0  }
0xbd: {  	[sflag:s0] =	ssyncadd.remote.s32 $0x1  }
0xbe: {  	_ =	sfence.sel $0xFFFF  }
0xbf: {  	[dreg:$0x0] =	wrdreg $0xFFFFFFFF;
	(pc) =	sbr.abs _section_cstart, $3  }
0xc0: {  	[dreg:$0x1] =	wrdreg $0xFFFFFFFF  }
0xc1: {  	_ =	task.clear_ibuf [dreg:s6], $0x2FFFF;
	_ =	strace $0x9FFFFFFF  }
0xc2: {  	(tm) =	ssettm $0x7FFFFFFF  }
0xc3: {  	_ =	shalt  }
tec
execute0_lowered:
.L_overlay_start_1:
0x0: {  	(tag) =	ssettag $0x1  }
0x1: {  	s0 =	rddreg [dreg:$0x0]  }
0x2: {  	s1 =	rddreg [dreg:$0x1]  }
0x3: {  	s2 =	srdreg.scid;
	s3 =	simm.s32 $0x0;
	s22 =	stileid.u32  }
0x4: {  	s20 =	simm.s32 $0x11D00;
	s21 =	simm.s32 $0x5;
	s23 =	simm.s32 $0x80  }
0x5: {  	s24 =	simm.s32 $0x9D00;
	s29 =	simm.s32 $0xDD00;
	s4 =	smul.u32 $0x9D0, s22  }
0x6: {  	s30 =	simm.s32 $0x1;
	s31 =	simm.s32 $0xFD00;
	s6 =	smul.u32 $0x28000, s22  }
0x7: {  	s2 =	sand.u32 $0x1, s2;
	[smem:$0x7FF] =	sst s3;
	s18 =	smul.u32 $0xA000, s22  }
0x8: {  	p0 =	seq.s32 s22, $0xF;
	s22 =	simm.s32 $0x3;
	s5 =	smul.u32 $0x9C400, s2  }
0x9: {  	_ =	strace $0x8000004A;
	s2 =	ssub.s32 $0x2, s2;
	s15 =	sadd.s32 s4, s0  }
0xa: {  	s25 =	sshrl.u32 s2, $0x1;
	s6 =	sshrl.u32 s6, $0x2;
	s4 =	sadd.s32 s18, s1  }
0xb: {  	s16 =	sshrl.u32 s5, $0x3;
	s2 =	ssub.s32 s2, s25;
	s13 =	sadd.s32 s6, s1  }
0xc: {  	s14 =	sadd.s32 $0x7FC00, s15;
	s5 =	sadd.s32 s18, s5;
	s15 =	sadd.s32 $0x75E00, s15  }
0xd: {  	s17 =	sadd.s32 s16, s0;
	s0 =	sadd.s32 $0x27C00, s0;
	s6 =	sadd.s32 $0x1000, s13  }
0xe: {  	s26 =	sadd.s32 $0x2000, s13;
	s7 =	sadd.s32 $0x3000, s13;
	s8 =	sadd.s32 $0x4000, s13  }
0xf: {  	s9 =	sadd.s32 $0x5000, s13;
	s10 =	sadd.s32 $0x6000, s13;
	s11 =	sadd.s32 $0x7000, s13  }
0x10: {  	s12 =	sadd.s32 $0x8000, s13;
	s13 =	sadd.s32 $0x9000, s13;
	s5 =	sshrl.u32 s5, $0x3  }
0x11: {  	s19 =	smax.u32 s2, $0x1;
	s2 =	simm.s32 $0x4;
	[dreg:$0x3] =	wrdreg s6  }
0x12: {  	[dreg:$0x4] =	wrdreg s26;
	s28 =	sadd.s32 s0, s16;
	s16 =	sadd.s32 $0xA00, s17  }
0x13: {  	s17 =	sadd.s32 s0, s5;
	s0 =	sadd.s32 $0x96000, s1;
	s26 =	simm.s32 $0xBD00  }
0x14: {  	v0 =	vimm.f32 $0.0e+00;
	s18 =	sadd.s32 $0x12C00, s28;
	s25 =	sshrl.u32 @p0 s0, $0x3;
	s0 =	simm.s32 $0x2  }
.LBB2_1:
0x15: {  	s28 =	simm.s32 $0x100;
	s5 =	simm.s32 $0x0  }
.LBB2_2:
0x16: {  	p1 =	sne.s32 s28, $0x3F00;
	[tilespmem:s5+$0x11D30] =	vst v0;
	s6 =	smov.u32 s28;
	s28 =	sadd.s32 $0x100, s28  }
.Ltmp0:
0x17: {  	[tilespmem:s5+$0x11D20] =	vst v0;
	(pc) =	sbr.rel @p1 .LBB2_2-.Ltmp0, $3  }
0x18: {  	[tilespmem:s5+$0x11D00] =	vst v0  }
0x19: {  	[tilespmem:s5+$0x11D10] =	vst v0;
	_ =	sdelay $0x1  }
0x1a: {  	s5 =	sshra.s32 s6, $0x2  }
0x1b: {  	[tilespmem:s5+$0x11D30] =	vst v0  }
0x1c: {  	[tilespmem:s5+$0x11D20] =	vst v0  }
0x1d: {  	[tilespmem:s5+$0x11D00] =	vst v0  }
0x1e: {  	[tilespmem:s5+$0x11D10] =	vst v0  }
0x1f: {  	[spmem:s4] =	stream.linear.scatter [tilespmem:s20], [sflag:$0x5], $0x1000, $0x38;
	[tilespmem:$0x1CD00] =	vst v63  }
0x20: {  	_ =	swait.ge [sflag:s21], $0x1000  }
0x21: {  	[sflag:s21] =	ssyncset.done $0x0  }
0x22: {  	s6 =	rddreg [dreg:$0x3];
	[sflag:s21] =	ssyncadd.s32 $0xFFFFF000  }
0x23: {  	[spmem:s6] =	stream.linear.scatter [tilespmem:s20], [sflag:$0x5], $0x1000, $0x38;
	[tilespmem:$0x1CD00] =	vst v63  }
0x24: {  	_ =	swait.ge [sflag:s21], $0x1000  }
0x25: {  	[sflag:s21] =	ssyncset.done $0x0  }
0x26: {  	s6 =	rddreg [dreg:$0x4];
	[sflag:s21] =	ssyncadd.s32 $0xFFFFF000  }
0x27: {  	[spmem:s6] =	stream.linear.scatter [tilespmem:s20], [sflag:$0x5], $0x1000, $0x38;
	[tilespmem:$0x1CD00] =	vst v63  }
0x28: {  	_ =	swait.ge [sflag:s21], $0x1000  }
0x29: {  	[sflag:s21] =	ssyncset.done $0x0  }
0x2a: {  	[sflag:s21] =	ssyncadd.s32 $0xFFFFF000  }
0x2b: {  	[spmem:s7] =	stream.linear.scatter [tilespmem:s20], [sflag:$0x5], $0x1000, $0x38;
	[tilespmem:$0x1CD00] =	vst v63  }
0x2c: {  	_ =	swait.ge [sflag:s21], $0x1000  }
0x2d: {  	[sflag:s21] =	ssyncset.done $0x0  }
0x2e: {  	[sflag:s21] =	ssyncadd.s32 $0xFFFFF000  }
0x2f: {  	[spmem:s8] =	stream.linear.scatter [tilespmem:s20], [sflag:$0x5], $0x1000, $0x38;
	[tilespmem:$0x1CD00] =	vst v63  }
0x30: {  	_ =	swait.ge [sflag:s21], $0x1000  }
0x31: {  	[sflag:s21] =	ssyncset.done $0x0  }
0x32: {  	[sflag:s21] =	ssyncadd.s32 $0xFFFFF000  }
0x33: {  	[spmem:s9] =	stream.linear.scatter [tilespmem:s20], [sflag:$0x5], $0x1000, $0x38;
	[tilespmem:$0x1CD00] =	vst v63  }
0x34: {  	_ =	swait.ge [sflag:s21], $0x1000  }
0x35: {  	[sflag:s21] =	ssyncset.done $0x0  }
0x36: {  	[sflag:s21] =	ssyncadd.s32 $0xFFFFF000  }
0x37: {  	[spmem:s10] =	stream.linear.scatter [tilespmem:s20], [sflag:$0x5], $0x1000, $0x38;
	[tilespmem:$0x1CD00] =	vst v63  }
0x38: {  	_ =	swait.ge [sflag:s21], $0x1000  }
0x39: {  	[sflag:s21] =	ssyncset.done $0x0  }
0x3a: {  	[sflag:s21] =	ssyncadd.s32 $0xFFFFF000  }
0x3b: {  	[spmem:s11] =	stream.linear.scatter [tilespmem:s20], [sflag:$0x5], $0x1000, $0x38;
	[tilespmem:$0x1CD00] =	vst v63  }
0x3c: {  	_ =	swait.ge [sflag:s21], $0x1000  }
0x3d: {  	[sflag:s21] =	ssyncset.done $0x0  }
0x3e: {  	[sflag:s21] =	ssyncadd.s32 $0xFFFFF000  }
0x3f: {  	[spmem:s12] =	stream.linear.scatter [tilespmem:s20], [sflag:$0x5], $0x1000, $0x38;
	[tilespmem:$0x1CD00] =	vst v63  }
0x40: {  	_ =	swait.ge [sflag:s21], $0x1000  }
0x41: {  	[sflag:s21] =	ssyncset.done $0x0  }
0x42: {  	[sflag:s21] =	ssyncadd.s32 $0xFFFFF000  }
0x43: {  	[spmem:s13] =	stream.linear.scatter [tilespmem:s20], [sflag:$0x5], $0x1000, $0x38;
	[tilespmem:$0x1CD00] =	vst v63  }
0x44: {  	_ =	swait.ge [sflag:s21], $0x1000  }
0x45: {  	[sflag:s21] =	ssyncset.done $0x0  }
0x46: {  	s5 =	simm.s32 $0x0;
	[sflag:s21] =	ssyncadd.s32 $0xFFFFF000  }
0x47: {  	[tilespmem:s5], [sflag:$0x5] =	stream.linear.gather [hbm4b:s14+s5], $0x4E80, $0x38;
	[tilespmem:$0x1CD00] =	vst v63  }
0x48: {  	_ =	swait.ge [sflag:s21], $0x4E80  }
0x49: {  	[sflag:s21] =	ssyncset.done $0x0  }
0x4a: {  	s6 =	simm.s32 $0x4E80;
	[sflag:s21] =	ssyncadd.s32 $0xFFFFB180  }
0x4b: {  	[tilespmem:s6], [sflag:$0x5] =	stream.linear.gather [hbm4b:s15+s5], $0x4E80, $0x38;
	[tilespmem:$0x1CD00] =	vst v63  }
0x4c: {  	_ =	swait.ge [sflag:s21], $0x4E80  }
0x4d: {  	[sflag:s21] =	ssyncset.done $0x0  }
0x4e: {  	[sflag:s21] =	ssyncadd.s32 $0xFFFFB180  }
0x4f: {  	[bflag:$0x0] =	sbarrier.arrive $0xFFFF  }
0x50: {  	[tilespmem:s24], [sflag:$0x1] =	stream.indirect.gather [hbm4b:s16+s23], $0x40, s5, s23, $0xb8;
	[tilespmem:$0x1CD00] =	vst v63  }
0x51: {  	_ = 	snop  }
0x52: {  	[tilespmem:s26], [sflag:$0x2] =	stream.indirect.gather [hbm4b:s16+s23], $0x40, s23, s23, $0xb8;
	[tilespmem:$0x1CD00] =	vst v63  }
0x53: {  	s6 =	simm.s32 $0x100  }
0x54: {  	[tilespmem:s29], [sflag:$0x3] =	stream.indirect.gather [hbm4b:s16+s23], $0x40, s6, s23, $0xb8;
	[tilespmem:$0x1CD00] =	vst v63  }
0x55: {  	_ =	swait.ge [sflag:s30], $0x2000  }
0x56: {  	[sflag:s30] =	ssyncset.done $0x0  }
0x57: {  	s6 =	simm.s32 $0x4E80;
	[sflag:s30] =	ssyncadd.s32 $0xFFFFE000  }
0x58: {  	[spmem:s1] =	stream.indirect.scatter.add.f32 [tilespmem:s24], [sflag:$0x5], $0x40, s6, s23, $0xb8;
	[tilespmem:$0x1CD00] =	vst v63  }
0x59: {  	_ =	swait.ge [sflag:s21], $0x2000  }
0x5a: {  	[sflag:s21] =	ssyncset.done $0x0  }
0x5b: {  	s6 =	simm.s32 $0x180;
	[sflag:s21] =	ssyncadd.s32 $0xFFFFE000  }
0x5c: {  	[tilespmem:s31], [sflag:$0x4] =	stream.indirect.gather [hbm4b:s16+s23], $0x40, s6, s23, $0xb8;
	[tilespmem:$0x1CD00] =	vst v63  }
0x5d: {  	_ =	swait.ge [sflag:s0], $0x2000  }
0x5e: {  	[sflag:s0] =	ssyncset.done $0x0  }
0x5f: {  	s6 =	simm.s32 $0x4F00;
	[sflag:s0] =	ssyncadd.s32 $0xFFFFE000  }
0x60: {  	[spmem:s1] =	stream.indirect.scatter.add.f32 [tilespmem:s26], [sflag:$0x5], $0x40, s6, s23, $0xb8;
	[tilespmem:$0x1CD00] =	vst v63  }
0x61: {  	_ =	swait.ge [sflag:s21], $0x2000  }
0x62: {  	[sflag:s21] =	ssyncset.done $0x0  }
0x63: {  	s6 =	simm.s32 $0x200;
	[sflag:s21] =	ssyncadd.s32 $0xFFFFE000  }
0x64: {  	[tilespmem:s24], [sflag:$0x1] =	stream.indirect.gather [hbm4b:s16+s23], $0x40, s6, s23, $0xb8;
	[tilespmem:$0x1CD00] =	vst v63  }
0x65: {  	_ =	swait.ge [sflag:s22], $0x2000  }
0x66: {  	[sflag:s22] =	ssyncset.done $0x0  }
0x67: {  	s6 =	simm.s32 $0x4F80;
	[sflag:s22] =	ssyncadd.s32 $0xFFFFE000  }
0x68: {  	[spmem:s1] =	stream.indirect.scatter.add.f32 [tilespmem:s29], [sflag:$0x5], $0x40, s6, s23, $0xb8;
	[tilespmem:$0x1CD00] =	vst v63  }
0x69: {  	_ =	swait.ge [sflag:s21], $0x2000  }
0x6a: {  	[sflag:s21] =	ssyncset.done $0x0  }
0x6b: {  	s6 =	simm.s32 $0x280;
	[sflag:s21] =	ssyncadd.s32 $0xFFFFE000  }
0x6c: {  	[tilespmem:s26], [sflag:$0x2] =	stream.indirect.gather [hbm4b:s16+s23], $0x40, s6, s23, $0xb8;
	[tilespmem:$0x1CD00] =	vst v63  }
0x6d: {  	_ =	swait.ge [sflag:s2], $0x2000  }
0x6e: {  	[sflag:s2] =	ssyncset.done $0x0  }
0x6f: {  	s6 =	simm.s32 $0x5000;
	[sflag:s2] =	ssyncadd.s32 $0xFFFFE000  }
0x70: {  	[spmem:s1] =	stream.indirect.scatter.add.f32 [tilespmem:s31], [sflag:$0x5], $0x40, s6, s23, $0xb8;
	[tilespmem:$0x1CD00] =	vst v63  }
0x71: {  	_ =	swait.ge [sflag:s21], $0x2000  }
0x72: {  	[sflag:s21] =	ssyncset.done $0x0  }
0x73: {  	s28 =	simm.s32 $0x800;
	s5 =	simm.s32 $0x300;
	[sflag:s21] =	ssyncadd.s32 $0xFFFFE000  }
.LBB2_4:
0x74: {  	[tilespmem:s29], [sflag:$0x3] =	stream.indirect.gather [hbm4b:s16+s23], $0x40, s5, s23, $0xb8;
	[tilespmem:$0x1CD00] =	vst v63  }
0x75: {  	s5 =	smov.u32 s28  }
0x76: {  	p1 =	sne.s32 s28, $0x12800;
	s28 =	sadd.s32 $0x800, s28;
	_ =	swait.ge [sflag:s30], $0x2000  }
0x77: {  	s5 =	sshra.s32 s5, $0x2;
	[sflag:s30] =	ssyncset.done $0x0  }
0x78: {  	s6 =	sadd.s32 $0x4E80, s5;
	[sflag:s30] =	ssyncadd.s32 $0xFFFFE000  }
0x79: {  	[spmem:s1] =	stream.indirect.scatter.add.f32 [tilespmem:s24], [sflag:$0x5], $0x40, s6, s23, $0xb8;
	[tilespmem:$0x1CD00] =	vst v63  }
0x7a: {  	_ =	swait.ge [sflag:s21], $0x2000  }
0x7b: {  	[sflag:s21] =	ssyncset.done $0x0  }
0x7c: {  	s6 =	sadd.s32 $0x180, s5;
	[sflag:s21] =	ssyncadd.s32 $0xFFFFE000  }
0x7d: {  	[tilespmem:s31], [sflag:$0x4] =	stream.indirect.gather [hbm4b:s16+s23], $0x40, s6, s23, $0xb8;
	[tilespmem:$0x1CD00] =	vst v63  }
0x7e: {  	_ =	swait.ge [sflag:s0], $0x2000  }
0x7f: {  	[sflag:s0] =	ssyncset.done $0x0  }
0x80: {  	s6 =	sadd.s32 $0x4F00, s5;
	[sflag:s0] =	ssyncadd.s32 $0xFFFFE000  }
0x81: {  	[spmem:s1] =	stream.indirect.scatter.add.f32 [tilespmem:s26], [sflag:$0x5], $0x40, s6, s23, $0xb8;
	[tilespmem:$0x1CD00] =	vst v63  }
0x82: {  	_ =	swait.ge [sflag:s21], $0x2000  }
0x83: {  	[sflag:s21] =	ssyncset.done $0x0  }
0x84: {  	s6 =	sadd.s32 $0x200, s5;
	[sflag:s21] =	ssyncadd.s32 $0xFFFFE000  }
0x85: {  	[tilespmem:s24], [sflag:$0x1] =	stream.indirect.gather [hbm4b:s16+s23], $0x40, s6, s23, $0xb8;
	[tilespmem:$0x1CD00] =	vst v63  }
0x86: {  	_ =	swait.ge [sflag:s22], $0x2000  }
0x87: {  	[sflag:s22] =	ssyncset.done $0x0  }
0x88: {  	s6 =	sadd.s32 $0x4F80, s5;
	[sflag:s22] =	ssyncadd.s32 $0xFFFFE000  }
0x89: {  	[spmem:s1] =	stream.indirect.scatter.add.f32 [tilespmem:s29], [sflag:$0x5], $0x40, s6, s23, $0xb8;
	[tilespmem:$0x1CD00] =	vst v63  }
0x8a: {  	_ =	swait.ge [sflag:s21], $0x2000  }
0x8b: {  	[sflag:s21] =	ssyncset.done $0x0  }
0x8c: {  	s6 =	sadd.s32 $0x280, s5;
	[sflag:s21] =	ssyncadd.s32 $0xFFFFE000  }
0x8d: {  	[tilespmem:s26], [sflag:$0x2] =	stream.indirect.gather [hbm4b:s16+s23], $0x40, s6, s23, $0xb8;
	[tilespmem:$0x1CD00] =	vst v63  }
0x8e: {  	_ =	swait.ge [sflag:s2], $0x2000  }
0x8f: {  	[sflag:s2] =	ssyncset.done $0x0  }
.Ltmp1:
0x90: {  	s6 =	sadd.s32 $0x5000, s5;
	[sflag:s2] =	ssyncadd.s32 $0xFFFFE000;
	(pc) =	sbr.rel @p1 .LBB2_4-.Ltmp1, $4  }
0x91: {  	[spmem:s1] =	stream.indirect.scatter.add.f32 [tilespmem:s31], [sflag:$0x5], $0x40, s6, s23, $0xb8;
	[tilespmem:$0x1CD00] =	vst v63  }
0x92: {  	_ =	swait.ge [sflag:s21], $0x2000  }
0x93: {  	[sflag:s21] =	ssyncset.done $0x0  }
0x94: {  	s5 =	sadd.s32 $0x300, s5;
	[sflag:s21] =	ssyncadd.s32 $0xFFFFE000  }
0x95: {  	[tilespmem:s29], [sflag:$0x3] =	stream.indirect.gather [hbm4b:s16+s23], $0x40, s5, s23, $0xb8;
	[tilespmem:$0x1CD00] =	vst v63  }
0x96: {  	_ =	swait.ge [sflag:s30], $0x2000  }
0x97: {  	[sflag:s30] =	ssyncset.done $0x0  }
0x98: {  	s28 =	simm.s32 $0x9A80;
	[sflag:s30] =	ssyncadd.s32 $0xFFFFE000  }
0x99: {  	[spmem:s1] =	stream.indirect.scatter.add.f32 [tilespmem:s24], [sflag:$0x5], $0x40, s28, s23, $0xb8;
	[tilespmem:$0x1CD00] =	vst v63  }
0x9a: {  	_ =	swait.ge [sflag:s21], $0x2000  }
0x9b: {  	[sflag:s21] =	ssyncset.done $0x0  }
0x9c: {  	s6 =	simm.s32 $0x4D80;
	[sflag:s21] =	ssyncadd.s32 $0xFFFFE000  }
0x9d: {  	[tilespmem:s31], [sflag:$0x4] =	stream.indirect.gather [hbm4b:s16+s23], $0x40, s6, s23, $0xb8;
	[tilespmem:$0x1CD00] =	vst v63  }
0x9e: {  	_ =	swait.ge [sflag:s0], $0x2000  }
0x9f: {  	[sflag:s0] =	ssyncset.done $0x0  }
0xa0: {  	s28 =	simm.s32 $0x9B00;
	[sflag:s0] =	ssyncadd.s32 $0xFFFFE000  }
0xa1: {  	[spmem:s1] =	stream.indirect.scatter.add.f32 [tilespmem:s26], [sflag:$0x5], $0x40, s28, s23, $0xb8;
	[tilespmem:$0x1CD00] =	vst v63  }
0xa2: {  	_ =	swait.ge [sflag:s21], $0x2000  }
0xa3: {  	[sflag:s21] =	ssyncset.done $0x0  }
0xa4: {  	s6 =	simm.s32 $0x4E00;
	[sflag:s21] =	ssyncadd.s32 $0xFFFFE000  }
0xa5: {  	[tilespmem:s24], [sflag:$0x1] =	stream.indirect.gather [hbm4b:s16+s23], $0x40, s6, s23, $0xb8;
	[tilespmem:$0x1CD00] =	vst v63  }
0xa6: {  	_ =	swait.ge [sflag:s22], $0x2000  }
0xa7: {  	[sflag:s22] =	ssyncset.done $0x0  }
0xa8: {  	s28 =	simm.s32 $0x9B80;
	[sflag:s22] =	ssyncadd.s32 $0xFFFFE000  }
0xa9: {  	[spmem:s1] =	stream.indirect.scatter.add.f32 [tilespmem:s29], [sflag:$0x5], $0x40, s28, s23, $0xb8;
	[tilespmem:$0x1CD00] =	vst v63  }
0xaa: {  	_ =	swait.ge [sflag:s21], $0x2000  }
0xab: {  	[sflag:s21] =	ssyncset.done $0x0  }
0xac: {  	[sflag:s21] =	ssyncadd.s32 $0xFFFFE000  }
0xad: {  	_ =	swait.ge [sflag:s2], $0x2000  }
0xae: {  	[sflag:s2] =	ssyncset.done $0x0  }
0xaf: {  	s6 =	simm.s32 $0x9C00;
	[sflag:s2] =	ssyncadd.s32 $0xFFFFE000  }
0xb0: {  	[spmem:s1] =	stream.indirect.scatter.add.f32 [tilespmem:s31], [sflag:$0x5], $0x40, s6, s23, $0xb8;
	[tilespmem:$0x1CD00] =	vst v63  }
0xb1: {  	_ =	swait.ge [sflag:s21], $0x2000  }
0xb2: {  	[sflag:s21] =	ssyncset.done $0x0  }
0xb3: {  	[sflag:s21] =	ssyncadd.s32 $0xFFFFE000  }
0xb4: {  	_ =	swait.ge [sflag:s30], $0x2000  }
0xb5: {  	[sflag:s30] =	ssyncset.done $0x0  }
0xb6: {  	s28 =	simm.s32 $0x9C80;
	[sflag:s30] =	ssyncadd.s32 $0xFFFFE000  }
0xb7: {  	[spmem:s1] =	stream.indirect.scatter.add.f32 [tilespmem:s24], [sflag:$0x5], $0x40, s28, s23, $0xb8;
	[tilespmem:$0x1CD00] =	vst v63  }
0xb8: {  	_ =	swait.ge [sflag:s21], $0x2000  }
0xb9: {  	[sflag:s21] =	ssyncset.done $0x0  }
0xba: {  	[sflag:s21] =	ssyncadd.s32 $0xFFFFE000  }
0xbb: {  	s5 =	simm.s32 @p0 $0x1FC5;
	[bflag:$0x0] =	sbarrier.arrive $0xFFFF  }
0xbc: {  	[hbm:s18], [sflag:s5] =	dma.local @p0 [spmem:s25], $0xC80  }
0xbd: {  	s5 =	simm.s32 @p0 $0x5  }
0xbe: {  	s3 =	sadd.s32 $0x1, s3;
	s6 =	stileid.u32;
	_ =	swait.ge @p0 [sflag:s5], $0xC80  }
0xbf: {  	p1 =	sne.s32 s3, s19;
	s6 =	sshll.u32 @!p0 s6, $0x6;
	[sflag:s5] =	ssyncset.done @p0 $0x0  }
0xc0: {  	[sflag:s5] =	ssyncadd.s32 @p0 $0xFFFFF380;
	s5 =	sor.u32 @!p0 $0x1C05, s6;
	s6 =	sshrl.u32 @!p0 s4, $0x3  }
0xc1: {  	[hbm:s17], [sflag:s5] =	dma.local @!p0 [spmem:s6], $0x1400  }
.Ltmp2:
0xc2: {  	_ = 	snop;
	(pc) =	sbr.rel @p1 .LBB2_1-.Ltmp2, $4  }
0xc3: {  	s5 =	simm.s32 @!p0 $0x5  }
0xc4: {  	_ =	swait.ge @!p0 [sflag:s5], $0x1400  }
0xc5: {  	[sflag:s5] =	ssyncset.done @!p0 $0x0  }
0xc6: {  	[sflag:s5] =	ssyncadd.s32 @!p0 $0xFFFFEC00  }
0xc7: {  	_ =	sfence.sel $0x180000  }
0xc8: {  	[bflag:$0x0] =	sbarrier.arrive $0xFFFF  }
0xc9: {  	_ =	strace $0x9000004A  }
0xca: {  	s0 =	stileid.u32;
	[bflag:$0x2] =	sbarrier.arrive $0xFFFF  }
0xcb: {  	p0 =	sne.s32 s0, $0x0;
	s0 =	rddreg [dreg:$0x2]  }
0xcc: {  	s0 =	sadd.s32 @!p0 $0x100000, s0  }
0xcd: {  	[sflag:s0] =	ssyncadd.tile.s32 @!p0 $0x1;
	_ =	shalt  }
.Lfunc_end2:
_tile_overlayer_lowered:
.L_overlay_start_2:
0xce: {  	(tag) =	ssettag $0x2  }
0xcf: {  	s0 =	rddreg [dreg:$0x0];
	s2 =	stileid.u32  }
0xd0: {  	s1 =	rddreg [dreg:$0x1];
	p0 =	sne.s32 s2, $0x0  }
0xd1: {  	s3 =	rddreg [dreg:$0x2];
	[bflag:$0x3] =	sbarrier.arrive $0xFFFF;
	s2 =	simm.s32 @!p0 $0x1C05  }
0xd2: {  	[timem:s3], [sflag:s2] =	dma.local @!p0 [hbm:s0], s1  }
0xd3: {  	s0 =	simm.s32 @!p0 $0x5  }
0xd4: {  	_ =	swait.ge @!p0 [sflag:s0], s1  }
0xd5: {  	s1 =	ssub.s32 @!p0 $0x0, s1;
	[sflag:s0] =	ssyncset.done @!p0 $0x0  }
0xd6: {  	[sflag:s0] =	ssyncadd.s32 @!p0 s1  }
0xd7: {  	[bflag:$0x3] =	sbarrier.arrive $0xFFFF  }
0xd8: {  	_ =	shalt  }

</sc_bundles>
